<compile_context>
chip_gen: v7x
topology: tpu7x:2x2x1
jax: 0.10.2.dev20260603
libtpu: 0.0.44.dev20260713+nightly
codegen_flags: <defaults>
</compile_context>

<pallas_src>
import functools

import jax
import jax.numpy as jnp
from jax import lax
from jax.experimental import pallas as pl
from jax.experimental.pallas import tpu as pltpu
from jax.experimental.pallas import tpu_sc as plsc

EMBED_DIM = 64
BLK = 128
LANES = 16
IBATCH = 16
PAIR = 2


def _make_gather(n_sent: int, seq: int, nw: int):
    nbh = n_sent // BLK
    n_t = seq * nbh // nw
    n_p = n_t // PAIR
    ib_p = IBATCH // PAIR
    assert (seq * nbh) % nw == 0 and n_p % 2 == 0 and n_p % ib_p == 0
    assert nbh % IBATCH == 0

    mesh = plsc.VectorSubcoreMesh(core_axis_name="c", subcore_axis_name="s")

    @functools.partial(
        pl.kernel,
        mesh=mesh,
        out_type=jax.ShapeDtypeStruct((seq, EMBED_DIM // 8, nbh, 8, BLK),
                                      jnp.float32),
        scratch_types=[
            pltpu.VMEM((2, IBATCH, BLK), jnp.int32),
            pltpu.VMEM((2, PAIR, BLK, EMBED_DIM), jnp.float32),
            pltpu.VMEM((PAIR, EMBED_DIM // 8, 8, BLK + 1), jnp.float32),
            pltpu.SemaphoreType.DMA,
            pltpu.SemaphoreType.DMA,
            pltpu.SemaphoreType.DMA,
            pltpu.SemaphoreType.DMA,
            pltpu.SemaphoreType.DMA,
            pltpu.SemaphoreType.DMA,
        ],
        compiler_params=pltpu.CompilerParams(use_tc_tiling_on_sc=False,
                                             needs_layout_passes=False),
    )
    def k(table_hbm, idx_hbm, out_hbm, idxbuf, rowbuf, tbuf,
          sg0, sg1, so0, so1, si0, si1):
        nc = 2
        wid = lax.axis_index("s") * nc + lax.axis_index("c")
        p0 = wid * n_p
        sg = (sg0, sg1)
        so = (so0, so1)
        si = (si0, si1)
        iota = lax.iota(jnp.int32, LANES)

        eh_vecs = [(iota + e0) // 8 for e0 in range(0, EMBED_DIM, LANES)]
        el_vecs = [(iota + e0) % 8 for e0 in range(0, EMBED_DIM, LANES)]

        def idx_copy(kb, slot):
            tt = (p0 + kb * ib_p) * PAIR
            return pltpu.make_async_copy(
                idx_hbm.at[tt // nbh, pl.ds(tt % nbh, IBATCH)],
                idxbuf.at[slot], si[slot])

        def fire(p, slot):
            rel = p - p0
            gslot = (rel // ib_p) % 2
            kk = (rel % ib_p) * PAIR
            for h in range(PAIR):
                pltpu.async_copy(table_hbm.at[idxbuf.at[gslot, kk + h]],
                                 rowbuf.at[slot, h], sg[slot])

        def drain(p, slot):
            rel = p - p0
            gslot = (rel // ib_p) % 2
            kk = (rel % ib_p) * PAIR
            for h in range(PAIR):
                pltpu.make_async_copy(table_hbm.at[idxbuf.at[gslot, kk + h]],
                                      rowbuf.at[slot, h], sg[slot]).wait()

        def prefetch(p):
            rel = p - p0
            kb_l = rel // ib_p + 1
            cond_l = (rel % ib_p == 0) & (rel + ib_p < n_p)
            kb_w = (rel + 1) // ib_p
            cond_w = ((rel + 1) % ib_p == 0) & (rel + 1 < n_p)
            for par in (0, 1):
                @pl.when(cond_l & (kb_l % 2 == par))
                def _(kb=kb_l, par=par):
                    tt = (p0 + kb * ib_p) * PAIR
                    pltpu.async_copy(
                        idx_hbm.at[tt // nbh, pl.ds(tt % nbh, IBATCH)],
                        idxbuf.at[par], si[par])

                @pl.when(cond_w & (kb_w % 2 == par))
                def _(kb=kb_w, par=par):
                    idx_copy(kb, par).wait()

        def transpose(slot, h):
            dst = tbuf.at[h]
            nj = EMBED_DIM // LANES

            def loads(b):
                return tuple(rowbuf[slot, h, b, pl.ds(j * LANES, LANES)]
                             for j in range(nj))

            def tr_body(b, carry):
                vecs, b_vec = carry
                nxt = loads(b + 1)
                for j in range(nj):
                    plsc.store_scatter(dst, [eh_vecs[j], el_vecs[j], b_vec],
                                       vecs[j])
                return nxt, b_vec + 1

            zero = jnp.zeros((LANES,), dtype=jnp.int32)
            last, b_vec = lax.fori_loop(0, BLK - 1, tr_body, (loads(0), zero))
            for j in range(nj):
                plsc.store_scatter(dst, [eh_vecs[j], el_vecs[j], b_vec],
                                   last[j])

        def write_out(p, h):
            t = p * PAIR + h
            pltpu.async_copy(tbuf.at[h, :, :, pl.ds(0, BLK)],
                             out_hbm.at[t // nbh, :, t % nbh], so[h])

        def wait_write(p, h):
            t = p * PAIR + h
            pltpu.make_async_copy(tbuf.at[h, :, :, pl.ds(0, BLK)],
                                  out_hbm.at[t // nbh, :, t % nbh],
                                  so[h]).wait()

        pltpu.async_copy(
            idx_hbm.at[(p0 * PAIR) // nbh, pl.ds((p0 * PAIR) % nbh, IBATCH)],
            idxbuf.at[0], si[0])
        idx_copy(0, 0).wait()
        fire(p0, 0)

        def body(i, _):
            for slot in (0, 1):
                p = p0 + 2 * i + slot
                other = 1 - slot

                prefetch(p)
                if slot == 0:
                    fire(p + 1, other)
                else:
                    @pl.when(2 * i + slot + 1 < n_p)
                    def _():
                        fire(p + 1, other)
                drain(p, slot)
                for h in range(PAIR):
                    @pl.when(i + slot >= 1)
                    def _(h=h):
                        wait_write(p - 1, h)

                    transpose(slot, h)
                    write_out(p, h)
            return 0

        lax.fori_loop(0, n_p // 2, body, 0)
        for h in range(PAIR):
            wait_write(p0 + n_p - 1, h)

    return k


def kernel(table, input):
    n_sent, seq = input.shape
    idx_t = input.T.astype(jnp.int32).reshape(seq, n_sent // BLK, BLK)
    p5 = _make_gather(n_sent, seq, 32)(table, idx_t)
    return p5.transpose(2, 4, 0, 1, 3).reshape(n_sent, seq, EMBED_DIM)

# --- scband reference (transcript-rebuilt; emitter-appended) ---
"""Pipeline reference for scband-word-embedding-7576322310403 (READ-ONLY COPY).

The authoritative reference and input builder live on the scoring server;
editing this copy changes nothing except your own understanding.
"""

import jax, jax.numpy as jnp
import numpy as np

VOCAB = 1000000
EMBED_DIM = 64
PAD_IDX = 0

def setup_inputs(seed: int = 0) -> dict:
    key = jax.random.key(seed)
    k_idx, k_tab = jax.random.split(key)
    input = jax.random.randint(k_idx, (16384, 200), 0, VOCAB, dtype=jnp.int64)
    table = jax.random.normal(k_tab, (VOCAB, EMBED_DIM), dtype=jnp.float32) * 0.02
    # nn.Embedding forward does not zero the padding row when weights are
    # externally assigned; padding_idx only affects gradients. Keep table as-is.
    return {"table": table, "input": input}

def reference(table, input):
    # nn.Embedding forward: pure row gather
    return jnp.take(table, input, axis=0)

if __name__ == "__main__":
    import jax
    _d = setup_inputs()
    print(jax.jit(kernel)(*tuple(_d.values())))

</pallas_src>

<mosaic_0001>
#map = affine_map<(d0, d1) -> (0, 0)>
#map1 = affine_map<(d0, d1) -> (0, 0, 0)>
#map2 = affine_map<(d0, d1) -> (0, 0, 0, 0, 0)>
module attributes {stable_mosaic.version = 14 : i64} {
  func.func @k(%arg0: i32, %arg1: i32, %arg2: memref<1000000x64xf32, #tpu.memory_space<hbm>>, %arg3: memref<200x128x128xi32, #tpu.memory_space<hbm>>, %arg4: memref<200x8x128x8x128xf32, #tpu.memory_space<hbm>>, %arg5: memref<2x16x128xi32, #tpu.memory_space<vmem>>, %arg6: memref<2x2x128x64xf32, #tpu.memory_space<vmem>>, %arg7: memref<2x8x8x129xf32, #tpu.memory_space<vmem>>, %arg8: memref<!tpu.dma_semaphore, #tpu.memory_space<semaphore_mem>>, %arg9: memref<!tpu.dma_semaphore, #tpu.memory_space<semaphore_mem>>, %arg10: memref<!tpu.dma_semaphore, #tpu.memory_space<semaphore_mem>>, %arg11: memref<!tpu.dma_semaphore, #tpu.memory_space<semaphore_mem>>, %arg12: memref<!tpu.dma_semaphore, #tpu.memory_space<semaphore_mem>>, %arg13: memref<!tpu.dma_semaphore, #tpu.memory_space<semaphore_mem>>) attributes {dimension_semantics = [#tpu.dimension_semantics<core_parallel>, #tpu.dimension_semantics<subcore_parallel>], iteration_bounds = array<i64: 2, 16>, scalar_prefetch = 0 : i64, scratch_operands = 9 : i64, tpu.core_type = #tpu.core_type<sc_vector_subcore>, window_params = [{transform_indices = #map}, {transform_indices = #map1}, {transform_indices = #map2}]} {
    %mul3A = arith.constant 2 : i32
    %mul3A_0 = arith.muli %arg1, %mul3A : i32
    %add3A = arith.addi %mul3A_0, %arg0 : i32
    %mul3A_1 = arith.constant 400 : i32
    %mul3A_2 = arith.muli %add3A, %mul3A_1 : i32
    %iota3A = tpu.iota {dimensions = array<i32: 0>} : vector<16xi32>
    %add3A_3 = arith.constant 0 : i32
    %add3A_4 = vector.broadcast %add3A_3 : i32 to vector<16xi32>
    %add3A_5 = arith.addi %iota3A, %add3A_4 : vector<16xi32>
    %jit3A = arith.constant 8 : i32
    %div3A = vector.broadcast %jit3A : i32 to vector<16xi32>
    %div3A_6 = arith.divsi %add3A_5, %div3A : vector<16xi32>
    %sign3A = arith.constant 0 : i32
    %sign3A_7 = vector.broadcast %sign3A : i32 to vector<16xi32>
    %sign3A_8 = arith.cmpi sgt, %add3A_5, %sign3A_7 : vector<16xi32>
    %sign3A_9 = arith.extui %sign3A_8 : vector<16xi1> to vector<16xi32>
    %sign3A_10 = arith.constant 0 : i32
    %sign3A_11 = vector.broadcast %sign3A_10 : i32 to vector<16xi32>
    %sign3A_12 = arith.cmpi slt, %add3A_5, %sign3A_11 : vector<16xi32>
    %sign3A_13 = arith.extui %sign3A_12 : vector<16xi1> to vector<16xi32>
    %sign3A_14 = arith.subi %sign3A_9, %sign3A_13 : vector<16xi32>
    %sign3A_15 = arith.constant 0 : i32
    %sign3A_16 = arith.cmpi sgt, %jit3A, %sign3A_15 : i32
    %sign3A_17 = arith.extui %sign3A_16 : i1 to i32
    %sign3A_18 = arith.constant 0 : i32
    %sign3A_19 = arith.cmpi slt, %jit3A, %sign3A_18 : i32
    %sign3A_20 = arith.extui %sign3A_19 : i1 to i32
    %sign3A_21 = arith.subi %sign3A_17, %sign3A_20 : i32
    %ne3A = vector.broadcast %sign3A_21 : i32 to vector<16xi32>
    %ne3A_22 = arith.cmpi ne, %sign3A_14, %ne3A : vector<16xi32>
    %rem3A = vector.broadcast %jit3A : i32 to vector<16xi32>
    %rem3A_23 = arith.remsi %add3A_5, %rem3A : vector<16xi32>
    %ne3A_24 = arith.constant 0 : i32
    %ne3A_25 = vector.broadcast %ne3A_24 : i32 to vector<16xi32>
    %ne3A_26 = arith.cmpi ne, %rem3A_23, %ne3A_25 : vector<16xi32>
    %and3A = arith.andi %ne3A_22, %ne3A_26 : vector<16xi1>
    %sub3A = arith.constant 1 : i32
    %sub3A_27 = vector.broadcast %sub3A : i32 to vector<16xi32>
    %sub3A_28 = arith.subi %div3A_6, %sub3A_27 : vector<16xi32>
    %select_n3A = arith.select %and3A, %sub3A_28, %div3A_6 : vector<16xi1>, vector<16xi32>
    %add3A_29 = arith.constant 16 : i32
    %add3A_30 = vector.broadcast %add3A_29 : i32 to vector<16xi32>
    %add3A_31 = arith.addi %iota3A, %add3A_30 : vector<16xi32>
    %jit3A_32 = arith.constant 8 : i32
    %div3A_33 = vector.broadcast %jit3A_32 : i32 to vector<16xi32>
    %div3A_34 = arith.divsi %add3A_31, %div3A_33 : vector<16xi32>
    %sign3A_35 = arith.constant 0 : i32
    %sign3A_36 = vector.broadcast %sign3A_35 : i32 to vector<16xi32>
    %sign3A_37 = arith.cmpi sgt, %add3A_31, %sign3A_36 : vector<16xi32>
    %sign3A_38 = arith.extui %sign3A_37 : vector<16xi1> to vector<16xi32>
    %sign3A_39 = arith.constant 0 : i32
    %sign3A_40 = vector.broadcast %sign3A_39 : i32 to vector<16xi32>
    %sign3A_41 = arith.cmpi slt, %add3A_31, %sign3A_40 : vector<16xi32>
    %sign3A_42 = arith.extui %sign3A_41 : vector<16xi1> to vector<16xi32>
    %sign3A_43 = arith.subi %sign3A_38, %sign3A_42 : vector<16xi32>
    %sign3A_44 = arith.constant 0 : i32
    %sign3A_45 = arith.cmpi sgt, %jit3A_32, %sign3A_44 : i32
    %sign3A_46 = arith.extui %sign3A_45 : i1 to i32
    %sign3A_47 = arith.constant 0 : i32
    %sign3A_48 = arith.cmpi slt, %jit3A_32, %sign3A_47 : i32
    %sign3A_49 = arith.extui %sign3A_48 : i1 to i32
    %sign3A_50 = arith.subi %sign3A_46, %sign3A_49 : i32
    %ne3A_51 = vector.broadcast %sign3A_50 : i32 to vector<16xi32>
    %ne3A_52 = arith.cmpi ne, %sign3A_43, %ne3A_51 : vector<16xi32>
    %rem3A_53 = vector.broadcast %jit3A_32 : i32 to vector<16xi32>
    %rem3A_54 = arith.remsi %add3A_31, %rem3A_53 : vector<16xi32>
    %ne3A_55 = arith.constant 0 : i32
    %ne3A_56 = vector.broadcast %ne3A_55 : i32 to vector<16xi32>
    %ne3A_57 = arith.cmpi ne, %rem3A_54, %ne3A_56 : vector<16xi32>
    %and3A_58 = arith.andi %ne3A_52, %ne3A_57 : vector<16xi1>
    %sub3A_59 = arith.constant 1 : i32
    %sub3A_60 = vector.broadcast %sub3A_59 : i32 to vector<16xi32>
    %sub3A_61 = arith.subi %div3A_34, %sub3A_60 : vector<16xi32>
    %select_n3A_62 = arith.select %and3A_58, %sub3A_61, %div3A_34 : vector<16xi1>, vector<16xi32>
    %add3A_63 = arith.constant 32 : i32
    %add3A_64 = vector.broadcast %add3A_63 : i32 to vector<16xi32>
    %add3A_65 = arith.addi %iota3A, %add3A_64 : vector<16xi32>
    %jit3A_66 = arith.constant 8 : i32
    %div3A_67 = vector.broadcast %jit3A_66 : i32 to vector<16xi32>
    %div3A_68 = arith.divsi %add3A_65, %div3A_67 : vector<16xi32>
    %sign3A_69 = arith.constant 0 : i32
    %sign3A_70 = vector.broadcast %sign3A_69 : i32 to vector<16xi32>
    %sign3A_71 = arith.cmpi sgt, %add3A_65, %sign3A_70 : vector<16xi32>
    %sign3A_72 = arith.extui %sign3A_71 : vector<16xi1> to vector<16xi32>
    %sign3A_73 = arith.constant 0 : i32
    %sign3A_74 = vector.broadcast %sign3A_73 : i32 to vector<16xi32>
    %sign3A_75 = arith.cmpi slt, %add3A_65, %sign3A_74 : vector<16xi32>
    %sign3A_76 = arith.extui %sign3A_75 : vector<16xi1> to vector<16xi32>
    %sign3A_77 = arith.subi %sign3A_72, %sign3A_76 : vector<16xi32>
    %sign3A_78 = arith.constant 0 : i32
    %sign3A_79 = arith.cmpi sgt, %jit3A_66, %sign3A_78 : i32
    %sign3A_80 = arith.extui %sign3A_79 : i1 to i32
    %sign3A_81 = arith.constant 0 : i32
    %sign3A_82 = arith.cmpi slt, %jit3A_66, %sign3A_81 : i32
    %sign3A_83 = arith.extui %sign3A_82 : i1 to i32
    %sign3A_84 = arith.subi %sign3A_80, %sign3A_83 : i32
    %ne3A_85 = vector.broadcast %sign3A_84 : i32 to vector<16xi32>
    %ne3A_86 = arith.cmpi ne, %sign3A_77, %ne3A_85 : vector<16xi32>
    %rem3A_87 = vector.broadcast %jit3A_66 : i32 to vector<16xi32>
    %rem3A_88 = arith.remsi %add3A_65, %rem3A_87 : vector<16xi32>
    %ne3A_89 = arith.constant 0 : i32
    %ne3A_90 = vector.broadcast %ne3A_89 : i32 to vector<16xi32>
    %ne3A_91 = arith.cmpi ne, %rem3A_88, %ne3A_90 : vector<16xi32>
    %and3A_92 = arith.andi %ne3A_86, %ne3A_91 : vector<16xi1>
    %sub3A_93 = arith.constant 1 : i32
    %sub3A_94 = vector.broadcast %sub3A_93 : i32 to vector<16xi32>
    %sub3A_95 = arith.subi %div3A_68, %sub3A_94 : vector<16xi32>
    %select_n3A_96 = arith.select %and3A_92, %sub3A_95, %div3A_68 : vector<16xi1>, vector<16xi32>
    %add3A_97 = arith.constant 48 : i32
    %add3A_98 = vector.broadcast %add3A_97 : i32 to vector<16xi32>
    %add3A_99 = arith.addi %iota3A, %add3A_98 : vector<16xi32>
    %jit3A_100 = arith.constant 8 : i32
    %div3A_101 = vector.broadcast %jit3A_100 : i32 to vector<16xi32>
    %div3A_102 = arith.divsi %add3A_99, %div3A_101 : vector<16xi32>
    %sign3A_103 = arith.constant 0 : i32
    %sign3A_104 = vector.broadcast %sign3A_103 : i32 to vector<16xi32>
    %sign3A_105 = arith.cmpi sgt, %add3A_99, %sign3A_104 : vector<16xi32>
    %sign3A_106 = arith.extui %sign3A_105 : vector<16xi1> to vector<16xi32>
    %sign3A_107 = arith.constant 0 : i32
    %sign3A_108 = vector.broadcast %sign3A_107 : i32 to vector<16xi32>
    %sign3A_109 = arith.cmpi slt, %add3A_99, %sign3A_108 : vector<16xi32>
    %sign3A_110 = arith.extui %sign3A_109 : vector<16xi1> to vector<16xi32>
    %sign3A_111 = arith.subi %sign3A_106, %sign3A_110 : vector<16xi32>
    %sign3A_112 = arith.constant 0 : i32
    %sign3A_113 = arith.cmpi sgt, %jit3A_100, %sign3A_112 : i32
    %sign3A_114 = arith.extui %sign3A_113 : i1 to i32
    %sign3A_115 = arith.constant 0 : i32
    %sign3A_116 = arith.cmpi slt, %jit3A_100, %sign3A_115 : i32
    %sign3A_117 = arith.extui %sign3A_116 : i1 to i32
    %sign3A_118 = arith.subi %sign3A_114, %sign3A_117 : i32
    %ne3A_119 = vector.broadcast %sign3A_118 : i32 to vector<16xi32>
    %ne3A_120 = arith.cmpi ne, %sign3A_111, %ne3A_119 : vector<16xi32>
    %rem3A_121 = vector.broadcast %jit3A_100 : i32 to vector<16xi32>
    %rem3A_122 = arith.remsi %add3A_99, %rem3A_121 : vector<16xi32>
    %ne3A_123 = arith.constant 0 : i32
    %ne3A_124 = vector.broadcast %ne3A_123 : i32 to vector<16xi32>
    %ne3A_125 = arith.cmpi ne, %rem3A_122, %ne3A_124 : vector<16xi32>
    %and3A_126 = arith.andi %ne3A_120, %ne3A_125 : vector<16xi1>
    %sub3A_127 = arith.constant 1 : i32
    %sub3A_128 = vector.broadcast %sub3A_127 : i32 to vector<16xi32>
    %sub3A_129 = arith.subi %div3A_102, %sub3A_128 : vector<16xi32>
    %select_n3A_130 = arith.select %and3A_126, %sub3A_129, %div3A_102 : vector<16xi1>, vector<16xi32>
    %add3A_131 = arith.constant 0 : i32
    %add3A_132 = vector.broadcast %add3A_131 : i32 to vector<16xi32>
    %add3A_133 = arith.addi %iota3A, %add3A_132 : vector<16xi32>
    %jit3A_134 = arith.constant 8 : i32
    %eq3A = arith.constant 0 : i32
    %eq3A_135 = arith.cmpi eq, %jit3A_134, %eq3A : i32
    %jit3A_136 = arith.constant 1 : i32
    %select_n3A_137 = arith.select %eq3A_135, %jit3A_136, %jit3A_134 : i32
    %rem3A_138 = vector.broadcast %select_n3A_137 : i32 to vector<16xi32>
    %rem3A_139 = arith.remsi %add3A_133, %rem3A_138 : vector<16xi32>
    %ne3A_140 = arith.constant 0 : i32
    %ne3A_141 = vector.broadcast %ne3A_140 : i32 to vector<16xi32>
    %ne3A_142 = arith.cmpi ne, %rem3A_139, %ne3A_141 : vector<16xi32>
    %lt3A = arith.constant 0 : i32
    %lt3A_143 = vector.broadcast %lt3A : i32 to vector<16xi32>
    %lt3A_144 = arith.cmpi slt, %rem3A_139, %lt3A_143 : vector<16xi32>
    %lt3A_145 = arith.constant 0 : i32
    %lt3A_146 = arith.cmpi slt, %select_n3A_137, %lt3A_145 : i32
    %ne3A_147 = vector.broadcast %lt3A_146 : i1 to vector<16xi1>
    %ne3A_148 = vector.broadcast %ne3A_147 : vector<16xi1> to vector<16xi1>
    %ne3A_149 = arith.xori %lt3A_144, %ne3A_148 : vector<16xi1>
    %and3A_150 = arith.andi %ne3A_149, %ne3A_142 : vector<16xi1>
    %add3A_151 = vector.broadcast %select_n3A_137 : i32 to vector<16xi32>
    %add3A_152 = arith.addi %rem3A_139, %add3A_151 : vector<16xi32>
    %select_n3A_153 = arith.select %and3A_150, %add3A_152, %rem3A_139 : vector<16xi1>, vector<16xi32>
    %add3A_154 = arith.constant 16 : i32
    %add3A_155 = vector.broadcast %add3A_154 : i32 to vector<16xi32>
    %add3A_156 = arith.addi %iota3A, %add3A_155 : vector<16xi32>
    %jit3A_157 = arith.constant 8 : i32
    %eq3A_158 = arith.constant 0 : i32
    %eq3A_159 = arith.cmpi eq, %jit3A_157, %eq3A_158 : i32
    %jit3A_160 = arith.constant 1 : i32
    %select_n3A_161 = arith.select %eq3A_159, %jit3A_160, %jit3A_157 : i32
    %rem3A_162 = vector.broadcast %select_n3A_161 : i32 to vector<16xi32>
    %rem3A_163 = arith.remsi %add3A_156, %rem3A_162 : vector<16xi32>
    %ne3A_164 = arith.constant 0 : i32
    %ne3A_165 = vector.broadcast %ne3A_164 : i32 to vector<16xi32>
    %ne3A_166 = arith.cmpi ne, %rem3A_163, %ne3A_165 : vector<16xi32>
    %lt3A_167 = arith.constant 0 : i32
    %lt3A_168 = vector.broadcast %lt3A_167 : i32 to vector<16xi32>
    %lt3A_169 = arith.cmpi slt, %rem3A_163, %lt3A_168 : vector<16xi32>
    %lt3A_170 = arith.constant 0 : i32
    %lt3A_171 = arith.cmpi slt, %select_n3A_161, %lt3A_170 : i32
    %ne3A_172 = vector.broadcast %lt3A_171 : i1 to vector<16xi1>
    %ne3A_173 = vector.broadcast %ne3A_172 : vector<16xi1> to vector<16xi1>
    %ne3A_174 = arith.xori %lt3A_169, %ne3A_173 : vector<16xi1>
    %and3A_175 = arith.andi %ne3A_174, %ne3A_166 : vector<16xi1>
    %add3A_176 = vector.broadcast %select_n3A_161 : i32 to vector<16xi32>
    %add3A_177 = arith.addi %rem3A_163, %add3A_176 : vector<16xi32>
    %select_n3A_178 = arith.select %and3A_175, %add3A_177, %rem3A_163 : vector<16xi1>, vector<16xi32>
    %add3A_179 = arith.constant 32 : i32
    %add3A_180 = vector.broadcast %add3A_179 : i32 to vector<16xi32>
    %add3A_181 = arith.addi %iota3A, %add3A_180 : vector<16xi32>
    %jit3A_182 = arith.constant 8 : i32
    %eq3A_183 = arith.constant 0 : i32
    %eq3A_184 = arith.cmpi eq, %jit3A_182, %eq3A_183 : i32
    %jit3A_185 = arith.constant 1 : i32
    %select_n3A_186 = arith.select %eq3A_184, %jit3A_185, %jit3A_182 : i32
    %rem3A_187 = vector.broadcast %select_n3A_186 : i32 to vector<16xi32>
    %rem3A_188 = arith.remsi %add3A_181, %rem3A_187 : vector<16xi32>
    %ne3A_189 = arith.constant 0 : i32
    %ne3A_190 = vector.broadcast %ne3A_189 : i32 to vector<16xi32>
    %ne3A_191 = arith.cmpi ne, %rem3A_188, %ne3A_190 : vector<16xi32>
    %lt3A_192 = arith.constant 0 : i32
    %lt3A_193 = vector.broadcast %lt3A_192 : i32 to vector<16xi32>
    %lt3A_194 = arith.cmpi slt, %rem3A_188, %lt3A_193 : vector<16xi32>
    %lt3A_195 = arith.constant 0 : i32
    %lt3A_196 = arith.cmpi slt, %select_n3A_186, %lt3A_195 : i32
    %ne3A_197 = vector.broadcast %lt3A_196 : i1 to vector<16xi1>
    %ne3A_198 = vector.broadcast %ne3A_197 : vector<16xi1> to vector<16xi1>
    %ne3A_199 = arith.xori %lt3A_194, %ne3A_198 : vector<16xi1>
    %and3A_200 = arith.andi %ne3A_199, %ne3A_191 : vector<16xi1>
    %add3A_201 = vector.broadcast %select_n3A_186 : i32 to vector<16xi32>
    %add3A_202 = arith.addi %rem3A_188, %add3A_201 : vector<16xi32>
    %select_n3A_203 = arith.select %and3A_200, %add3A_202, %rem3A_188 : vector<16xi1>, vector<16xi32>
    %add3A_204 = arith.constant 48 : i32
    %add3A_205 = vector.broadcast %add3A_204 : i32 to vector<16xi32>
    %add3A_206 = arith.addi %iota3A, %add3A_205 : vector<16xi32>
    %jit3A_207 = arith.constant 8 : i32
    %eq3A_208 = arith.constant 0 : i32
    %eq3A_209 = arith.cmpi eq, %jit3A_207, %eq3A_208 : i32
    %jit3A_210 = arith.constant 1 : i32
    %select_n3A_211 = arith.select %eq3A_209, %jit3A_210, %jit3A_207 : i32
    %rem3A_212 = vector.broadcast %select_n3A_211 : i32 to vector<16xi32>
    %rem3A_213 = arith.remsi %add3A_206, %rem3A_212 : vector<16xi32>
    %ne3A_214 = arith.constant 0 : i32
    %ne3A_215 = vector.broadcast %ne3A_214 : i32 to vector<16xi32>
    %ne3A_216 = arith.cmpi ne, %rem3A_213, %ne3A_215 : vector<16xi32>
    %lt3A_217 = arith.constant 0 : i32
    %lt3A_218 = vector.broadcast %lt3A_217 : i32 to vector<16xi32>
    %lt3A_219 = arith.cmpi slt, %rem3A_213, %lt3A_218 : vector<16xi32>
    %lt3A_220 = arith.constant 0 : i32
    %lt3A_221 = arith.cmpi slt, %select_n3A_211, %lt3A_220 : i32
    %ne3A_222 = vector.broadcast %lt3A_221 : i1 to vector<16xi1>
    %ne3A_223 = vector.broadcast %ne3A_222 : vector<16xi1> to vector<16xi1>
    %ne3A_224 = arith.xori %lt3A_219, %ne3A_223 : vector<16xi1>
    %and3A_225 = arith.andi %ne3A_224, %ne3A_216 : vector<16xi1>
    %add3A_226 = vector.broadcast %select_n3A_211 : i32 to vector<16xi32>
    %add3A_227 = arith.addi %rem3A_213, %add3A_226 : vector<16xi32>
    %select_n3A_228 = arith.select %and3A_225, %add3A_227, %rem3A_213 : vector<16xi1>, vector<16xi32>
    %mul3A_229 = arith.constant 2 : i32
    %mul3A_230 = arith.muli %mul3A_2, %mul3A_229 : i32
    %jit3A_231 = arith.constant 128 : i32
    %div3A_232 = arith.divsi %mul3A_230, %jit3A_231 : i32
    %sign3A_233 = arith.constant 0 : i32
    %sign3A_234 = arith.cmpi sgt, %mul3A_230, %sign3A_233 : i32
    %sign3A_235 = arith.extui %sign3A_234 : i1 to i32
    %sign3A_236 = arith.constant 0 : i32
    %sign3A_237 = arith.cmpi slt, %mul3A_230, %sign3A_236 : i32
    %sign3A_238 = arith.extui %sign3A_237 : i1 to i32
    %sign3A_239 = arith.subi %sign3A_235, %sign3A_238 : i32
    %sign3A_240 = arith.constant 0 : i32
    %sign3A_241 = arith.cmpi sgt, %jit3A_231, %sign3A_240 : i32
    %sign3A_242 = arith.extui %sign3A_241 : i1 to i32
    %sign3A_243 = arith.constant 0 : i32
    %sign3A_244 = arith.cmpi slt, %jit3A_231, %sign3A_243 : i32
    %sign3A_245 = arith.extui %sign3A_244 : i1 to i32
    %sign3A_246 = arith.subi %sign3A_242, %sign3A_245 : i32
    %ne3A_247 = arith.cmpi ne, %sign3A_239, %sign3A_246 : i32
    %rem3A_248 = arith.remsi %mul3A_230, %jit3A_231 : i32
    %ne3A_249 = arith.constant 0 : i32
    %ne3A_250 = arith.cmpi ne, %rem3A_248, %ne3A_249 : i32
    %and3A_251 = arith.andi %ne3A_247, %ne3A_250 : i1
    %sub3A_252 = arith.constant 1 : i32
    %sub3A_253 = arith.subi %div3A_232, %sub3A_252 : i32
    %select_n3A_254 = arith.select %and3A_251, %sub3A_253, %div3A_232 : i32
    %mul3A_255 = arith.constant 2 : i32
    %mul3A_256 = arith.muli %mul3A_2, %mul3A_255 : i32
    %jit3A_257 = arith.constant 128 : i32
    %eq3A_258 = arith.constant 0 : i32
    %eq3A_259 = arith.cmpi eq, %jit3A_257, %eq3A_258 : i32
    %jit3A_260 = arith.constant 1 : i32
    %select_n3A_261 = arith.select %eq3A_259, %jit3A_260, %jit3A_257 : i32
    %rem3A_262 = arith.remsi %mul3A_256, %select_n3A_261 : i32
    %ne3A_263 = arith.constant 0 : i32
    %ne3A_264 = arith.cmpi ne, %rem3A_262, %ne3A_263 : i32
    %lt3A_265 = arith.constant 0 : i32
    %lt3A_266 = arith.cmpi slt, %rem3A_262, %lt3A_265 : i32
    %lt3A_267 = arith.constant 0 : i32
    %lt3A_268 = arith.cmpi slt, %select_n3A_261, %lt3A_267 : i32
    %ne3A_269 = arith.xori %lt3A_266, %lt3A_268 : i1
    %and3A_270 = arith.andi %ne3A_269, %ne3A_264 : i1
    %add3A_271 = arith.addi %rem3A_262, %select_n3A_261 : i32
    %select_n3A_272 = arith.select %and3A_270, %add3A_271, %rem3A_262 : i32
    %dma_start3A = arith.constant 0 : i32
    %dma_start3A_273 = arith.constant 0 : i32
    %dma_start3A_274 = arith.constant 0 : i32
    %dma_start3A_275 = tpu.memref_slice %arg5[%dma_start3A, %dma_start3A_273, %dma_start3A_274] : memref<2x16x128xi32, #tpu.memory_space<vmem>> -> memref<1x16x128xi32, #tpu.memory_space<vmem>>
    %dma_start3A_276 = tpu.memref_squeeze %dma_start3A_275 : memref<1x16x128xi32, #tpu.memory_space<vmem>> -> memref<16x128xi32, #tpu.memory_space<vmem>>
    %dma_start3A_277 = arith.constant 0 : i32
    %dma_start3A_278 = tpu.memref_slice %arg3[%select_n3A_254, %select_n3A_272, %dma_start3A_277] : memref<200x128x128xi32, #tpu.memory_space<hbm>> -> memref<1x16x128xi32, #tpu.memory_space<hbm>>
    %dma_start3A_279 = tpu.memref_squeeze %dma_start3A_278 : memref<1x16x128xi32, #tpu.memory_space<hbm>> -> memref<16x128xi32, #tpu.memory_space<hbm>>
    %dma_start3A_280 = arith.constant 0 : i32
    %dma_start3A_281 = arith.constant 0 : i32
    %dma_start3A_282 = tpu.memref_slice %arg5[%dma_start3A, %dma_start3A_280, %dma_start3A_281] : memref<2x16x128xi32, #tpu.memory_space<vmem>> -> memref<1x16x128xi32, #tpu.memory_space<vmem>>
    %dma_start3A_283 = tpu.memref_squeeze %dma_start3A_282 : memref<1x16x128xi32, #tpu.memory_space<vmem>> -> memref<16x128xi32, #tpu.memory_space<vmem>>
    %dma_start3A_284 = arith.constant 0 : i32
    %dma_start3A_285 = tpu.memref_slice %arg3[%select_n3A_254, %select_n3A_272, %dma_start3A_284] : memref<200x128x128xi32, #tpu.memory_space<hbm>> -> memref<1x16x128xi32, #tpu.memory_space<hbm>>
    %dma_start3A_286 = tpu.memref_squeeze %dma_start3A_285 : memref<1x16x128xi32, #tpu.memory_space<hbm>> -> memref<16x128xi32, #tpu.memory_space<hbm>>
    tpu.enqueue_dma source(%dma_start3A_286 : memref<16x128xi32, #tpu.memory_space<hbm>>) target(%dma_start3A_283 : memref<16x128xi32, #tpu.memory_space<vmem>>) target_semaphore(%arg12 : memref<!tpu.dma_semaphore, #tpu.memory_space<semaphore_mem>>)
    %add3A_287 = arith.constant 0 : i32
    %add3A_288 = arith.addi %mul3A_2, %add3A_287 : i32
    %mul3A_289 = arith.constant 2 : i32
    %mul3A_290 = arith.muli %add3A_288, %mul3A_289 : i32
    %jit3A_291 = arith.constant 128 : i32
    %div3A_292 = arith.divsi %mul3A_290, %jit3A_291 : i32
    %sign3A_293 = arith.constant 0 : i32
    %sign3A_294 = arith.cmpi sgt, %mul3A_290, %sign3A_293 : i32
    %sign3A_295 = arith.extui %sign3A_294 : i1 to i32
    %sign3A_296 = arith.constant 0 : i32
    %sign3A_297 = arith.cmpi slt, %mul3A_290, %sign3A_296 : i32
    %sign3A_298 = arith.extui %sign3A_297 : i1 to i32
    %sign3A_299 = arith.subi %sign3A_295, %sign3A_298 : i32
    %sign3A_300 = arith.constant 0 : i32
    %sign3A_301 = arith.cmpi sgt, %jit3A_291, %sign3A_300 : i32
    %sign3A_302 = arith.extui %sign3A_301 : i1 to i32
    %sign3A_303 = arith.constant 0 : i32
    %sign3A_304 = arith.cmpi slt, %jit3A_291, %sign3A_303 : i32
    %sign3A_305 = arith.extui %sign3A_304 : i1 to i32
    %sign3A_306 = arith.subi %sign3A_302, %sign3A_305 : i32
    %ne3A_307 = arith.cmpi ne, %sign3A_299, %sign3A_306 : i32
    %rem3A_308 = arith.remsi %mul3A_290, %jit3A_291 : i32
    %ne3A_309 = arith.constant 0 : i32
    %ne3A_310 = arith.cmpi ne, %rem3A_308, %ne3A_309 : i32
    %and3A_311 = arith.andi %ne3A_307, %ne3A_310 : i1
    %sub3A_312 = arith.constant 1 : i32
    %sub3A_313 = arith.subi %div3A_292, %sub3A_312 : i32
    %select_n3A_314 = arith.select %and3A_311, %sub3A_313, %div3A_292 : i32
    %jit3A_315 = arith.constant 128 : i32
    %eq3A_316 = arith.constant 0 : i32
    %eq3A_317 = arith.cmpi eq, %jit3A_315, %eq3A_316 : i32
    %jit3A_318 = arith.constant 1 : i32
    %select_n3A_319 = arith.select %eq3A_317, %jit3A_318, %jit3A_315 : i32
    %rem3A_320 = arith.remsi %mul3A_290, %select_n3A_319 : i32
    %ne3A_321 = arith.constant 0 : i32
    %ne3A_322 = arith.cmpi ne, %rem3A_320, %ne3A_321 : i32
    %lt3A_323 = arith.constant 0 : i32
    %lt3A_324 = arith.cmpi slt, %rem3A_320, %lt3A_323 : i32
    %lt3A_325 = arith.constant 0 : i32
    %lt3A_326 = arith.cmpi slt, %select_n3A_319, %lt3A_325 : i32
    %ne3A_327 = arith.xori %lt3A_324, %lt3A_326 : i1
    %and3A_328 = arith.andi %ne3A_327, %ne3A_322 : i1
    %add3A_329 = arith.addi %rem3A_320, %select_n3A_319 : i32
    %select_n3A_330 = arith.select %and3A_328, %add3A_329, %rem3A_320 : i32
    %dma_wait3A = arith.constant 0 : i32
    %dma_wait3A_331 = arith.constant 0 : i32
    %dma_wait3A_332 = arith.constant 0 : i32
    %dma_wait3A_333 = tpu.memref_slice %arg5[%dma_wait3A, %dma_wait3A_331, %dma_wait3A_332] : memref<2x16x128xi32, #tpu.memory_space<vmem>> -> memref<1x16x128xi32, #tpu.memory_space<vmem>>
    %dma_wait3A_334 = tpu.memref_squeeze %dma_wait3A_333 : memref<1x16x128xi32, #tpu.memory_space<vmem>> -> memref<16x128xi32, #tpu.memory_space<vmem>>
    %dma_wait3A_335 = arith.constant 0 : i32
    %dma_wait3A_336 = tpu.memref_slice %arg3[%select_n3A_314, %select_n3A_330, %dma_wait3A_335] : memref<200x128x128xi32, #tpu.memory_space<hbm>> -> memref<1x16x128xi32, #tpu.memory_space<hbm>>
    %dma_wait3A_337 = tpu.memref_squeeze %dma_wait3A_336 : memref<1x16x128xi32, #tpu.memory_space<hbm>> -> memref<16x128xi32, #tpu.memory_space<hbm>>
    %dma_wait3A_338 = arith.constant 0 : i32
    %dma_wait3A_339 = arith.constant 0 : i32
    %dma_wait3A_340 = tpu.memref_slice %arg5[%dma_wait3A, %dma_wait3A_338, %dma_wait3A_339] : memref<2x16x128xi32, #tpu.memory_space<vmem>> -> memref<1x16x128xi32, #tpu.memory_space<vmem>>
    %dma_wait3A_341 = tpu.memref_squeeze %dma_wait3A_340 : memref<1x16x128xi32, #tpu.memory_space<vmem>> -> memref<16x128xi32, #tpu.memory_space<vmem>>
    %dma_wait3A_342 = arith.constant 0 : i32
    %dma_wait3A_343 = tpu.memref_slice %arg3[%select_n3A_314, %select_n3A_330, %dma_wait3A_342] : memref<200x128x128xi32, #tpu.memory_space<hbm>> -> memref<1x16x128xi32, #tpu.memory_space<hbm>>
    %dma_wait3A_344 = tpu.memref_squeeze %dma_wait3A_343 : memref<1x16x128xi32, #tpu.memory_space<hbm>> -> memref<16x128xi32, #tpu.memory_space<hbm>>
    tpu.wait_dma2 semaphore(%arg12 : memref<!tpu.dma_semaphore, #tpu.memory_space<semaphore_mem>>) src(%dma_wait3A_344 : memref<16x128xi32, #tpu.memory_space<hbm>>) dst(%dma_wait3A_341 : memref<16x128xi32, #tpu.memory_space<vmem>>)
    %sub3A_345 = arith.subi %mul3A_2, %mul3A_2 : i32
    %jit3A_346 = arith.constant 8 : i32
    %div3A_347 = arith.divsi %sub3A_345, %jit3A_346 : i32
    %sign3A_348 = arith.constant 0 : i32
    %sign3A_349 = arith.cmpi sgt, %sub3A_345, %sign3A_348 : i32
    %sign3A_350 = arith.extui %sign3A_349 : i1 to i32
    %sign3A_351 = arith.constant 0 : i32
    %sign3A_352 = arith.cmpi slt, %sub3A_345, %sign3A_351 : i32
    %sign3A_353 = arith.extui %sign3A_352 : i1 to i32
    %sign3A_354 = arith.subi %sign3A_350, %sign3A_353 : i32
    %sign3A_355 = arith.constant 0 : i32
    %sign3A_356 = arith.cmpi sgt, %jit3A_346, %sign3A_355 : i32
    %sign3A_357 = arith.extui %sign3A_356 : i1 to i32
    %sign3A_358 = arith.constant 0 : i32
    %sign3A_359 = arith.cmpi slt, %jit3A_346, %sign3A_358 : i32
    %sign3A_360 = arith.extui %sign3A_359 : i1 to i32
    %sign3A_361 = arith.subi %sign3A_357, %sign3A_360 : i32
    %ne3A_362 = arith.cmpi ne, %sign3A_354, %sign3A_361 : i32
    %rem3A_363 = arith.remsi %sub3A_345, %jit3A_346 : i32
    %ne3A_364 = arith.constant 0 : i32
    %ne3A_365 = arith.cmpi ne, %rem3A_363, %ne3A_364 : i32
    %and3A_366 = arith.andi %ne3A_362, %ne3A_365 : i1
    %sub3A_367 = arith.constant 1 : i32
    %sub3A_368 = arith.subi %div3A_347, %sub3A_367 : i32
    %select_n3A_369 = arith.select %and3A_366, %sub3A_368, %div3A_347 : i32
    %jit3A_370 = arith.constant 2 : i32
    %eq3A_371 = arith.constant 0 : i32
    %eq3A_372 = arith.cmpi eq, %jit3A_370, %eq3A_371 : i32
    %jit3A_373 = arith.constant 1 : i32
    %select_n3A_374 = arith.select %eq3A_372, %jit3A_373, %jit3A_370 : i32
    %rem3A_375 = arith.remsi %select_n3A_369, %select_n3A_374 : i32
    %ne3A_376 = arith.constant 0 : i32
    %ne3A_377 = arith.cmpi ne, %rem3A_375, %ne3A_376 : i32
    %lt3A_378 = arith.constant 0 : i32
    %lt3A_379 = arith.cmpi slt, %rem3A_375, %lt3A_378 : i32
    %lt3A_380 = arith.constant 0 : i32
    %lt3A_381 = arith.cmpi slt, %select_n3A_374, %lt3A_380 : i32
    %ne3A_382 = arith.xori %lt3A_379, %lt3A_381 : i1
    %and3A_383 = arith.andi %ne3A_382, %ne3A_377 : i1
    %add3A_384 = arith.addi %rem3A_375, %select_n3A_374 : i32
    %select_n3A_385 = arith.select %and3A_383, %add3A_384, %rem3A_375 : i32
    %jit3A_386 = arith.constant 8 : i32
    %eq3A_387 = arith.constant 0 : i32
    %eq3A_388 = arith.cmpi eq, %jit3A_386, %eq3A_387 : i32
    %jit3A_389 = arith.constant 1 : i32
    %select_n3A_390 = arith.select %eq3A_388, %jit3A_389, %jit3A_386 : i32
    %rem3A_391 = arith.remsi %sub3A_345, %select_n3A_390 : i32
    %ne3A_392 = arith.constant 0 : i32
    %ne3A_393 = arith.cmpi ne, %rem3A_391, %ne3A_392 : i32
    %lt3A_394 = arith.constant 0 : i32
    %lt3A_395 = arith.cmpi slt, %rem3A_391, %lt3A_394 : i32
    %lt3A_396 = arith.constant 0 : i32
    %lt3A_397 = arith.cmpi slt, %select_n3A_390, %lt3A_396 : i32
    %ne3A_398 = arith.xori %lt3A_395, %lt3A_397 : i1
    %and3A_399 = arith.andi %ne3A_398, %ne3A_393 : i1
    %add3A_400 = arith.addi %rem3A_391, %select_n3A_390 : i32
    %select_n3A_401 = arith.select %and3A_399, %add3A_400, %rem3A_391 : i32
    %mul3A_402 = arith.constant 2 : i32
    %mul3A_403 = arith.muli %select_n3A_401, %mul3A_402 : i32
    %add3A_404 = arith.constant 0 : i32
    %add3A_405 = arith.addi %mul3A_403, %add3A_404 : i32
    %dma_start3A_406 = arith.constant 0 : i32
    %dma_start3A_407 = arith.constant 0 : i32
    %dma_start3A_408 = arith.constant 0 : i32
    %dma_start3A_409 = arith.constant 0 : i32
    %dma_start3A_410 = tpu.memref_slice %arg6[%dma_start3A_406, %dma_start3A_407, %dma_start3A_408, %dma_start3A_409] : memref<2x2x128x64xf32, #tpu.memory_space<vmem>> -> memref<1x1x128x64xf32, #tpu.memory_space<vmem>>
    %dma_start3A_411 = tpu.memref_squeeze %dma_start3A_410 : memref<1x1x128x64xf32, #tpu.memory_space<vmem>> -> memref<128x64xf32, #tpu.memory_space<vmem>>
    %dma_start3A_412 = arith.constant 0 : i32
    %dma_start3A_413 = tpu.memref_slice %arg5[%select_n3A_385, %add3A_405, %dma_start3A_412] : memref<2x16x128xi32, #tpu.memory_space<vmem>> -> memref<1x1x128xi32, #tpu.memory_space<vmem>>
    %dma_start3A_414 = tpu.memref_squeeze %dma_start3A_413 : memref<1x1x128xi32, #tpu.memory_space<vmem>> -> memref<128xi32, #tpu.memory_space<vmem>>
    %dma_start3A_415 = arith.constant 0 : i32
    %dma_start3A_416 = arith.constant 0 : i32
    %dma_start3A_417 = tpu.memref_slice %arg2[%dma_start3A_415, %dma_start3A_416] : memref<1000000x64xf32, #tpu.memory_space<hbm>> -> memref<1000000x64xf32, #tpu.memory_space<hbm>>
    tpu.enqueue_indirect_dma source(%dma_start3A_417 : memref<1000000x64xf32, #tpu.memory_space<hbm>>) target(%dma_start3A_411 : memref<128x64xf32, #tpu.memory_space<vmem>>) offsets(%dma_start3A_414 : memref<128xi32, #tpu.memory_space<vmem>>) semaphore(%arg8 : memref<!tpu.dma_semaphore, #tpu.memory_space<semaphore_mem>>)
    %add3A_418 = arith.constant 1 : i32
    %add3A_419 = arith.addi %mul3A_403, %add3A_418 : i32
    %dma_start3A_420 = arith.constant 0 : i32
    %dma_start3A_421 = arith.constant 1 : i32
    %dma_start3A_422 = arith.constant 0 : i32
    %dma_start3A_423 = arith.constant 0 : i32
    %dma_start3A_424 = tpu.memref_slice %arg6[%dma_start3A_420, %dma_start3A_421, %dma_start3A_422, %dma_start3A_423] : memref<2x2x128x64xf32, #tpu.memory_space<vmem>> -> memref<1x1x128x64xf32, #tpu.memory_space<vmem>>
    %dma_start3A_425 = tpu.memref_squeeze %dma_start3A_424 : memref<1x1x128x64xf32, #tpu.memory_space<vmem>> -> memref<128x64xf32, #tpu.memory_space<vmem>>
    %dma_start3A_426 = arith.constant 0 : i32
    %dma_start3A_427 = tpu.memref_slice %arg5[%select_n3A_385, %add3A_419, %dma_start3A_426] : memref<2x16x128xi32, #tpu.memory_space<vmem>> -> memref<1x1x128xi32, #tpu.memory_space<vmem>>
    %dma_start3A_428 = tpu.memref_squeeze %dma_start3A_427 : memref<1x1x128xi32, #tpu.memory_space<vmem>> -> memref<128xi32, #tpu.memory_space<vmem>>
    %dma_start3A_429 = arith.constant 0 : i32
    %dma_start3A_430 = arith.constant 0 : i32
    %dma_start3A_431 = tpu.memref_slice %arg2[%dma_start3A_429, %dma_start3A_430] : memref<1000000x64xf32, #tpu.memory_space<hbm>> -> memref<1000000x64xf32, #tpu.memory_space<hbm>>
    tpu.enqueue_indirect_dma source(%dma_start3A_431 : memref<1000000x64xf32, #tpu.memory_space<hbm>>) target(%dma_start3A_425 : memref<128x64xf32, #tpu.memory_space<vmem>>) offsets(%dma_start3A_428 : memref<128xi32, #tpu.memory_space<vmem>>) semaphore(%arg8 : memref<!tpu.dma_semaphore, #tpu.memory_space<semaphore_mem>>)
    %scan3A = arith.constant 0 : i32
    %scan3A_432 = arith.constant 0 : i32
    %scan3A_433 = arith.constant 200 : i32
    %scan3A_434 = arith.addi %scan3A_432, %scan3A_433 : i32
    %scan3A_435 = arith.constant 1 : i32
    %scan3A_436 = scf.for %scan3A_576 = %scan3A_432 to %scan3A_434 step %scan3A_435 iter_args(%scan3A_577 = %scan3A) -> (i32)  : i32 {
      %mul3A_578 = arith.constant 2 : i32
      %mul3A_579 = arith.muli %mul3A_578, %scan3A_576 : i32
      %add3A_580 = arith.addi %mul3A_2, %mul3A_579 : i32
      %add3A_581 = arith.constant 0 : i32
      %add3A_582 = arith.addi %add3A_580, %add3A_581 : i32
      %sub3A_583 = arith.subi %add3A_582, %mul3A_2 : i32
      %jit3A_584 = arith.constant 8 : i32
      %div3A_585 = arith.divsi %sub3A_583, %jit3A_584 : i32
      %sign3A_586 = arith.constant 0 : i32
      %sign3A_587 = arith.cmpi sgt, %sub3A_583, %sign3A_586 : i32
      %sign3A_588 = arith.extui %sign3A_587 : i1 to i32
      %sign3A_589 = arith.constant 0 : i32
      %sign3A_590 = arith.cmpi slt, %sub3A_583, %sign3A_589 : i32
      %sign3A_591 = arith.extui %sign3A_590 : i1 to i32
      %sign3A_592 = arith.subi %sign3A_588, %sign3A_591 : i32
      %sign3A_593 = arith.constant 0 : i32
      %sign3A_594 = arith.cmpi sgt, %jit3A_584, %sign3A_593 : i32
      %sign3A_595 = arith.extui %sign3A_594 : i1 to i32
      %sign3A_596 = arith.constant 0 : i32
      %sign3A_597 = arith.cmpi slt, %jit3A_584, %sign3A_596 : i32
      %sign3A_598 = arith.extui %sign3A_597 : i1 to i32
      %sign3A_599 = arith.subi %sign3A_595, %sign3A_598 : i32
      %ne3A_600 = arith.cmpi ne, %sign3A_592, %sign3A_599 : i32
      %rem3A_601 = arith.remsi %sub3A_583, %jit3A_584 : i32
      %ne3A_602 = arith.constant 0 : i32
      %ne3A_603 = arith.cmpi ne, %rem3A_601, %ne3A_602 : i32
      %and3A_604 = arith.andi %ne3A_600, %ne3A_603 : i1
      %sub3A_605 = arith.constant 1 : i32
      %sub3A_606 = arith.subi %div3A_585, %sub3A_605 : i32
      %select_n3A_607 = arith.select %and3A_604, %sub3A_606, %div3A_585 : i32
      %add3A_608 = arith.constant 1 : i32
      %add3A_609 = arith.addi %select_n3A_607, %add3A_608 : i32
      %jit3A_610 = arith.constant 8 : i32
      %eq3A_611 = arith.constant 0 : i32
      %eq3A_612 = arith.cmpi eq, %jit3A_610, %eq3A_611 : i32
      %jit3A_613 = arith.constant 1 : i32
      %select_n3A_614 = arith.select %eq3A_612, %jit3A_613, %jit3A_610 : i32
      %rem3A_615 = arith.remsi %sub3A_583, %select_n3A_614 : i32
      %ne3A_616 = arith.constant 0 : i32
      %ne3A_617 = arith.cmpi ne, %rem3A_615, %ne3A_616 : i32
      %lt3A_618 = arith.constant 0 : i32
      %lt3A_619 = arith.cmpi slt, %rem3A_615, %lt3A_618 : i32
      %lt3A_620 = arith.constant 0 : i32
      %lt3A_621 = arith.cmpi slt, %select_n3A_614, %lt3A_620 : i32
      %ne3A_622 = arith.xori %lt3A_619, %lt3A_621 : i1
      %and3A_623 = arith.andi %ne3A_622, %ne3A_617 : i1
      %add3A_624 = arith.addi %rem3A_615, %select_n3A_614 : i32
      %select_n3A_625 = arith.select %and3A_623, %add3A_624, %rem3A_615 : i32
      %eq3A_626 = arith.constant 0 : i32
      %eq3A_627 = arith.cmpi eq, %select_n3A_625, %eq3A_626 : i32
      %add3A_628 = arith.constant 8 : i32
      %add3A_629 = arith.addi %sub3A_583, %add3A_628 : i32
      %lt3A_630 = arith.constant 400 : i32
      %lt3A_631 = arith.cmpi slt, %add3A_629, %lt3A_630 : i32
      %and3A_632 = arith.andi %eq3A_627, %lt3A_631 : i1
      %add3A_633 = arith.constant 1 : i32
      %add3A_634 = arith.addi %sub3A_583, %add3A_633 : i32
      %jit3A_635 = arith.constant 8 : i32
      %div3A_636 = arith.divsi %add3A_634, %jit3A_635 : i32
      %sign3A_637 = arith.constant 0 : i32
      %sign3A_638 = arith.cmpi sgt, %add3A_634, %sign3A_637 : i32
      %sign3A_639 = arith.extui %sign3A_638 : i1 to i32
      %sign3A_640 = arith.constant 0 : i32
      %sign3A_641 = arith.cmpi slt, %add3A_634, %sign3A_640 : i32
      %sign3A_642 = arith.extui %sign3A_641 : i1 to i32
      %sign3A_643 = arith.subi %sign3A_639, %sign3A_642 : i32
      %sign3A_644 = arith.constant 0 : i32
      %sign3A_645 = arith.cmpi sgt, %jit3A_635, %sign3A_644 : i32
      %sign3A_646 = arith.extui %sign3A_645 : i1 to i32
      %sign3A_647 = arith.constant 0 : i32
      %sign3A_648 = arith.cmpi slt, %jit3A_635, %sign3A_647 : i32
      %sign3A_649 = arith.extui %sign3A_648 : i1 to i32
      %sign3A_650 = arith.subi %sign3A_646, %sign3A_649 : i32
      %ne3A_651 = arith.cmpi ne, %sign3A_643, %sign3A_650 : i32
      %rem3A_652 = arith.remsi %add3A_634, %jit3A_635 : i32
      %ne3A_653 = arith.constant 0 : i32
      %ne3A_654 = arith.cmpi ne, %rem3A_652, %ne3A_653 : i32
      %and3A_655 = arith.andi %ne3A_651, %ne3A_654 : i1
      %sub3A_656 = arith.constant 1 : i32
      %sub3A_657 = arith.subi %div3A_636, %sub3A_656 : i32
      %select_n3A_658 = arith.select %and3A_655, %sub3A_657, %div3A_636 : i32
      %add3A_659 = arith.constant 1 : i32
      %add3A_660 = arith.addi %sub3A_583, %add3A_659 : i32
      %jit3A_661 = arith.constant 8 : i32
      %eq3A_662 = arith.constant 0 : i32
      %eq3A_663 = arith.cmpi eq, %jit3A_661, %eq3A_662 : i32
      %jit3A_664 = arith.constant 1 : i32
      %select_n3A_665 = arith.select %eq3A_663, %jit3A_664, %jit3A_661 : i32
      %rem3A_666 = arith.remsi %add3A_660, %select_n3A_665 : i32
      %ne3A_667 = arith.constant 0 : i32
      %ne3A_668 = arith.cmpi ne, %rem3A_666, %ne3A_667 : i32
      %lt3A_669 = arith.constant 0 : i32
      %lt3A_670 = arith.cmpi slt, %rem3A_666, %lt3A_669 : i32
      %lt3A_671 = arith.constant 0 : i32
      %lt3A_672 = arith.cmpi slt, %select_n3A_665, %lt3A_671 : i32
      %ne3A_673 = arith.xori %lt3A_670, %lt3A_672 : i1
      %and3A_674 = arith.andi %ne3A_673, %ne3A_668 : i1
      %add3A_675 = arith.addi %rem3A_666, %select_n3A_665 : i32
      %select_n3A_676 = arith.select %and3A_674, %add3A_675, %rem3A_666 : i32
      %eq3A_677 = arith.constant 0 : i32
      %eq3A_678 = arith.cmpi eq, %select_n3A_676, %eq3A_677 : i32
      %add3A_679 = arith.constant 1 : i32
      %add3A_680 = arith.addi %sub3A_583, %add3A_679 : i32
      %lt3A_681 = arith.constant 400 : i32
      %lt3A_682 = arith.cmpi slt, %add3A_680, %lt3A_681 : i32
      %and3A_683 = arith.andi %eq3A_678, %lt3A_682 : i1
      %jit3A_684 = arith.constant 2 : i32
      %eq3A_685 = arith.constant 0 : i32
      %eq3A_686 = arith.cmpi eq, %jit3A_684, %eq3A_685 : i32
      %jit3A_687 = arith.constant 1 : i32
      %select_n3A_688 = arith.select %eq3A_686, %jit3A_687, %jit3A_684 : i32
      %rem3A_689 = arith.remsi %add3A_609, %select_n3A_688 : i32
      %ne3A_690 = arith.constant 0 : i32
      %ne3A_691 = arith.cmpi ne, %rem3A_689, %ne3A_690 : i32
      %lt3A_692 = arith.constant 0 : i32
      %lt3A_693 = arith.cmpi slt, %rem3A_689, %lt3A_692 : i32
      %lt3A_694 = arith.constant 0 : i32
      %lt3A_695 = arith.cmpi slt, %select_n3A_688, %lt3A_694 : i32
      %ne3A_696 = arith.xori %lt3A_693, %lt3A_695 : i1
      %and3A_697 = arith.andi %ne3A_696, %ne3A_691 : i1
      %add3A_698 = arith.addi %rem3A_689, %select_n3A_688 : i32
      %select_n3A_699 = arith.select %and3A_697, %add3A_698, %rem3A_689 : i32
      %eq3A_700 = arith.constant 0 : i32
      %eq3A_701 = arith.cmpi eq, %select_n3A_699, %eq3A_700 : i32
      %and3A_702 = arith.andi %and3A_632, %eq3A_701 : i1
      %convert_element_type3A = arith.extui %and3A_702 : i1 to i32
      %cond3A = arith.constant 0 : i32
      %cond3A_703 = arith.cmpi ne, %convert_element_type3A, %cond3A : i32
      scf.if %cond3A_703 {
        %mul3A_1783 = arith.constant 8 : i32
        %mul3A_1784 = arith.muli %add3A_609, %mul3A_1783 : i32
        %add3A_1785 = arith.addi %mul3A_2, %mul3A_1784 : i32
        %mul3A_1786 = arith.constant 2 : i32
        %mul3A_1787 = arith.muli %add3A_1785, %mul3A_1786 : i32
        %jit3A_1788 = arith.constant 128 : i32
        %div3A_1789 = arith.divsi %mul3A_1787, %jit3A_1788 : i32
        %sign3A_1790 = arith.constant 0 : i32
        %sign3A_1791 = arith.cmpi sgt, %mul3A_1787, %sign3A_1790 : i32
        %sign3A_1792 = arith.extui %sign3A_1791 : i1 to i32
        %sign3A_1793 = arith.constant 0 : i32
        %sign3A_1794 = arith.cmpi slt, %mul3A_1787, %sign3A_1793 : i32
        %sign3A_1795 = arith.extui %sign3A_1794 : i1 to i32
        %sign3A_1796 = arith.subi %sign3A_1792, %sign3A_1795 : i32
        %sign3A_1797 = arith.constant 0 : i32
        %sign3A_1798 = arith.cmpi sgt, %jit3A_1788, %sign3A_1797 : i32
        %sign3A_1799 = arith.extui %sign3A_1798 : i1 to i32
        %sign3A_1800 = arith.constant 0 : i32
        %sign3A_1801 = arith.cmpi slt, %jit3A_1788, %sign3A_1800 : i32
        %sign3A_1802 = arith.extui %sign3A_1801 : i1 to i32
        %sign3A_1803 = arith.subi %sign3A_1799, %sign3A_1802 : i32
        %ne3A_1804 = arith.cmpi ne, %sign3A_1796, %sign3A_1803 : i32
        %rem3A_1805 = arith.remsi %mul3A_1787, %jit3A_1788 : i32
        %ne3A_1806 = arith.constant 0 : i32
        %ne3A_1807 = arith.cmpi ne, %rem3A_1805, %ne3A_1806 : i32
        %and3A_1808 = arith.andi %ne3A_1804, %ne3A_1807 : i1
        %sub3A_1809 = arith.constant 1 : i32
        %sub3A_1810 = arith.subi %div3A_1789, %sub3A_1809 : i32
        %select_n3A_1811 = arith.select %and3A_1808, %sub3A_1810, %div3A_1789 : i32
        %jit3A_1812 = arith.constant 128 : i32
        %eq3A_1813 = arith.constant 0 : i32
        %eq3A_1814 = arith.cmpi eq, %jit3A_1812, %eq3A_1813 : i32
        %jit3A_1815 = arith.constant 1 : i32
        %select_n3A_1816 = arith.select %eq3A_1814, %jit3A_1815, %jit3A_1812 : i32
        %rem3A_1817 = arith.remsi %mul3A_1787, %select_n3A_1816 : i32
        %ne3A_1818 = arith.constant 0 : i32
        %ne3A_1819 = arith.cmpi ne, %rem3A_1817, %ne3A_1818 : i32
        %lt3A_1820 = arith.constant 0 : i32
        %lt3A_1821 = arith.cmpi slt, %rem3A_1817, %lt3A_1820 : i32
        %lt3A_1822 = arith.constant 0 : i32
        %lt3A_1823 = arith.cmpi slt, %select_n3A_1816, %lt3A_1822 : i32
        %ne3A_1824 = arith.xori %lt3A_1821, %lt3A_1823 : i1
        %and3A_1825 = arith.andi %ne3A_1824, %ne3A_1819 : i1
        %add3A_1826 = arith.addi %rem3A_1817, %select_n3A_1816 : i32
        %select_n3A_1827 = arith.select %and3A_1825, %add3A_1826, %rem3A_1817 : i32
        %dma_start3A_1828 = arith.constant 0 : i32
        %dma_start3A_1829 = arith.constant 0 : i32
        %dma_start3A_1830 = arith.constant 0 : i32
        %dma_start3A_1831 = tpu.memref_slice %arg5[%dma_start3A_1828, %dma_start3A_1829, %dma_start3A_1830] : memref<2x16x128xi32, #tpu.memory_space<vmem>> -> memref<1x16x128xi32, #tpu.memory_space<vmem>>
        %dma_start3A_1832 = tpu.memref_squeeze %dma_start3A_1831 : memref<1x16x128xi32, #tpu.memory_space<vmem>> -> memref<16x128xi32, #tpu.memory_space<vmem>>
        %dma_start3A_1833 = arith.constant 0 : i32
        %dma_start3A_1834 = tpu.memref_slice %arg3[%select_n3A_1811, %select_n3A_1827, %dma_start3A_1833] : memref<200x128x128xi32, #tpu.memory_space<hbm>> -> memref<1x16x128xi32, #tpu.memory_space<hbm>>
        %dma_start3A_1835 = tpu.memref_squeeze %dma_start3A_1834 : memref<1x16x128xi32, #tpu.memory_space<hbm>> -> memref<16x128xi32, #tpu.memory_space<hbm>>
        %dma_start3A_1836 = arith.constant 0 : i32
        %dma_start3A_1837 = arith.constant 0 : i32
        %dma_start3A_1838 = tpu.memref_slice %arg5[%dma_start3A_1828, %dma_start3A_1836, %dma_start3A_1837] : memref<2x16x128xi32, #tpu.memory_space<vmem>> -> memref<1x16x128xi32, #tpu.memory_space<vmem>>
        %dma_start3A_1839 = tpu.memref_squeeze %dma_start3A_1838 : memref<1x16x128xi32, #tpu.memory_space<vmem>> -> memref<16x128xi32, #tpu.memory_space<vmem>>
        %dma_start3A_1840 = arith.constant 0 : i32
        %dma_start3A_1841 = tpu.memref_slice %arg3[%select_n3A_1811, %select_n3A_1827, %dma_start3A_1840] : memref<200x128x128xi32, #tpu.memory_space<hbm>> -> memref<1x16x128xi32, #tpu.memory_space<hbm>>
        %dma_start3A_1842 = tpu.memref_squeeze %dma_start3A_1841 : memref<1x16x128xi32, #tpu.memory_space<hbm>> -> memref<16x128xi32, #tpu.memory_space<hbm>>
        tpu.enqueue_dma source(%dma_start3A_1842 : memref<16x128xi32, #tpu.memory_space<hbm>>) target(%dma_start3A_1839 : memref<16x128xi32, #tpu.memory_space<vmem>>) target_semaphore(%arg12 : memref<!tpu.dma_semaphore, #tpu.memory_space<semaphore_mem>>)
      } else {
      }
      %jit3A_704 = arith.constant 2 : i32
      %eq3A_705 = arith.constant 0 : i32
      %eq3A_706 = arith.cmpi eq, %jit3A_704, %eq3A_705 : i32
      %jit3A_707 = arith.constant 1 : i32
      %select_n3A_708 = arith.select %eq3A_706, %jit3A_707, %jit3A_704 : i32
      %rem3A_709 = arith.remsi %select_n3A_658, %select_n3A_708 : i32
      %ne3A_710 = arith.constant 0 : i32
      %ne3A_711 = arith.cmpi ne, %rem3A_709, %ne3A_710 : i32
      %lt3A_712 = arith.constant 0 : i32
      %lt3A_713 = arith.cmpi slt, %rem3A_709, %lt3A_712 : i32
      %lt3A_714 = arith.constant 0 : i32
      %lt3A_715 = arith.cmpi slt, %select_n3A_708, %lt3A_714 : i32
      %ne3A_716 = arith.xori %lt3A_713, %lt3A_715 : i1
      %and3A_717 = arith.andi %ne3A_716, %ne3A_711 : i1
      %add3A_718 = arith.addi %rem3A_709, %select_n3A_708 : i32
      %select_n3A_719 = arith.select %and3A_717, %add3A_718, %rem3A_709 : i32
      %eq3A_720 = arith.constant 0 : i32
      %eq3A_721 = arith.cmpi eq, %select_n3A_719, %eq3A_720 : i32
      %and3A_722 = arith.andi %and3A_683, %eq3A_721 : i1
      %convert_element_type3A_723 = arith.extui %and3A_722 : i1 to i32
      %cond3A_724 = arith.constant 0 : i32
      %cond3A_725 = arith.cmpi ne, %convert_element_type3A_723, %cond3A_724 : i32
      scf.if %cond3A_725 {
        %mul3A_1783 = arith.constant 8 : i32
        %mul3A_1784 = arith.muli %select_n3A_658, %mul3A_1783 : i32
        %add3A_1785 = arith.addi %mul3A_2, %mul3A_1784 : i32
        %mul3A_1786 = arith.constant 2 : i32
        %mul3A_1787 = arith.muli %add3A_1785, %mul3A_1786 : i32
        %jit3A_1788 = arith.constant 128 : i32
        %div3A_1789 = arith.divsi %mul3A_1787, %jit3A_1788 : i32
        %sign3A_1790 = arith.constant 0 : i32
        %sign3A_1791 = arith.cmpi sgt, %mul3A_1787, %sign3A_1790 : i32
        %sign3A_1792 = arith.extui %sign3A_1791 : i1 to i32
        %sign3A_1793 = arith.constant 0 : i32
        %sign3A_1794 = arith.cmpi slt, %mul3A_1787, %sign3A_1793 : i32
        %sign3A_1795 = arith.extui %sign3A_1794 : i1 to i32
        %sign3A_1796 = arith.subi %sign3A_1792, %sign3A_1795 : i32
        %sign3A_1797 = arith.constant 0 : i32
        %sign3A_1798 = arith.cmpi sgt, %jit3A_1788, %sign3A_1797 : i32
        %sign3A_1799 = arith.extui %sign3A_1798 : i1 to i32
        %sign3A_1800 = arith.constant 0 : i32
        %sign3A_1801 = arith.cmpi slt, %jit3A_1788, %sign3A_1800 : i32
        %sign3A_1802 = arith.extui %sign3A_1801 : i1 to i32
        %sign3A_1803 = arith.subi %sign3A_1799, %sign3A_1802 : i32
        %ne3A_1804 = arith.cmpi ne, %sign3A_1796, %sign3A_1803 : i32
        %rem3A_1805 = arith.remsi %mul3A_1787, %jit3A_1788 : i32
        %ne3A_1806 = arith.constant 0 : i32
        %ne3A_1807 = arith.cmpi ne, %rem3A_1805, %ne3A_1806 : i32
        %and3A_1808 = arith.andi %ne3A_1804, %ne3A_1807 : i1
        %sub3A_1809 = arith.constant 1 : i32
        %sub3A_1810 = arith.subi %div3A_1789, %sub3A_1809 : i32
        %select_n3A_1811 = arith.select %and3A_1808, %sub3A_1810, %div3A_1789 : i32
        %jit3A_1812 = arith.constant 128 : i32
        %eq3A_1813 = arith.constant 0 : i32
        %eq3A_1814 = arith.cmpi eq, %jit3A_1812, %eq3A_1813 : i32
        %jit3A_1815 = arith.constant 1 : i32
        %select_n3A_1816 = arith.select %eq3A_1814, %jit3A_1815, %jit3A_1812 : i32
        %rem3A_1817 = arith.remsi %mul3A_1787, %select_n3A_1816 : i32
        %ne3A_1818 = arith.constant 0 : i32
        %ne3A_1819 = arith.cmpi ne, %rem3A_1817, %ne3A_1818 : i32
        %lt3A_1820 = arith.constant 0 : i32
        %lt3A_1821 = arith.cmpi slt, %rem3A_1817, %lt3A_1820 : i32
        %lt3A_1822 = arith.constant 0 : i32
        %lt3A_1823 = arith.cmpi slt, %select_n3A_1816, %lt3A_1822 : i32
        %ne3A_1824 = arith.xori %lt3A_1821, %lt3A_1823 : i1
        %and3A_1825 = arith.andi %ne3A_1824, %ne3A_1819 : i1
        %add3A_1826 = arith.addi %rem3A_1817, %select_n3A_1816 : i32
        %select_n3A_1827 = arith.select %and3A_1825, %add3A_1826, %rem3A_1817 : i32
        %dma_wait3A_1828 = arith.constant 0 : i32
        %dma_wait3A_1829 = arith.constant 0 : i32
        %dma_wait3A_1830 = arith.constant 0 : i32
        %dma_wait3A_1831 = tpu.memref_slice %arg5[%dma_wait3A_1828, %dma_wait3A_1829, %dma_wait3A_1830] : memref<2x16x128xi32, #tpu.memory_space<vmem>> -> memref<1x16x128xi32, #tpu.memory_space<vmem>>
        %dma_wait3A_1832 = tpu.memref_squeeze %dma_wait3A_1831 : memref<1x16x128xi32, #tpu.memory_space<vmem>> -> memref<16x128xi32, #tpu.memory_space<vmem>>
        %dma_wait3A_1833 = arith.constant 0 : i32
        %dma_wait3A_1834 = tpu.memref_slice %arg3[%select_n3A_1811, %select_n3A_1827, %dma_wait3A_1833] : memref<200x128x128xi32, #tpu.memory_space<hbm>> -> memref<1x16x128xi32, #tpu.memory_space<hbm>>
        %dma_wait3A_1835 = tpu.memref_squeeze %dma_wait3A_1834 : memref<1x16x128xi32, #tpu.memory_space<hbm>> -> memref<16x128xi32, #tpu.memory_space<hbm>>
        %dma_wait3A_1836 = arith.constant 0 : i32
        %dma_wait3A_1837 = arith.constant 0 : i32
        %dma_wait3A_1838 = tpu.memref_slice %arg5[%dma_wait3A_1828, %dma_wait3A_1836, %dma_wait3A_1837] : memref<2x16x128xi32, #tpu.memory_space<vmem>> -> memref<1x16x128xi32, #tpu.memory_space<vmem>>
        %dma_wait3A_1839 = tpu.memref_squeeze %dma_wait3A_1838 : memref<1x16x128xi32, #tpu.memory_space<vmem>> -> memref<16x128xi32, #tpu.memory_space<vmem>>
        %dma_wait3A_1840 = arith.constant 0 : i32
        %dma_wait3A_1841 = tpu.memref_slice %arg3[%select_n3A_1811, %select_n3A_1827, %dma_wait3A_1840] : memref<200x128x128xi32, #tpu.memory_space<hbm>> -> memref<1x16x128xi32, #tpu.memory_space<hbm>>
        %dma_wait3A_1842 = tpu.memref_squeeze %dma_wait3A_1841 : memref<1x16x128xi32, #tpu.memory_space<hbm>> -> memref<16x128xi32, #tpu.memory_space<hbm>>
        tpu.wait_dma2 semaphore(%arg12 : memref<!tpu.dma_semaphore, #tpu.memory_space<semaphore_mem>>) src(%dma_wait3A_1842 : memref<16x128xi32, #tpu.memory_space<hbm>>) dst(%dma_wait3A_1839 : memref<16x128xi32, #tpu.memory_space<vmem>>)
      } else {
      }
      %jit3A_726 = arith.constant 2 : i32
      %eq3A_727 = arith.constant 0 : i32
      %eq3A_728 = arith.cmpi eq, %jit3A_726, %eq3A_727 : i32
      %jit3A_729 = arith.constant 1 : i32
      %select_n3A_730 = arith.select %eq3A_728, %jit3A_729, %jit3A_726 : i32
      %rem3A_731 = arith.remsi %add3A_609, %select_n3A_730 : i32
      %ne3A_732 = arith.constant 0 : i32
      %ne3A_733 = arith.cmpi ne, %rem3A_731, %ne3A_732 : i32
      %lt3A_734 = arith.constant 0 : i32
      %lt3A_735 = arith.cmpi slt, %rem3A_731, %lt3A_734 : i32
      %lt3A_736 = arith.constant 0 : i32
      %lt3A_737 = arith.cmpi slt, %select_n3A_730, %lt3A_736 : i32
      %ne3A_738 = arith.xori %lt3A_735, %lt3A_737 : i1
      %and3A_739 = arith.andi %ne3A_738, %ne3A_733 : i1
      %add3A_740 = arith.addi %rem3A_731, %select_n3A_730 : i32
      %select_n3A_741 = arith.select %and3A_739, %add3A_740, %rem3A_731 : i32
      %eq3A_742 = arith.constant 1 : i32
      %eq3A_743 = arith.cmpi eq, %select_n3A_741, %eq3A_742 : i32
      %and3A_744 = arith.andi %and3A_632, %eq3A_743 : i1
      %convert_element_type3A_745 = arith.extui %and3A_744 : i1 to i32
      %cond3A_746 = arith.constant 0 : i32
      %cond3A_747 = arith.cmpi ne, %convert_element_type3A_745, %cond3A_746 : i32
      scf.if %cond3A_747 {
        %mul3A_1783 = arith.constant 8 : i32
        %mul3A_1784 = arith.muli %add3A_609, %mul3A_1783 : i32
        %add3A_1785 = arith.addi %mul3A_2, %mul3A_1784 : i32
        %mul3A_1786 = arith.constant 2 : i32
        %mul3A_1787 = arith.muli %add3A_1785, %mul3A_1786 : i32
        %jit3A_1788 = arith.constant 128 : i32
        %div3A_1789 = arith.divsi %mul3A_1787, %jit3A_1788 : i32
        %sign3A_1790 = arith.constant 0 : i32
        %sign3A_1791 = arith.cmpi sgt, %mul3A_1787, %sign3A_1790 : i32
        %sign3A_1792 = arith.extui %sign3A_1791 : i1 to i32
        %sign3A_1793 = arith.constant 0 : i32
        %sign3A_1794 = arith.cmpi slt, %mul3A_1787, %sign3A_1793 : i32
        %sign3A_1795 = arith.extui %sign3A_1794 : i1 to i32
        %sign3A_1796 = arith.subi %sign3A_1792, %sign3A_1795 : i32
        %sign3A_1797 = arith.constant 0 : i32
        %sign3A_1798 = arith.cmpi sgt, %jit3A_1788, %sign3A_1797 : i32
        %sign3A_1799 = arith.extui %sign3A_1798 : i1 to i32
        %sign3A_1800 = arith.constant 0 : i32
        %sign3A_1801 = arith.cmpi slt, %jit3A_1788, %sign3A_1800 : i32
        %sign3A_1802 = arith.extui %sign3A_1801 : i1 to i32
        %sign3A_1803 = arith.subi %sign3A_1799, %sign3A_1802 : i32
        %ne3A_1804 = arith.cmpi ne, %sign3A_1796, %sign3A_1803 : i32
        %rem3A_1805 = arith.remsi %mul3A_1787, %jit3A_1788 : i32
        %ne3A_1806 = arith.constant 0 : i32
        %ne3A_1807 = arith.cmpi ne, %rem3A_1805, %ne3A_1806 : i32
        %and3A_1808 = arith.andi %ne3A_1804, %ne3A_1807 : i1
        %sub3A_1809 = arith.constant 1 : i32
        %sub3A_1810 = arith.subi %div3A_1789, %sub3A_1809 : i32
        %select_n3A_1811 = arith.select %and3A_1808, %sub3A_1810, %div3A_1789 : i32
        %jit3A_1812 = arith.constant 128 : i32
        %eq3A_1813 = arith.constant 0 : i32
        %eq3A_1814 = arith.cmpi eq, %jit3A_1812, %eq3A_1813 : i32
        %jit3A_1815 = arith.constant 1 : i32
        %select_n3A_1816 = arith.select %eq3A_1814, %jit3A_1815, %jit3A_1812 : i32
        %rem3A_1817 = arith.remsi %mul3A_1787, %select_n3A_1816 : i32
        %ne3A_1818 = arith.constant 0 : i32
        %ne3A_1819 = arith.cmpi ne, %rem3A_1817, %ne3A_1818 : i32
        %lt3A_1820 = arith.constant 0 : i32
        %lt3A_1821 = arith.cmpi slt, %rem3A_1817, %lt3A_1820 : i32
        %lt3A_1822 = arith.constant 0 : i32
        %lt3A_1823 = arith.cmpi slt, %select_n3A_1816, %lt3A_1822 : i32
        %ne3A_1824 = arith.xori %lt3A_1821, %lt3A_1823 : i1
        %and3A_1825 = arith.andi %ne3A_1824, %ne3A_1819 : i1
        %add3A_1826 = arith.addi %rem3A_1817, %select_n3A_1816 : i32
        %select_n3A_1827 = arith.select %and3A_1825, %add3A_1826, %rem3A_1817 : i32
        %dma_start3A_1828 = arith.constant 1 : i32
        %dma_start3A_1829 = arith.constant 0 : i32
        %dma_start3A_1830 = arith.constant 0 : i32
        %dma_start3A_1831 = tpu.memref_slice %arg5[%dma_start3A_1828, %dma_start3A_1829, %dma_start3A_1830] : memref<2x16x128xi32, #tpu.memory_space<vmem>> -> memref<1x16x128xi32, #tpu.memory_space<vmem>>
        %dma_start3A_1832 = tpu.memref_squeeze %dma_start3A_1831 : memref<1x16x128xi32, #tpu.memory_space<vmem>> -> memref<16x128xi32, #tpu.memory_space<vmem>>
        %dma_start3A_1833 = arith.constant 0 : i32
        %dma_start3A_1834 = tpu.memref_slice %arg3[%select_n3A_1811, %select_n3A_1827, %dma_start3A_1833] : memref<200x128x128xi32, #tpu.memory_space<hbm>> -> memref<1x16x128xi32, #tpu.memory_space<hbm>>
        %dma_start3A_1835 = tpu.memref_squeeze %dma_start3A_1834 : memref<1x16x128xi32, #tpu.memory_space<hbm>> -> memref<16x128xi32, #tpu.memory_space<hbm>>
        %dma_start3A_1836 = arith.constant 0 : i32
        %dma_start3A_1837 = arith.constant 0 : i32
        %dma_start3A_1838 = tpu.memref_slice %arg5[%dma_start3A_1828, %dma_start3A_1836, %dma_start3A_1837] : memref<2x16x128xi32, #tpu.memory_space<vmem>> -> memref<1x16x128xi32, #tpu.memory_space<vmem>>
        %dma_start3A_1839 = tpu.memref_squeeze %dma_start3A_1838 : memref<1x16x128xi32, #tpu.memory_space<vmem>> -> memref<16x128xi32, #tpu.memory_space<vmem>>
        %dma_start3A_1840 = arith.constant 0 : i32
        %dma_start3A_1841 = tpu.memref_slice %arg3[%select_n3A_1811, %select_n3A_1827, %dma_start3A_1840] : memref<200x128x128xi32, #tpu.memory_space<hbm>> -> memref<1x16x128xi32, #tpu.memory_space<hbm>>
        %dma_start3A_1842 = tpu.memref_squeeze %dma_start3A_1841 : memref<1x16x128xi32, #tpu.memory_space<hbm>> -> memref<16x128xi32, #tpu.memory_space<hbm>>
        tpu.enqueue_dma source(%dma_start3A_1842 : memref<16x128xi32, #tpu.memory_space<hbm>>) target(%dma_start3A_1839 : memref<16x128xi32, #tpu.memory_space<vmem>>) target_semaphore(%arg13 : memref<!tpu.dma_semaphore, #tpu.memory_space<semaphore_mem>>)
      } else {
      }
      %jit3A_748 = arith.constant 2 : i32
      %eq3A_749 = arith.constant 0 : i32
      %eq3A_750 = arith.cmpi eq, %jit3A_748, %eq3A_749 : i32
      %jit3A_751 = arith.constant 1 : i32
      %select_n3A_752 = arith.select %eq3A_750, %jit3A_751, %jit3A_748 : i32
      %rem3A_753 = arith.remsi %select_n3A_658, %select_n3A_752 : i32
      %ne3A_754 = arith.constant 0 : i32
      %ne3A_755 = arith.cmpi ne, %rem3A_753, %ne3A_754 : i32
      %lt3A_756 = arith.constant 0 : i32
      %lt3A_757 = arith.cmpi slt, %rem3A_753, %lt3A_756 : i32
      %lt3A_758 = arith.constant 0 : i32
      %lt3A_759 = arith.cmpi slt, %select_n3A_752, %lt3A_758 : i32
      %ne3A_760 = arith.xori %lt3A_757, %lt3A_759 : i1
      %and3A_761 = arith.andi %ne3A_760, %ne3A_755 : i1
      %add3A_762 = arith.addi %rem3A_753, %select_n3A_752 : i32
      %select_n3A_763 = arith.select %and3A_761, %add3A_762, %rem3A_753 : i32
      %eq3A_764 = arith.constant 1 : i32
      %eq3A_765 = arith.cmpi eq, %select_n3A_763, %eq3A_764 : i32
      %and3A_766 = arith.andi %and3A_683, %eq3A_765 : i1
      %convert_element_type3A_767 = arith.extui %and3A_766 : i1 to i32
      %cond3A_768 = arith.constant 0 : i32
      %cond3A_769 = arith.cmpi ne, %convert_element_type3A_767, %cond3A_768 : i32
      scf.if %cond3A_769 {
        %mul3A_1783 = arith.constant 8 : i32
        %mul3A_1784 = arith.muli %select_n3A_658, %mul3A_1783 : i32
        %add3A_1785 = arith.addi %mul3A_2, %mul3A_1784 : i32
        %mul3A_1786 = arith.constant 2 : i32
        %mul3A_1787 = arith.muli %add3A_1785, %mul3A_1786 : i32
        %jit3A_1788 = arith.constant 128 : i32
        %div3A_1789 = arith.divsi %mul3A_1787, %jit3A_1788 : i32
        %sign3A_1790 = arith.constant 0 : i32
        %sign3A_1791 = arith.cmpi sgt, %mul3A_1787, %sign3A_1790 : i32
        %sign3A_1792 = arith.extui %sign3A_1791 : i1 to i32
        %sign3A_1793 = arith.constant 0 : i32
        %sign3A_1794 = arith.cmpi slt, %mul3A_1787, %sign3A_1793 : i32
        %sign3A_1795 = arith.extui %sign3A_1794 : i1 to i32
        %sign3A_1796 = arith.subi %sign3A_1792, %sign3A_1795 : i32
        %sign3A_1797 = arith.constant 0 : i32
        %sign3A_1798 = arith.cmpi sgt, %jit3A_1788, %sign3A_1797 : i32
        %sign3A_1799 = arith.extui %sign3A_1798 : i1 to i32
        %sign3A_1800 = arith.constant 0 : i32
        %sign3A_1801 = arith.cmpi slt, %jit3A_1788, %sign3A_1800 : i32
        %sign3A_1802 = arith.extui %sign3A_1801 : i1 to i32
        %sign3A_1803 = arith.subi %sign3A_1799, %sign3A_1802 : i32
        %ne3A_1804 = arith.cmpi ne, %sign3A_1796, %sign3A_1803 : i32
        %rem3A_1805 = arith.remsi %mul3A_1787, %jit3A_1788 : i32
        %ne3A_1806 = arith.constant 0 : i32
        %ne3A_1807 = arith.cmpi ne, %rem3A_1805, %ne3A_1806 : i32
        %and3A_1808 = arith.andi %ne3A_1804, %ne3A_1807 : i1
        %sub3A_1809 = arith.constant 1 : i32
        %sub3A_1810 = arith.subi %div3A_1789, %sub3A_1809 : i32
        %select_n3A_1811 = arith.select %and3A_1808, %sub3A_1810, %div3A_1789 : i32
        %jit3A_1812 = arith.constant 128 : i32
        %eq3A_1813 = arith.constant 0 : i32
        %eq3A_1814 = arith.cmpi eq, %jit3A_1812, %eq3A_1813 : i32
        %jit3A_1815 = arith.constant 1 : i32
        %select_n3A_1816 = arith.select %eq3A_1814, %jit3A_1815, %jit3A_1812 : i32
        %rem3A_1817 = arith.remsi %mul3A_1787, %select_n3A_1816 : i32
        %ne3A_1818 = arith.constant 0 : i32
        %ne3A_1819 = arith.cmpi ne, %rem3A_1817, %ne3A_1818 : i32
        %lt3A_1820 = arith.constant 0 : i32
        %lt3A_1821 = arith.cmpi slt, %rem3A_1817, %lt3A_1820 : i32
        %lt3A_1822 = arith.constant 0 : i32
        %lt3A_1823 = arith.cmpi slt, %select_n3A_1816, %lt3A_1822 : i32
        %ne3A_1824 = arith.xori %lt3A_1821, %lt3A_1823 : i1
        %and3A_1825 = arith.andi %ne3A_1824, %ne3A_1819 : i1
        %add3A_1826 = arith.addi %rem3A_1817, %select_n3A_1816 : i32
        %select_n3A_1827 = arith.select %and3A_1825, %add3A_1826, %rem3A_1817 : i32
        %dma_wait3A_1828 = arith.constant 1 : i32
        %dma_wait3A_1829 = arith.constant 0 : i32
        %dma_wait3A_1830 = arith.constant 0 : i32
        %dma_wait3A_1831 = tpu.memref_slice %arg5[%dma_wait3A_1828, %dma_wait3A_1829, %dma_wait3A_1830] : memref<2x16x128xi32, #tpu.memory_space<vmem>> -> memref<1x16x128xi32, #tpu.memory_space<vmem>>
        %dma_wait3A_1832 = tpu.memref_squeeze %dma_wait3A_1831 : memref<1x16x128xi32, #tpu.memory_space<vmem>> -> memref<16x128xi32, #tpu.memory_space<vmem>>
        %dma_wait3A_1833 = arith.constant 0 : i32
        %dma_wait3A_1834 = tpu.memref_slice %arg3[%select_n3A_1811, %select_n3A_1827, %dma_wait3A_1833] : memref<200x128x128xi32, #tpu.memory_space<hbm>> -> memref<1x16x128xi32, #tpu.memory_space<hbm>>
        %dma_wait3A_1835 = tpu.memref_squeeze %dma_wait3A_1834 : memref<1x16x128xi32, #tpu.memory_space<hbm>> -> memref<16x128xi32, #tpu.memory_space<hbm>>
        %dma_wait3A_1836 = arith.constant 0 : i32
        %dma_wait3A_1837 = arith.constant 0 : i32
        %dma_wait3A_1838 = tpu.memref_slice %arg5[%dma_wait3A_1828, %dma_wait3A_1836, %dma_wait3A_1837] : memref<2x16x128xi32, #tpu.memory_space<vmem>> -> memref<1x16x128xi32, #tpu.memory_space<vmem>>
        %dma_wait3A_1839 = tpu.memref_squeeze %dma_wait3A_1838 : memref<1x16x128xi32, #tpu.memory_space<vmem>> -> memref<16x128xi32, #tpu.memory_space<vmem>>
        %dma_wait3A_1840 = arith.constant 0 : i32
        %dma_wait3A_1841 = tpu.memref_slice %arg3[%select_n3A_1811, %select_n3A_1827, %dma_wait3A_1840] : memref<200x128x128xi32, #tpu.memory_space<hbm>> -> memref<1x16x128xi32, #tpu.memory_space<hbm>>
        %dma_wait3A_1842 = tpu.memref_squeeze %dma_wait3A_1841 : memref<1x16x128xi32, #tpu.memory_space<hbm>> -> memref<16x128xi32, #tpu.memory_space<hbm>>
        tpu.wait_dma2 semaphore(%arg13 : memref<!tpu.dma_semaphore, #tpu.memory_space<semaphore_mem>>) src(%dma_wait3A_1842 : memref<16x128xi32, #tpu.memory_space<hbm>>) dst(%dma_wait3A_1839 : memref<16x128xi32, #tpu.memory_space<vmem>>)
      } else {
      }
      %add3A_770 = arith.constant 1 : i32
      %add3A_771 = arith.addi %add3A_582, %add3A_770 : i32
      %sub3A_772 = arith.subi %add3A_771, %mul3A_2 : i32
      %jit3A_773 = arith.constant 8 : i32
      %div3A_774 = arith.divsi %sub3A_772, %jit3A_773 : i32
      %sign3A_775 = arith.constant 0 : i32
      %sign3A_776 = arith.cmpi sgt, %sub3A_772, %sign3A_775 : i32
      %sign3A_777 = arith.extui %sign3A_776 : i1 to i32
      %sign3A_778 = arith.constant 0 : i32
      %sign3A_779 = arith.cmpi slt, %sub3A_772, %sign3A_778 : i32
      %sign3A_780 = arith.extui %sign3A_779 : i1 to i32
      %sign3A_781 = arith.subi %sign3A_777, %sign3A_780 : i32
      %sign3A_782 = arith.constant 0 : i32
      %sign3A_783 = arith.cmpi sgt, %jit3A_773, %sign3A_782 : i32
      %sign3A_784 = arith.extui %sign3A_783 : i1 to i32
      %sign3A_785 = arith.constant 0 : i32
      %sign3A_786 = arith.cmpi slt, %jit3A_773, %sign3A_785 : i32
      %sign3A_787 = arith.extui %sign3A_786 : i1 to i32
      %sign3A_788 = arith.subi %sign3A_784, %sign3A_787 : i32
      %ne3A_789 = arith.cmpi ne, %sign3A_781, %sign3A_788 : i32
      %rem3A_790 = arith.remsi %sub3A_772, %jit3A_773 : i32
      %ne3A_791 = arith.constant 0 : i32
      %ne3A_792 = arith.cmpi ne, %rem3A_790, %ne3A_791 : i32
      %and3A_793 = arith.andi %ne3A_789, %ne3A_792 : i1
      %sub3A_794 = arith.constant 1 : i32
      %sub3A_795 = arith.subi %div3A_774, %sub3A_794 : i32
      %select_n3A_796 = arith.select %and3A_793, %sub3A_795, %div3A_774 : i32
      %jit3A_797 = arith.constant 2 : i32
      %eq3A_798 = arith.constant 0 : i32
      %eq3A_799 = arith.cmpi eq, %jit3A_797, %eq3A_798 : i32
      %jit3A_800 = arith.constant 1 : i32
      %select_n3A_801 = arith.select %eq3A_799, %jit3A_800, %jit3A_797 : i32
      %rem3A_802 = arith.remsi %select_n3A_796, %select_n3A_801 : i32
      %ne3A_803 = arith.constant 0 : i32
      %ne3A_804 = arith.cmpi ne, %rem3A_802, %ne3A_803 : i32
      %lt3A_805 = arith.constant 0 : i32
      %lt3A_806 = arith.cmpi slt, %rem3A_802, %lt3A_805 : i32
      %lt3A_807 = arith.constant 0 : i32
      %lt3A_808 = arith.cmpi slt, %select_n3A_801, %lt3A_807 : i32
      %ne3A_809 = arith.xori %lt3A_806, %lt3A_808 : i1
      %and3A_810 = arith.andi %ne3A_809, %ne3A_804 : i1
      %add3A_811 = arith.addi %rem3A_802, %select_n3A_801 : i32
      %select_n3A_812 = arith.select %and3A_810, %add3A_811, %rem3A_802 : i32
      %jit3A_813 = arith.constant 8 : i32
      %eq3A_814 = arith.constant 0 : i32
      %eq3A_815 = arith.cmpi eq, %jit3A_813, %eq3A_814 : i32
      %jit3A_816 = arith.constant 1 : i32
      %select_n3A_817 = arith.select %eq3A_815, %jit3A_816, %jit3A_813 : i32
      %rem3A_818 = arith.remsi %sub3A_772, %select_n3A_817 : i32
      %ne3A_819 = arith.constant 0 : i32
      %ne3A_820 = arith.cmpi ne, %rem3A_818, %ne3A_819 : i32
      %lt3A_821 = arith.constant 0 : i32
      %lt3A_822 = arith.cmpi slt, %rem3A_818, %lt3A_821 : i32
      %lt3A_823 = arith.constant 0 : i32
      %lt3A_824 = arith.cmpi slt, %select_n3A_817, %lt3A_823 : i32
      %ne3A_825 = arith.xori %lt3A_822, %lt3A_824 : i1
      %and3A_826 = arith.andi %ne3A_825, %ne3A_820 : i1
      %add3A_827 = arith.addi %rem3A_818, %select_n3A_817 : i32
      %select_n3A_828 = arith.select %and3A_826, %add3A_827, %rem3A_818 : i32
      %mul3A_829 = arith.constant 2 : i32
      %mul3A_830 = arith.muli %select_n3A_828, %mul3A_829 : i32
      %add3A_831 = arith.constant 0 : i32
      %add3A_832 = arith.addi %mul3A_830, %add3A_831 : i32
      %dma_start3A_833 = arith.constant 1 : i32
      %dma_start3A_834 = arith.constant 0 : i32
      %dma_start3A_835 = arith.constant 0 : i32
      %dma_start3A_836 = arith.constant 0 : i32
      %dma_start3A_837 = tpu.memref_slice %arg6[%dma_start3A_833, %dma_start3A_834, %dma_start3A_835, %dma_start3A_836] : memref<2x2x128x64xf32, #tpu.memory_space<vmem>> -> memref<1x1x128x64xf32, #tpu.memory_space<vmem>>
      %dma_start3A_838 = tpu.memref_squeeze %dma_start3A_837 : memref<1x1x128x64xf32, #tpu.memory_space<vmem>> -> memref<128x64xf32, #tpu.memory_space<vmem>>
      %dma_start3A_839 = arith.constant 0 : i32
      %dma_start3A_840 = tpu.memref_slice %arg5[%select_n3A_812, %add3A_832, %dma_start3A_839] : memref<2x16x128xi32, #tpu.memory_space<vmem>> -> memref<1x1x128xi32, #tpu.memory_space<vmem>>
      %dma_start3A_841 = tpu.memref_squeeze %dma_start3A_840 : memref<1x1x128xi32, #tpu.memory_space<vmem>> -> memref<128xi32, #tpu.memory_space<vmem>>
      %dma_start3A_842 = arith.constant 0 : i32
      %dma_start3A_843 = arith.constant 0 : i32
      %dma_start3A_844 = tpu.memref_slice %arg2[%dma_start3A_842, %dma_start3A_843] : memref<1000000x64xf32, #tpu.memory_space<hbm>> -> memref<1000000x64xf32, #tpu.memory_space<hbm>>
      tpu.enqueue_indirect_dma source(%dma_start3A_844 : memref<1000000x64xf32, #tpu.memory_space<hbm>>) target(%dma_start3A_838 : memref<128x64xf32, #tpu.memory_space<vmem>>) offsets(%dma_start3A_841 : memref<128xi32, #tpu.memory_space<vmem>>) semaphore(%arg9 : memref<!tpu.dma_semaphore, #tpu.memory_space<semaphore_mem>>)
      %add3A_845 = arith.constant 1 : i32
      %add3A_846 = arith.addi %mul3A_830, %add3A_845 : i32
      %dma_start3A_847 = arith.constant 1 : i32
      %dma_start3A_848 = arith.constant 1 : i32
      %dma_start3A_849 = arith.constant 0 : i32
      %dma_start3A_850 = arith.constant 0 : i32
      %dma_start3A_851 = tpu.memref_slice %arg6[%dma_start3A_847, %dma_start3A_848, %dma_start3A_849, %dma_start3A_850] : memref<2x2x128x64xf32, #tpu.memory_space<vmem>> -> memref<1x1x128x64xf32, #tpu.memory_space<vmem>>
      %dma_start3A_852 = tpu.memref_squeeze %dma_start3A_851 : memref<1x1x128x64xf32, #tpu.memory_space<vmem>> -> memref<128x64xf32, #tpu.memory_space<vmem>>
      %dma_start3A_853 = arith.constant 0 : i32
      %dma_start3A_854 = tpu.memref_slice %arg5[%select_n3A_812, %add3A_846, %dma_start3A_853] : memref<2x16x128xi32, #tpu.memory_space<vmem>> -> memref<1x1x128xi32, #tpu.memory_space<vmem>>
      %dma_start3A_855 = tpu.memref_squeeze %dma_start3A_854 : memref<1x1x128xi32, #tpu.memory_space<vmem>> -> memref<128xi32, #tpu.memory_space<vmem>>
      %dma_start3A_856 = arith.constant 0 : i32
      %dma_start3A_857 = arith.constant 0 : i32
      %dma_start3A_858 = tpu.memref_slice %arg2[%dma_start3A_856, %dma_start3A_857] : memref<1000000x64xf32, #tpu.memory_space<hbm>> -> memref<1000000x64xf32, #tpu.memory_space<hbm>>
      tpu.enqueue_indirect_dma source(%dma_start3A_858 : memref<1000000x64xf32, #tpu.memory_space<hbm>>) target(%dma_start3A_852 : memref<128x64xf32, #tpu.memory_space<vmem>>) offsets(%dma_start3A_855 : memref<128xi32, #tpu.memory_space<vmem>>) semaphore(%arg9 : memref<!tpu.dma_semaphore, #tpu.memory_space<semaphore_mem>>)
      %sub3A_859 = arith.subi %add3A_582, %mul3A_2 : i32
      %jit3A_860 = arith.constant 8 : i32
      %div3A_861 = arith.divsi %sub3A_859, %jit3A_860 : i32
      %sign3A_862 = arith.constant 0 : i32
      %sign3A_863 = arith.cmpi sgt, %sub3A_859, %sign3A_862 : i32
      %sign3A_864 = arith.extui %sign3A_863 : i1 to i32
      %sign3A_865 = arith.constant 0 : i32
      %sign3A_866 = arith.cmpi slt, %sub3A_859, %sign3A_865 : i32
      %sign3A_867 = arith.extui %sign3A_866 : i1 to i32
      %sign3A_868 = arith.subi %sign3A_864, %sign3A_867 : i32
      %sign3A_869 = arith.constant 0 : i32
      %sign3A_870 = arith.cmpi sgt, %jit3A_860, %sign3A_869 : i32
      %sign3A_871 = arith.extui %sign3A_870 : i1 to i32
      %sign3A_872 = arith.constant 0 : i32
      %sign3A_873 = arith.cmpi slt, %jit3A_860, %sign3A_872 : i32
      %sign3A_874 = arith.extui %sign3A_873 : i1 to i32
      %sign3A_875 = arith.subi %sign3A_871, %sign3A_874 : i32
      %ne3A_876 = arith.cmpi ne, %sign3A_868, %sign3A_875 : i32
      %rem3A_877 = arith.remsi %sub3A_859, %jit3A_860 : i32
      %ne3A_878 = arith.constant 0 : i32
      %ne3A_879 = arith.cmpi ne, %rem3A_877, %ne3A_878 : i32
      %and3A_880 = arith.andi %ne3A_876, %ne3A_879 : i1
      %sub3A_881 = arith.constant 1 : i32
      %sub3A_882 = arith.subi %div3A_861, %sub3A_881 : i32
      %select_n3A_883 = arith.select %and3A_880, %sub3A_882, %div3A_861 : i32
      %jit3A_884 = arith.constant 2 : i32
      %eq3A_885 = arith.constant 0 : i32
      %eq3A_886 = arith.cmpi eq, %jit3A_884, %eq3A_885 : i32
      %jit3A_887 = arith.constant 1 : i32
      %select_n3A_888 = arith.select %eq3A_886, %jit3A_887, %jit3A_884 : i32
      %rem3A_889 = arith.remsi %select_n3A_883, %select_n3A_888 : i32
      %ne3A_890 = arith.constant 0 : i32
      %ne3A_891 = arith.cmpi ne, %rem3A_889, %ne3A_890 : i32
      %lt3A_892 = arith.constant 0 : i32
      %lt3A_893 = arith.cmpi slt, %rem3A_889, %lt3A_892 : i32
      %lt3A_894 = arith.constant 0 : i32
      %lt3A_895 = arith.cmpi slt, %select_n3A_888, %lt3A_894 : i32
      %ne3A_896 = arith.xori %lt3A_893, %lt3A_895 : i1
      %and3A_897 = arith.andi %ne3A_896, %ne3A_891 : i1
      %add3A_898 = arith.addi %rem3A_889, %select_n3A_888 : i32
      %select_n3A_899 = arith.select %and3A_897, %add3A_898, %rem3A_889 : i32
      %jit3A_900 = arith.constant 8 : i32
      %eq3A_901 = arith.constant 0 : i32
      %eq3A_902 = arith.cmpi eq, %jit3A_900, %eq3A_901 : i32
      %jit3A_903 = arith.constant 1 : i32
      %select_n3A_904 = arith.select %eq3A_902, %jit3A_903, %jit3A_900 : i32
      %rem3A_905 = arith.remsi %sub3A_859, %select_n3A_904 : i32
      %ne3A_906 = arith.constant 0 : i32
      %ne3A_907 = arith.cmpi ne, %rem3A_905, %ne3A_906 : i32
      %lt3A_908 = arith.constant 0 : i32
      %lt3A_909 = arith.cmpi slt, %rem3A_905, %lt3A_908 : i32
      %lt3A_910 = arith.constant 0 : i32
      %lt3A_911 = arith.cmpi slt, %select_n3A_904, %lt3A_910 : i32
      %ne3A_912 = arith.xori %lt3A_909, %lt3A_911 : i1
      %and3A_913 = arith.andi %ne3A_912, %ne3A_907 : i1
      %add3A_914 = arith.addi %rem3A_905, %select_n3A_904 : i32
      %select_n3A_915 = arith.select %and3A_913, %add3A_914, %rem3A_905 : i32
      %mul3A_916 = arith.constant 2 : i32
      %mul3A_917 = arith.muli %select_n3A_915, %mul3A_916 : i32
      %add3A_918 = arith.constant 0 : i32
      %add3A_919 = arith.addi %mul3A_917, %add3A_918 : i32
      %dma_wait3A_920 = arith.constant 0 : i32
      %dma_wait3A_921 = arith.constant 0 : i32
      %dma_wait3A_922 = arith.constant 0 : i32
      %dma_wait3A_923 = arith.constant 0 : i32
      %dma_wait3A_924 = tpu.memref_slice %arg6[%dma_wait3A_920, %dma_wait3A_921, %dma_wait3A_922, %dma_wait3A_923] : memref<2x2x128x64xf32, #tpu.memory_space<vmem>> -> memref<1x1x128x64xf32, #tpu.memory_space<vmem>>
      %dma_wait3A_925 = tpu.memref_squeeze %dma_wait3A_924 : memref<1x1x128x64xf32, #tpu.memory_space<vmem>> -> memref<128x64xf32, #tpu.memory_space<vmem>>
      %dma_wait3A_926 = arith.constant 0 : i32
      %dma_wait3A_927 = tpu.memref_slice %arg5[%select_n3A_899, %add3A_919, %dma_wait3A_926] : memref<2x16x128xi32, #tpu.memory_space<vmem>> -> memref<1x1x128xi32, #tpu.memory_space<vmem>>
      %dma_wait3A_928 = tpu.memref_squeeze %dma_wait3A_927 : memref<1x1x128xi32, #tpu.memory_space<vmem>> -> memref<128xi32, #tpu.memory_space<vmem>>
      %dma_wait3A_929 = arith.constant 0 : i32
      %dma_wait3A_930 = arith.constant 0 : i32
      %dma_wait3A_931 = tpu.memref_slice %arg2[%dma_wait3A_929, %dma_wait3A_930] : memref<1000000x64xf32, #tpu.memory_space<hbm>> -> memref<1000000x64xf32, #tpu.memory_space<hbm>>
      tpu.wait_indirect_dma semaphore(%arg8 : memref<!tpu.dma_semaphore, #tpu.memory_space<semaphore_mem>>) src(%dma_wait3A_931 : memref<1000000x64xf32, #tpu.memory_space<hbm>>) dst(%dma_wait3A_925 : memref<128x64xf32, #tpu.memory_space<vmem>>)
      %add3A_932 = arith.constant 1 : i32
      %add3A_933 = arith.addi %mul3A_917, %add3A_932 : i32
      %dma_wait3A_934 = arith.constant 0 : i32
      %dma_wait3A_935 = arith.constant 1 : i32
      %dma_wait3A_936 = arith.constant 0 : i32
      %dma_wait3A_937 = arith.constant 0 : i32
      %dma_wait3A_938 = tpu.memref_slice %arg6[%dma_wait3A_934, %dma_wait3A_935, %dma_wait3A_936, %dma_wait3A_937] : memref<2x2x128x64xf32, #tpu.memory_space<vmem>> -> memref<1x1x128x64xf32, #tpu.memory_space<vmem>>
      %dma_wait3A_939 = tpu.memref_squeeze %dma_wait3A_938 : memref<1x1x128x64xf32, #tpu.memory_space<vmem>> -> memref<128x64xf32, #tpu.memory_space<vmem>>
      %dma_wait3A_940 = arith.constant 0 : i32
      %dma_wait3A_941 = tpu.memref_slice %arg5[%select_n3A_899, %add3A_933, %dma_wait3A_940] : memref<2x16x128xi32, #tpu.memory_space<vmem>> -> memref<1x1x128xi32, #tpu.memory_space<vmem>>
      %dma_wait3A_942 = tpu.memref_squeeze %dma_wait3A_941 : memref<1x1x128xi32, #tpu.memory_space<vmem>> -> memref<128xi32, #tpu.memory_space<vmem>>
      %dma_wait3A_943 = arith.constant 0 : i32
      %dma_wait3A_944 = arith.constant 0 : i32
      %dma_wait3A_945 = tpu.memref_slice %arg2[%dma_wait3A_943, %dma_wait3A_944] : memref<1000000x64xf32, #tpu.memory_space<hbm>> -> memref<1000000x64xf32, #tpu.memory_space<hbm>>
      tpu.wait_indirect_dma semaphore(%arg8 : memref<!tpu.dma_semaphore, #tpu.memory_space<semaphore_mem>>) src(%dma_wait3A_945 : memref<1000000x64xf32, #tpu.memory_space<hbm>>) dst(%dma_wait3A_939 : memref<128x64xf32, #tpu.memory_space<vmem>>)
      %add3A_946 = arith.constant 0 : i32
      %add3A_947 = arith.addi %scan3A_576, %add3A_946 : i32
      %ge3A = arith.constant 1 : i32
      %ge3A_948 = arith.cmpi sge, %add3A_947, %ge3A : i32
      %convert_element_type3A_949 = arith.extui %ge3A_948 : i1 to i32
      %cond3A_950 = arith.constant 0 : i32
      %cond3A_951 = arith.cmpi ne, %convert_element_type3A_949, %cond3A_950 : i32
      scf.if %cond3A_951 {
        %sub3A_1783 = arith.constant 1 : i32
        %sub3A_1784 = arith.subi %add3A_582, %sub3A_1783 : i32
        %mul3A_1785 = arith.constant 2 : i32
        %mul3A_1786 = arith.muli %sub3A_1784, %mul3A_1785 : i32
        %add3A_1787 = arith.constant 0 : i32
        %add3A_1788 = arith.addi %mul3A_1786, %add3A_1787 : i32
        %jit3A_1789 = arith.constant 128 : i32
        %div3A_1790 = arith.divsi %add3A_1788, %jit3A_1789 : i32
        %sign3A_1791 = arith.constant 0 : i32
        %sign3A_1792 = arith.cmpi sgt, %add3A_1788, %sign3A_1791 : i32
        %sign3A_1793 = arith.extui %sign3A_1792 : i1 to i32
        %sign3A_1794 = arith.constant 0 : i32
        %sign3A_1795 = arith.cmpi slt, %add3A_1788, %sign3A_1794 : i32
        %sign3A_1796 = arith.extui %sign3A_1795 : i1 to i32
        %sign3A_1797 = arith.subi %sign3A_1793, %sign3A_1796 : i32
        %sign3A_1798 = arith.constant 0 : i32
        %sign3A_1799 = arith.cmpi sgt, %jit3A_1789, %sign3A_1798 : i32
        %sign3A_1800 = arith.extui %sign3A_1799 : i1 to i32
        %sign3A_1801 = arith.constant 0 : i32
        %sign3A_1802 = arith.cmpi slt, %jit3A_1789, %sign3A_1801 : i32
        %sign3A_1803 = arith.extui %sign3A_1802 : i1 to i32
        %sign3A_1804 = arith.subi %sign3A_1800, %sign3A_1803 : i32
        %ne3A_1805 = arith.cmpi ne, %sign3A_1797, %sign3A_1804 : i32
        %rem3A_1806 = arith.remsi %add3A_1788, %jit3A_1789 : i32
        %ne3A_1807 = arith.constant 0 : i32
        %ne3A_1808 = arith.cmpi ne, %rem3A_1806, %ne3A_1807 : i32
        %and3A_1809 = arith.andi %ne3A_1805, %ne3A_1808 : i1
        %sub3A_1810 = arith.constant 1 : i32
        %sub3A_1811 = arith.subi %div3A_1790, %sub3A_1810 : i32
        %select_n3A_1812 = arith.select %and3A_1809, %sub3A_1811, %div3A_1790 : i32
        %jit3A_1813 = arith.constant 128 : i32
        %eq3A_1814 = arith.constant 0 : i32
        %eq3A_1815 = arith.cmpi eq, %jit3A_1813, %eq3A_1814 : i32
        %jit3A_1816 = arith.constant 1 : i32
        %select_n3A_1817 = arith.select %eq3A_1815, %jit3A_1816, %jit3A_1813 : i32
        %rem3A_1818 = arith.remsi %add3A_1788, %select_n3A_1817 : i32
        %ne3A_1819 = arith.constant 0 : i32
        %ne3A_1820 = arith.cmpi ne, %rem3A_1818, %ne3A_1819 : i32
        %lt3A_1821 = arith.constant 0 : i32
        %lt3A_1822 = arith.cmpi slt, %rem3A_1818, %lt3A_1821 : i32
        %lt3A_1823 = arith.constant 0 : i32
        %lt3A_1824 = arith.cmpi slt, %select_n3A_1817, %lt3A_1823 : i32
        %ne3A_1825 = arith.xori %lt3A_1822, %lt3A_1824 : i1
        %and3A_1826 = arith.andi %ne3A_1825, %ne3A_1820 : i1
        %add3A_1827 = arith.addi %rem3A_1818, %select_n3A_1817 : i32
        %select_n3A_1828 = arith.select %and3A_1826, %add3A_1827, %rem3A_1818 : i32
        %dma_wait3A_1829 = arith.constant 0 : i32
        %dma_wait3A_1830 = arith.constant 0 : i32
        %dma_wait3A_1831 = arith.constant 0 : i32
        %dma_wait3A_1832 = arith.constant 0 : i32
        %dma_wait3A_1833 = tpu.memref_slice %arg7[%dma_wait3A_1829, %dma_wait3A_1830, %dma_wait3A_1831, %dma_wait3A_1832] : memref<2x8x8x129xf32, #tpu.memory_space<vmem>> -> memref<1x8x8x128xf32, #tpu.memory_space<vmem>>
        %dma_wait3A_1834 = tpu.memref_squeeze %dma_wait3A_1833 : memref<1x8x8x128xf32, #tpu.memory_space<vmem>> -> memref<8x8x128xf32, #tpu.memory_space<vmem>>
        %dma_wait3A_1835 = arith.constant 0 : i32
        %dma_wait3A_1836 = arith.constant 0 : i32
        %dma_wait3A_1837 = arith.constant 0 : i32
        %dma_wait3A_1838 = tpu.memref_slice %arg4[%select_n3A_1812, %dma_wait3A_1835, %select_n3A_1828, %dma_wait3A_1836, %dma_wait3A_1837] : memref<200x8x128x8x128xf32, #tpu.memory_space<hbm>> -> memref<1x8x1x8x128xf32, #tpu.memory_space<hbm>>
        %dma_wait3A_1839 = tpu.memref_squeeze %dma_wait3A_1838 : memref<1x8x1x8x128xf32, #tpu.memory_space<hbm>> -> memref<8x8x128xf32, #tpu.memory_space<hbm>>
        %dma_wait3A_1840 = arith.constant 0 : i32
        %dma_wait3A_1841 = arith.constant 0 : i32
        %dma_wait3A_1842 = arith.constant 0 : i32
        %dma_wait3A_1843 = tpu.memref_slice %arg4[%select_n3A_1812, %dma_wait3A_1840, %select_n3A_1828, %dma_wait3A_1841, %dma_wait3A_1842] : memref<200x8x128x8x128xf32, #tpu.memory_space<hbm>> -> memref<1x8x1x8x128xf32, #tpu.memory_space<hbm>>
        %dma_wait3A_1844 = tpu.memref_squeeze %dma_wait3A_1843 : memref<1x8x1x8x128xf32, #tpu.memory_space<hbm>> -> memref<8x8x128xf32, #tpu.memory_space<hbm>>
        %dma_wait3A_1845 = arith.constant 0 : i32
        %dma_wait3A_1846 = arith.constant 0 : i32
        %dma_wait3A_1847 = arith.constant 0 : i32
        %dma_wait3A_1848 = tpu.memref_slice %arg7[%dma_wait3A_1829, %dma_wait3A_1845, %dma_wait3A_1846, %dma_wait3A_1847] : memref<2x8x8x129xf32, #tpu.memory_space<vmem>> -> memref<1x8x8x128xf32, #tpu.memory_space<vmem>>
        %dma_wait3A_1849 = tpu.memref_squeeze %dma_wait3A_1848 : memref<1x8x8x128xf32, #tpu.memory_space<vmem>> -> memref<8x8x128xf32, #tpu.memory_space<vmem>>
        tpu.wait_dma2 semaphore(%arg10 : memref<!tpu.dma_semaphore, #tpu.memory_space<semaphore_mem>>) src(%dma_wait3A_1849 : memref<8x8x128xf32, #tpu.memory_space<vmem>>) dst(%dma_wait3A_1844 : memref<8x8x128xf32, #tpu.memory_space<hbm>>)
      } else {
      }
      %broadcast_in_dim3A = arith.constant 0 : i32
      %broadcast_in_dim3A_952 = vector.broadcast %broadcast_in_dim3A : i32 to vector<16xi32>
      %get3A = arith.constant 0 : i32
      %get3A_953 = arith.constant 0 : i32
      %get3A_954 = arith.constant 0 : i32
      %get3A_955 = arith.index_cast %get3A : i32 to index
      %get3A_956 = arith.index_cast %get3A_953 : i32 to index
      %get3A_957 = arith.index_cast %get3A_954 : i32 to index
      %get3A_958 = arith.constant 0 : index
      %get3A_959 = tpu.vector_load %arg6[%get3A_955, %get3A_956, %get3A_957, %get3A_958] {strides = array<i32>} : memref<2x2x128x64xf32, #tpu.memory_space<vmem>>, vector<16xf32>,
      %get3A_960 = arith.constant 0 : i32
      %get3A_961 = arith.constant 0 : i32
      %get3A_962 = arith.constant 0 : i32
      %get3A_963 = arith.index_cast %get3A_960 : i32 to index
      %get3A_964 = arith.index_cast %get3A_961 : i32 to index
      %get3A_965 = arith.index_cast %get3A_962 : i32 to index
      %get3A_966 = arith.constant 16 : index
      %get3A_967 = tpu.vector_load %arg6[%get3A_963, %get3A_964, %get3A_965, %get3A_966] {strides = array<i32>} : memref<2x2x128x64xf32, #tpu.memory_space<vmem>>, vector<16xf32>,
      %get3A_968 = arith.constant 0 : i32
      %get3A_969 = arith.constant 0 : i32
      %get3A_970 = arith.constant 0 : i32
      %get3A_971 = arith.index_cast %get3A_968 : i32 to index
      %get3A_972 = arith.index_cast %get3A_969 : i32 to index
      %get3A_973 = arith.index_cast %get3A_970 : i32 to index
      %get3A_974 = arith.constant 32 : index
      %get3A_975 = tpu.vector_load %arg6[%get3A_971, %get3A_972, %get3A_973, %get3A_974] {strides = array<i32>} : memref<2x2x128x64xf32, #tpu.memory_space<vmem>>, vector<16xf32>,
      %get3A_976 = arith.constant 0 : i32
      %get3A_977 = arith.constant 0 : i32
      %get3A_978 = arith.constant 0 : i32
      %get3A_979 = arith.index_cast %get3A_976 : i32 to index
      %get3A_980 = arith.index_cast %get3A_977 : i32 to index
      %get3A_981 = arith.index_cast %get3A_978 : i32 to index
      %get3A_982 = arith.constant 48 : index
      %get3A_983 = tpu.vector_load %arg6[%get3A_979, %get3A_980, %get3A_981, %get3A_982] {strides = array<i32>} : memref<2x2x128x64xf32, #tpu.memory_space<vmem>>, vector<16xf32>,
      %scan3A_984 = arith.constant 0 : i32
      %scan3A_985 = arith.constant 0 : i32
      %scan3A_986 = arith.constant 127 : i32
      %scan3A_987 = arith.addi %scan3A_985, %scan3A_986 : i32
      %scan3A_988 = arith.constant 1 : i32
      %scan3A_989:5 = scf.for %scan3A_1783 = %scan3A_985 to %scan3A_987 step %scan3A_988 iter_args(%scan3A_1784 = %get3A_959, %scan3A_1785 = %get3A_967, %scan3A_1786 = %get3A_975, %scan3A_1787 = %get3A_983, %scan3A_1788 = %broadcast_in_dim3A_952) -> (vector<16xf32>, vector<16xf32>, vector<16xf32>, vector<16xf32>, vector<16xi32>)  : i32 {
        %add3A_1789 = arith.constant 1 : i32
        %add3A_1790 = arith.addi %scan3A_1783, %add3A_1789 : i32
        %get3A_1791 = arith.constant 0 : i32
        %get3A_1792 = arith.constant 0 : i32
        %get3A_1793 = arith.index_cast %get3A_1791 : i32 to index
        %get3A_1794 = arith.index_cast %get3A_1792 : i32 to index
        %get3A_1795 = arith.index_cast %add3A_1790 : i32 to index
        %get3A_1796 = arith.constant 0 : index
        %get3A_1797 = tpu.vector_load %arg6[%get3A_1793, %get3A_1794, %get3A_1795, %get3A_1796] {strides = array<i32>} : memref<2x2x128x64xf32, #tpu.memory_space<vmem>>, vector<16xf32>,
        %get3A_1798 = arith.constant 0 : i32
        %get3A_1799 = arith.constant 0 : i32
        %get3A_1800 = arith.index_cast %get3A_1798 : i32 to index
        %get3A_1801 = arith.index_cast %get3A_1799 : i32 to index
        %get3A_1802 = arith.index_cast %add3A_1790 : i32 to index
        %get3A_1803 = arith.constant 16 : index
        %get3A_1804 = tpu.vector_load %arg6[%get3A_1800, %get3A_1801, %get3A_1802, %get3A_1803] {strides = array<i32>} : memref<2x2x128x64xf32, #tpu.memory_space<vmem>>, vector<16xf32>,
        %get3A_1805 = arith.constant 0 : i32
        %get3A_1806 = arith.constant 0 : i32
        %get3A_1807 = arith.index_cast %get3A_1805 : i32 to index
        %get3A_1808 = arith.index_cast %get3A_1806 : i32 to index
        %get3A_1809 = arith.index_cast %add3A_1790 : i32 to index
        %get3A_1810 = arith.constant 32 : index
        %get3A_1811 = tpu.vector_load %arg6[%get3A_1807, %get3A_1808, %get3A_1809, %get3A_1810] {strides = array<i32>} : memref<2x2x128x64xf32, #tpu.memory_space<vmem>>, vector<16xf32>,
        %get3A_1812 = arith.constant 0 : i32
        %get3A_1813 = arith.constant 0 : i32
        %get3A_1814 = arith.index_cast %get3A_1812 : i32 to index
        %get3A_1815 = arith.index_cast %get3A_1813 : i32 to index
        %get3A_1816 = arith.index_cast %add3A_1790 : i32 to index
        %get3A_1817 = arith.constant 48 : index
        %get3A_1818 = tpu.vector_load %arg6[%get3A_1814, %get3A_1815, %get3A_1816, %get3A_1817] {strides = array<i32>} : memref<2x2x128x64xf32, #tpu.memory_space<vmem>>, vector<16xf32>,
        %scatter3A_1819 = arith.constant 0 : i32
        %scatter3A_1820 = arith.constant 0 : i32
        %scatter3A_1821 = arith.constant 0 : i32
        %scatter3A_1822 = tpu.memref_slice %arg7[%scan3A_984, %scatter3A_1819, %scatter3A_1820, %scatter3A_1821] : memref<2x8x8x129xf32, #tpu.memory_space<vmem>> -> memref<1x8x8x129xf32, #tpu.memory_space<vmem>>
        %scatter3A_1823 = tpu.memref_squeeze %scatter3A_1822 : memref<1x8x8x129xf32, #tpu.memory_space<vmem>> -> memref<8x8x129xf32, #tpu.memory_space<vmem>>
        tpu.vector_store_idx %scatter3A_1823[%select_n3A, %select_n3A_153, %scan3A_1788], %scan3A_1784 : memref<8x8x129xf32, #tpu.memory_space<vmem>>[vector<16xi32>, vector<16xi32>, vector<16xi32>], vector<16xf32>,
        %scatter3A_1824 = arith.constant 0 : i32
        %scatter3A_1825 = arith.constant 0 : i32
        %scatter3A_1826 = arith.constant 0 : i32
        %scatter3A_1827 = tpu.memref_slice %arg7[%scan3A_984, %scatter3A_1824, %scatter3A_1825, %scatter3A_1826] : memref<2x8x8x129xf32, #tpu.memory_space<vmem>> -> memref<1x8x8x129xf32, #tpu.memory_space<vmem>>
        %scatter3A_1828 = tpu.memref_squeeze %scatter3A_1827 : memref<1x8x8x129xf32, #tpu.memory_space<vmem>> -> memref<8x8x129xf32, #tpu.memory_space<vmem>>
        tpu.vector_store_idx %scatter3A_1828[%select_n3A_62, %select_n3A_178, %scan3A_1788], %scan3A_1785 : memref<8x8x129xf32, #tpu.memory_space<vmem>>[vector<16xi32>, vector<16xi32>, vector<16xi32>], vector<16xf32>,
        %scatter3A_1829 = arith.constant 0 : i32
        %scatter3A_1830 = arith.constant 0 : i32
        %scatter3A_1831 = arith.constant 0 : i32
        %scatter3A_1832 = tpu.memref_slice %arg7[%scan3A_984, %scatter3A_1829, %scatter3A_1830, %scatter3A_1831] : memref<2x8x8x129xf32, #tpu.memory_space<vmem>> -> memref<1x8x8x129xf32, #tpu.memory_space<vmem>>
        %scatter3A_1833 = tpu.memref_squeeze %scatter3A_1832 : memref<1x8x8x129xf32, #tpu.memory_space<vmem>> -> memref<8x8x129xf32, #tpu.memory_space<vmem>>
        tpu.vector_store_idx %scatter3A_1833[%select_n3A_96, %select_n3A_203, %scan3A_1788], %scan3A_1786 : memref<8x8x129xf32, #tpu.memory_space<vmem>>[vector<16xi32>, vector<16xi32>, vector<16xi32>], vector<16xf32>,
        %scatter3A_1834 = arith.constant 0 : i32
        %scatter3A_1835 = arith.constant 0 : i32
        %scatter3A_1836 = arith.constant 0 : i32
        %scatter3A_1837 = tpu.memref_slice %arg7[%scan3A_984, %scatter3A_1834, %scatter3A_1835, %scatter3A_1836] : memref<2x8x8x129xf32, #tpu.memory_space<vmem>> -> memref<1x8x8x129xf32, #tpu.memory_space<vmem>>
        %scatter3A_1838 = tpu.memref_squeeze %scatter3A_1837 : memref<1x8x8x129xf32, #tpu.memory_space<vmem>> -> memref<8x8x129xf32, #tpu.memory_space<vmem>>
        tpu.vector_store_idx %scatter3A_1838[%select_n3A_130, %select_n3A_228, %scan3A_1788], %scan3A_1787 : memref<8x8x129xf32, #tpu.memory_space<vmem>>[vector<16xi32>, vector<16xi32>, vector<16xi32>], vector<16xf32>,
        %add3A_1839 = arith.constant 1 : i32
        %add3A_1840 = vector.broadcast %add3A_1839 : i32 to vector<16xi32>
        %add3A_1841 = arith.addi %scan3A_1788, %add3A_1840 : vector<16xi32>
        scf.yield %get3A_1797, %get3A_1804, %get3A_1811, %get3A_1818, %add3A_1841 : vector<16xf32>, vector<16xf32>, vector<16xf32>, vector<16xf32>, vector<16xi32>
      }
      %scan3A_990 = arith.constant 127 : i32
      %scatter3A = arith.constant 0 : i32
      %scatter3A_991 = arith.constant 0 : i32
      %scatter3A_992 = arith.constant 0 : i32
      %scatter3A_993 = arith.constant 0 : i32
      %scatter3A_994 = tpu.memref_slice %arg7[%scatter3A, %scatter3A_991, %scatter3A_992, %scatter3A_993] : memref<2x8x8x129xf32, #tpu.memory_space<vmem>> -> memref<1x8x8x129xf32, #tpu.memory_space<vmem>>
      %scatter3A_995 = tpu.memref_squeeze %scatter3A_994 : memref<1x8x8x129xf32, #tpu.memory_space<vmem>> -> memref<8x8x129xf32, #tpu.memory_space<vmem>>
      tpu.vector_store_idx %scatter3A_995[%select_n3A, %select_n3A_153, %scan3A_989#4], %scan3A_989#0 : memref<8x8x129xf32, #tpu.memory_space<vmem>>[vector<16xi32>, vector<16xi32>, vector<16xi32>], vector<16xf32>,
      %scatter3A_996 = arith.constant 0 : i32
      %scatter3A_997 = arith.constant 0 : i32
      %scatter3A_998 = arith.constant 0 : i32
      %scatter3A_999 = arith.constant 0 : i32
      %scatter3A_1000 = tpu.memref_slice %arg7[%scatter3A_996, %scatter3A_997, %scatter3A_998, %scatter3A_999] : memref<2x8x8x129xf32, #tpu.memory_space<vmem>> -> memref<1x8x8x129xf32, #tpu.memory_space<vmem>>
      %scatter3A_1001 = tpu.memref_squeeze %scatter3A_1000 : memref<1x8x8x129xf32, #tpu.memory_space<vmem>> -> memref<8x8x129xf32, #tpu.memory_space<vmem>>
      tpu.vector_store_idx %scatter3A_1001[%select_n3A_62, %select_n3A_178, %scan3A_989#4], %scan3A_989#1 : memref<8x8x129xf32, #tpu.memory_space<vmem>>[vector<16xi32>, vector<16xi32>, vector<16xi32>], vector<16xf32>,
      %scatter3A_1002 = arith.constant 0 : i32
      %scatter3A_1003 = arith.constant 0 : i32
      %scatter3A_1004 = arith.constant 0 : i32
      %scatter3A_1005 = arith.constant 0 : i32
      %scatter3A_1006 = tpu.memref_slice %arg7[%scatter3A_1002, %scatter3A_1003, %scatter3A_1004, %scatter3A_1005] : memref<2x8x8x129xf32, #tpu.memory_space<vmem>> -> memref<1x8x8x129xf32, #tpu.memory_space<vmem>>
      %scatter3A_1007 = tpu.memref_squeeze %scatter3A_1006 : memref<1x8x8x129xf32, #tpu.memory_space<vmem>> -> memref<8x8x129xf32, #tpu.memory_space<vmem>>
      tpu.vector_store_idx %scatter3A_1007[%select_n3A_96, %select_n3A_203, %scan3A_989#4], %scan3A_989#2 : memref<8x8x129xf32, #tpu.memory_space<vmem>>[vector<16xi32>, vector<16xi32>, vector<16xi32>], vector<16xf32>,
      %scatter3A_1008 = arith.constant 0 : i32
      %scatter3A_1009 = arith.constant 0 : i32
      %scatter3A_1010 = arith.constant 0 : i32
      %scatter3A_1011 = arith.constant 0 : i32
      %scatter3A_1012 = tpu.memref_slice %arg7[%scatter3A_1008, %scatter3A_1009, %scatter3A_1010, %scatter3A_1011] : memref<2x8x8x129xf32, #tpu.memory_space<vmem>> -> memref<1x8x8x129xf32, #tpu.memory_space<vmem>>
      %scatter3A_1013 = tpu.memref_squeeze %scatter3A_1012 : memref<1x8x8x129xf32, #tpu.memory_space<vmem>> -> memref<8x8x129xf32, #tpu.memory_space<vmem>>
      tpu.vector_store_idx %scatter3A_1013[%select_n3A_130, %select_n3A_228, %scan3A_989#4], %scan3A_989#3 : memref<8x8x129xf32, #tpu.memory_space<vmem>>[vector<16xi32>, vector<16xi32>, vector<16xi32>], vector<16xf32>,
      %mul3A_1014 = arith.constant 2 : i32
      %mul3A_1015 = arith.muli %add3A_582, %mul3A_1014 : i32
      %add3A_1016 = arith.constant 0 : i32
      %add3A_1017 = arith.addi %mul3A_1015, %add3A_1016 : i32
      %jit3A_1018 = arith.constant 128 : i32
      %div3A_1019 = arith.divsi %add3A_1017, %jit3A_1018 : i32
      %sign3A_1020 = arith.constant 0 : i32
      %sign3A_1021 = arith.cmpi sgt, %add3A_1017, %sign3A_1020 : i32
      %sign3A_1022 = arith.extui %sign3A_1021 : i1 to i32
      %sign3A_1023 = arith.constant 0 : i32
      %sign3A_1024 = arith.cmpi slt, %add3A_1017, %sign3A_1023 : i32
      %sign3A_1025 = arith.extui %sign3A_1024 : i1 to i32
      %sign3A_1026 = arith.subi %sign3A_1022, %sign3A_1025 : i32
      %sign3A_1027 = arith.constant 0 : i32
      %sign3A_1028 = arith.cmpi sgt, %jit3A_1018, %sign3A_1027 : i32
      %sign3A_1029 = arith.extui %sign3A_1028 : i1 to i32
      %sign3A_1030 = arith.constant 0 : i32
      %sign3A_1031 = arith.cmpi slt, %jit3A_1018, %sign3A_1030 : i32
      %sign3A_1032 = arith.extui %sign3A_1031 : i1 to i32
      %sign3A_1033 = arith.subi %sign3A_1029, %sign3A_1032 : i32
      %ne3A_1034 = arith.cmpi ne, %sign3A_1026, %sign3A_1033 : i32
      %rem3A_1035 = arith.remsi %add3A_1017, %jit3A_1018 : i32
      %ne3A_1036 = arith.constant 0 : i32
      %ne3A_1037 = arith.cmpi ne, %rem3A_1035, %ne3A_1036 : i32
      %and3A_1038 = arith.andi %ne3A_1034, %ne3A_1037 : i1
      %sub3A_1039 = arith.constant 1 : i32
      %sub3A_1040 = arith.subi %div3A_1019, %sub3A_1039 : i32
      %select_n3A_1041 = arith.select %and3A_1038, %sub3A_1040, %div3A_1019 : i32
      %jit3A_1042 = arith.constant 128 : i32
      %eq3A_1043 = arith.constant 0 : i32
      %eq3A_1044 = arith.cmpi eq, %jit3A_1042, %eq3A_1043 : i32
      %jit3A_1045 = arith.constant 1 : i32
      %select_n3A_1046 = arith.select %eq3A_1044, %jit3A_1045, %jit3A_1042 : i32
      %rem3A_1047 = arith.remsi %add3A_1017, %select_n3A_1046 : i32
      %ne3A_1048 = arith.constant 0 : i32
      %ne3A_1049 = arith.cmpi ne, %rem3A_1047, %ne3A_1048 : i32
      %lt3A_1050 = arith.constant 0 : i32
      %lt3A_1051 = arith.cmpi slt, %rem3A_1047, %lt3A_1050 : i32
      %lt3A_1052 = arith.constant 0 : i32
      %lt3A_1053 = arith.cmpi slt, %select_n3A_1046, %lt3A_1052 : i32
      %ne3A_1054 = arith.xori %lt3A_1051, %lt3A_1053 : i1
      %and3A_1055 = arith.andi %ne3A_1054, %ne3A_1049 : i1
      %add3A_1056 = arith.addi %rem3A_1047, %select_n3A_1046 : i32
      %select_n3A_1057 = arith.select %and3A_1055, %add3A_1056, %rem3A_1047 : i32
      %dma_start3A_1058 = arith.constant 0 : i32
      %dma_start3A_1059 = arith.constant 0 : i32
      %dma_start3A_1060 = arith.constant 0 : i32
      %dma_start3A_1061 = arith.constant 0 : i32
      %dma_start3A_1062 = tpu.memref_slice %arg7[%dma_start3A_1058, %dma_start3A_1059, %dma_start3A_1060, %dma_start3A_1061] : memref<2x8x8x129xf32, #tpu.memory_space<vmem>> -> memref<1x8x8x128xf32, #tpu.memory_space<vmem>>
      %dma_start3A_1063 = tpu.memref_squeeze %dma_start3A_1062 : memref<1x8x8x128xf32, #tpu.memory_space<vmem>> -> memref<8x8x128xf32, #tpu.memory_space<vmem>>
      %dma_start3A_1064 = arith.constant 0 : i32
      %dma_start3A_1065 = arith.constant 0 : i32
      %dma_start3A_1066 = arith.constant 0 : i32
      %dma_start3A_1067 = tpu.memref_slice %arg4[%select_n3A_1041, %dma_start3A_1064, %select_n3A_1057, %dma_start3A_1065, %dma_start3A_1066] : memref<200x8x128x8x128xf32, #tpu.memory_space<hbm>> -> memref<1x8x1x8x128xf32, #tpu.memory_space<hbm>>
      %dma_start3A_1068 = tpu.memref_squeeze %dma_start3A_1067 : memref<1x8x1x8x128xf32, #tpu.memory_space<hbm>> -> memref<8x8x128xf32, #tpu.memory_space<hbm>>
      %dma_start3A_1069 = arith.constant 0 : i32
      %dma_start3A_1070 = arith.constant 0 : i32
      %dma_start3A_1071 = arith.constant 0 : i32
      %dma_start3A_1072 = tpu.memref_slice %arg4[%select_n3A_1041, %dma_start3A_1069, %select_n3A_1057, %dma_start3A_1070, %dma_start3A_1071] : memref<200x8x128x8x128xf32, #tpu.memory_space<hbm>> -> memref<1x8x1x8x128xf32, #tpu.memory_space<hbm>>
      %dma_start3A_1073 = tpu.memref_squeeze %dma_start3A_1072 : memref<1x8x1x8x128xf32, #tpu.memory_space<hbm>> -> memref<8x8x128xf32, #tpu.memory_space<hbm>>
      %dma_start3A_1074 = arith.constant 0 : i32
      %dma_start3A_1075 = arith.constant 0 : i32
      %dma_start3A_1076 = arith.constant 0 : i32
      %dma_start3A_1077 = tpu.memref_slice %arg7[%dma_start3A_1058, %dma_start3A_1074, %dma_start3A_1075, %dma_start3A_1076] : memref<2x8x8x129xf32, #tpu.memory_space<vmem>> -> memref<1x8x8x128xf32, #tpu.memory_space<vmem>>
      %dma_start3A_1078 = tpu.memref_squeeze %dma_start3A_1077 : memref<1x8x8x128xf32, #tpu.memory_space<vmem>> -> memref<8x8x128xf32, #tpu.memory_space<vmem>>
      tpu.enqueue_dma source(%dma_start3A_1078 : memref<8x8x128xf32, #tpu.memory_space<vmem>>) target(%dma_start3A_1073 : memref<8x8x128xf32, #tpu.memory_space<hbm>>) target_semaphore(%arg10 : memref<!tpu.dma_semaphore, #tpu.memory_space<semaphore_mem>>)
      %add3A_1079 = arith.constant 0 : i32
      %add3A_1080 = arith.addi %scan3A_576, %add3A_1079 : i32
      %ge3A_1081 = arith.constant 1 : i32
      %ge3A_1082 = arith.cmpi sge, %add3A_1080, %ge3A_1081 : i32
      %convert_element_type3A_1083 = arith.extui %ge3A_1082 : i1 to i32
      %cond3A_1084 = arith.constant 0 : i32
      %cond3A_1085 = arith.cmpi ne, %convert_element_type3A_1083, %cond3A_1084 : i32
      scf.if %cond3A_1085 {
        %sub3A_1783 = arith.constant 1 : i32
        %sub3A_1784 = arith.subi %add3A_582, %sub3A_1783 : i32
        %mul3A_1785 = arith.constant 2 : i32
        %mul3A_1786 = arith.muli %sub3A_1784, %mul3A_1785 : i32
        %add3A_1787 = arith.constant 1 : i32
        %add3A_1788 = arith.addi %mul3A_1786, %add3A_1787 : i32
        %jit3A_1789 = arith.constant 128 : i32
        %div3A_1790 = arith.divsi %add3A_1788, %jit3A_1789 : i32
        %sign3A_1791 = arith.constant 0 : i32
        %sign3A_1792 = arith.cmpi sgt, %add3A_1788, %sign3A_1791 : i32
        %sign3A_1793 = arith.extui %sign3A_1792 : i1 to i32
        %sign3A_1794 = arith.constant 0 : i32
        %sign3A_1795 = arith.cmpi slt, %add3A_1788, %sign3A_1794 : i32
        %sign3A_1796 = arith.extui %sign3A_1795 : i1 to i32
        %sign3A_1797 = arith.subi %sign3A_1793, %sign3A_1796 : i32
        %sign3A_1798 = arith.constant 0 : i32
        %sign3A_1799 = arith.cmpi sgt, %jit3A_1789, %sign3A_1798 : i32
        %sign3A_1800 = arith.extui %sign3A_1799 : i1 to i32
        %sign3A_1801 = arith.constant 0 : i32
        %sign3A_1802 = arith.cmpi slt, %jit3A_1789, %sign3A_1801 : i32
        %sign3A_1803 = arith.extui %sign3A_1802 : i1 to i32
        %sign3A_1804 = arith.subi %sign3A_1800, %sign3A_1803 : i32
        %ne3A_1805 = arith.cmpi ne, %sign3A_1797, %sign3A_1804 : i32
        %rem3A_1806 = arith.remsi %add3A_1788, %jit3A_1789 : i32
        %ne3A_1807 = arith.constant 0 : i32
        %ne3A_1808 = arith.cmpi ne, %rem3A_1806, %ne3A_1807 : i32
        %and3A_1809 = arith.andi %ne3A_1805, %ne3A_1808 : i1
        %sub3A_1810 = arith.constant 1 : i32
        %sub3A_1811 = arith.subi %div3A_1790, %sub3A_1810 : i32
        %select_n3A_1812 = arith.select %and3A_1809, %sub3A_1811, %div3A_1790 : i32
        %jit3A_1813 = arith.constant 128 : i32
        %eq3A_1814 = arith.constant 0 : i32
        %eq3A_1815 = arith.cmpi eq, %jit3A_1813, %eq3A_1814 : i32
        %jit3A_1816 = arith.constant 1 : i32
        %select_n3A_1817 = arith.select %eq3A_1815, %jit3A_1816, %jit3A_1813 : i32
        %rem3A_1818 = arith.remsi %add3A_1788, %select_n3A_1817 : i32
        %ne3A_1819 = arith.constant 0 : i32
        %ne3A_1820 = arith.cmpi ne, %rem3A_1818, %ne3A_1819 : i32
        %lt3A_1821 = arith.constant 0 : i32
        %lt3A_1822 = arith.cmpi slt, %rem3A_1818, %lt3A_1821 : i32
        %lt3A_1823 = arith.constant 0 : i32
        %lt3A_1824 = arith.cmpi slt, %select_n3A_1817, %lt3A_1823 : i32
        %ne3A_1825 = arith.xori %lt3A_1822, %lt3A_1824 : i1
        %and3A_1826 = arith.andi %ne3A_1825, %ne3A_1820 : i1
        %add3A_1827 = arith.addi %rem3A_1818, %select_n3A_1817 : i32
        %select_n3A_1828 = arith.select %and3A_1826, %add3A_1827, %rem3A_1818 : i32
        %dma_wait3A_1829 = arith.constant 1 : i32
        %dma_wait3A_1830 = arith.constant 0 : i32
        %dma_wait3A_1831 = arith.constant 0 : i32
        %dma_wait3A_1832 = arith.constant 0 : i32
        %dma_wait3A_1833 = tpu.memref_slice %arg7[%dma_wait3A_1829, %dma_wait3A_1830, %dma_wait3A_1831, %dma_wait3A_1832] : memref<2x8x8x129xf32, #tpu.memory_space<vmem>> -> memref<1x8x8x128xf32, #tpu.memory_space<vmem>>
        %dma_wait3A_1834 = tpu.memref_squeeze %dma_wait3A_1833 : memref<1x8x8x128xf32, #tpu.memory_space<vmem>> -> memref<8x8x128xf32, #tpu.memory_space<vmem>>
        %dma_wait3A_1835 = arith.constant 0 : i32
        %dma_wait3A_1836 = arith.constant 0 : i32
        %dma_wait3A_1837 = arith.constant 0 : i32
        %dma_wait3A_1838 = tpu.memref_slice %arg4[%select_n3A_1812, %dma_wait3A_1835, %select_n3A_1828, %dma_wait3A_1836, %dma_wait3A_1837] : memref<200x8x128x8x128xf32, #tpu.memory_space<hbm>> -> memref<1x8x1x8x128xf32, #tpu.memory_space<hbm>>
        %dma_wait3A_1839 = tpu.memref_squeeze %dma_wait3A_1838 : memref<1x8x1x8x128xf32, #tpu.memory_space<hbm>> -> memref<8x8x128xf32, #tpu.memory_space<hbm>>
        %dma_wait3A_1840 = arith.constant 0 : i32
        %dma_wait3A_1841 = arith.constant 0 : i32
        %dma_wait3A_1842 = arith.constant 0 : i32
        %dma_wait3A_1843 = tpu.memref_slice %arg4[%select_n3A_1812, %dma_wait3A_1840, %select_n3A_1828, %dma_wait3A_1841, %dma_wait3A_1842] : memref<200x8x128x8x128xf32, #tpu.memory_space<hbm>> -> memref<1x8x1x8x128xf32, #tpu.memory_space<hbm>>
        %dma_wait3A_1844 = tpu.memref_squeeze %dma_wait3A_1843 : memref<1x8x1x8x128xf32, #tpu.memory_space<hbm>> -> memref<8x8x128xf32, #tpu.memory_space<hbm>>
        %dma_wait3A_1845 = arith.constant 0 : i32
        %dma_wait3A_1846 = arith.constant 0 : i32
        %dma_wait3A_1847 = arith.constant 0 : i32
        %dma_wait3A_1848 = tpu.memref_slice %arg7[%dma_wait3A_1829, %dma_wait3A_1845, %dma_wait3A_1846, %dma_wait3A_1847] : memref<2x8x8x129xf32, #tpu.memory_space<vmem>> -> memref<1x8x8x128xf32, #tpu.memory_space<vmem>>
        %dma_wait3A_1849 = tpu.memref_squeeze %dma_wait3A_1848 : memref<1x8x8x128xf32, #tpu.memory_space<vmem>> -> memref<8x8x128xf32, #tpu.memory_space<vmem>>
        tpu.wait_dma2 semaphore(%arg11 : memref<!tpu.dma_semaphore, #tpu.memory_space<semaphore_mem>>) src(%dma_wait3A_1849 : memref<8x8x128xf32, #tpu.memory_space<vmem>>) dst(%dma_wait3A_1844 : memref<8x8x128xf32, #tpu.memory_space<hbm>>)
      } else {
      }
      %broadcast_in_dim3A_1086 = arith.constant 0 : i32
      %broadcast_in_dim3A_1087 = vector.broadcast %broadcast_in_dim3A_1086 : i32 to vector<16xi32>
      %get3A_1088 = arith.constant 0 : i32
      %get3A_1089 = arith.constant 1 : i32
      %get3A_1090 = arith.constant 0 : i32
      %get3A_1091 = arith.index_cast %get3A_1088 : i32 to index
      %get3A_1092 = arith.index_cast %get3A_1089 : i32 to index
      %get3A_1093 = arith.index_cast %get3A_1090 : i32 to index
      %get3A_1094 = arith.constant 0 : index
      %get3A_1095 = tpu.vector_load %arg6[%get3A_1091, %get3A_1092, %get3A_1093, %get3A_1094] {strides = array<i32>} : memref<2x2x128x64xf32, #tpu.memory_space<vmem>>, vector<16xf32>,
      %get3A_1096 = arith.constant 0 : i32
      %get3A_1097 = arith.constant 1 : i32
      %get3A_1098 = arith.constant 0 : i32
      %get3A_1099 = arith.index_cast %get3A_1096 : i32 to index
      %get3A_1100 = arith.index_cast %get3A_1097 : i32 to index
      %get3A_1101 = arith.index_cast %get3A_1098 : i32 to index
      %get3A_1102 = arith.constant 16 : index
      %get3A_1103 = tpu.vector_load %arg6[%get3A_1099, %get3A_1100, %get3A_1101, %get3A_1102] {strides = array<i32>} : memref<2x2x128x64xf32, #tpu.memory_space<vmem>>, vector<16xf32>,
      %get3A_1104 = arith.constant 0 : i32
      %get3A_1105 = arith.constant 1 : i32
      %get3A_1106 = arith.constant 0 : i32
      %get3A_1107 = arith.index_cast %get3A_1104 : i32 to index
      %get3A_1108 = arith.index_cast %get3A_1105 : i32 to index
      %get3A_1109 = arith.index_cast %get3A_1106 : i32 to index
      %get3A_1110 = arith.constant 32 : index
      %get3A_1111 = tpu.vector_load %arg6[%get3A_1107, %get3A_1108, %get3A_1109, %get3A_1110] {strides = array<i32>} : memref<2x2x128x64xf32, #tpu.memory_space<vmem>>, vector<16xf32>,
      %get3A_1112 = arith.constant 0 : i32
      %get3A_1113 = arith.constant 1 : i32
      %get3A_1114 = arith.constant 0 : i32
      %get3A_1115 = arith.index_cast %get3A_1112 : i32 to index
      %get3A_1116 = arith.index_cast %get3A_1113 : i32 to index
      %get3A_1117 = arith.index_cast %get3A_1114 : i32 to index
      %get3A_1118 = arith.constant 48 : index
      %get3A_1119 = tpu.vector_load %arg6[%get3A_1115, %get3A_1116, %get3A_1117, %get3A_1118] {strides = array<i32>} : memref<2x2x128x64xf32, #tpu.memory_space<vmem>>, vector<16xf32>,
      %scan3A_1120 = arith.constant 1 : i32
      %scan3A_1121 = arith.constant 0 : i32
      %scan3A_1122 = arith.constant 127 : i32
      %scan3A_1123 = arith.addi %scan3A_1121, %scan3A_1122 : i32
      %scan3A_1124 = arith.constant 1 : i32
      %scan3A_1125:5 = scf.for %scan3A_1783 = %scan3A_1121 to %scan3A_1123 step %scan3A_1124 iter_args(%scan3A_1784 = %get3A_1095, %scan3A_1785 = %get3A_1103, %scan3A_1786 = %get3A_1111, %scan3A_1787 = %get3A_1119, %scan3A_1788 = %broadcast_in_dim3A_1087) -> (vector<16xf32>, vector<16xf32>, vector<16xf32>, vector<16xf32>, vector<16xi32>)  : i32 {
        %add3A_1789 = arith.constant 1 : i32
        %add3A_1790 = arith.addi %scan3A_1783, %add3A_1789 : i32
        %get3A_1791 = arith.constant 0 : i32
        %get3A_1792 = arith.constant 1 : i32
        %get3A_1793 = arith.index_cast %get3A_1791 : i32 to index
        %get3A_1794 = arith.index_cast %get3A_1792 : i32 to index
        %get3A_1795 = arith.index_cast %add3A_1790 : i32 to index
        %get3A_1796 = arith.constant 0 : index
        %get3A_1797 = tpu.vector_load %arg6[%get3A_1793, %get3A_1794, %get3A_1795, %get3A_1796] {strides = array<i32>} : memref<2x2x128x64xf32, #tpu.memory_space<vmem>>, vector<16xf32>,
        %get3A_1798 = arith.constant 0 : i32
        %get3A_1799 = arith.constant 1 : i32
        %get3A_1800 = arith.index_cast %get3A_1798 : i32 to index
        %get3A_1801 = arith.index_cast %get3A_1799 : i32 to index
        %get3A_1802 = arith.index_cast %add3A_1790 : i32 to index
        %get3A_1803 = arith.constant 16 : index
        %get3A_1804 = tpu.vector_load %arg6[%get3A_1800, %get3A_1801, %get3A_1802, %get3A_1803] {strides = array<i32>} : memref<2x2x128x64xf32, #tpu.memory_space<vmem>>, vector<16xf32>,
        %get3A_1805 = arith.constant 0 : i32
        %get3A_1806 = arith.constant 1 : i32
        %get3A_1807 = arith.index_cast %get3A_1805 : i32 to index
        %get3A_1808 = arith.index_cast %get3A_1806 : i32 to index
        %get3A_1809 = arith.index_cast %add3A_1790 : i32 to index
        %get3A_1810 = arith.constant 32 : index
        %get3A_1811 = tpu.vector_load %arg6[%get3A_1807, %get3A_1808, %get3A_1809, %get3A_1810] {strides = array<i32>} : memref<2x2x128x64xf32, #tpu.memory_space<vmem>>, vector<16xf32>,
        %get3A_1812 = arith.constant 0 : i32
        %get3A_1813 = arith.constant 1 : i32
        %get3A_1814 = arith.index_cast %get3A_1812 : i32 to index
        %get3A_1815 = arith.index_cast %get3A_1813 : i32 to index
        %get3A_1816 = arith.index_cast %add3A_1790 : i32 to index
        %get3A_1817 = arith.constant 48 : index
        %get3A_1818 = tpu.vector_load %arg6[%get3A_1814, %get3A_1815, %get3A_1816, %get3A_1817] {strides = array<i32>} : memref<2x2x128x64xf32, #tpu.memory_space<vmem>>, vector<16xf32>,
        %scatter3A_1819 = arith.constant 0 : i32
        %scatter3A_1820 = arith.constant 0 : i32
        %scatter3A_1821 = arith.constant 0 : i32
        %scatter3A_1822 = tpu.memref_slice %arg7[%scan3A_1120, %scatter3A_1819, %scatter3A_1820, %scatter3A_1821] : memref<2x8x8x129xf32, #tpu.memory_space<vmem>> -> memref<1x8x8x129xf32, #tpu.memory_space<vmem>>
        %scatter3A_1823 = tpu.memref_squeeze %scatter3A_1822 : memref<1x8x8x129xf32, #tpu.memory_space<vmem>> -> memref<8x8x129xf32, #tpu.memory_space<vmem>>
        tpu.vector_store_idx %scatter3A_1823[%select_n3A, %select_n3A_153, %scan3A_1788], %scan3A_1784 : memref<8x8x129xf32, #tpu.memory_space<vmem>>[vector<16xi32>, vector<16xi32>, vector<16xi32>], vector<16xf32>,
        %scatter3A_1824 = arith.constant 0 : i32
        %scatter3A_1825 = arith.constant 0 : i32
        %scatter3A_1826 = arith.constant 0 : i32
        %scatter3A_1827 = tpu.memref_slice %arg7[%scan3A_1120, %scatter3A_1824, %scatter3A_1825, %scatter3A_1826] : memref<2x8x8x129xf32, #tpu.memory_space<vmem>> -> memref<1x8x8x129xf32, #tpu.memory_space<vmem>>
        %scatter3A_1828 = tpu.memref_squeeze %scatter3A_1827 : memref<1x8x8x129xf32, #tpu.memory_space<vmem>> -> memref<8x8x129xf32, #tpu.memory_space<vmem>>
        tpu.vector_store_idx %scatter3A_1828[%select_n3A_62, %select_n3A_178, %scan3A_1788], %scan3A_1785 : memref<8x8x129xf32, #tpu.memory_space<vmem>>[vector<16xi32>, vector<16xi32>, vector<16xi32>], vector<16xf32>,
        %scatter3A_1829 = arith.constant 0 : i32
        %scatter3A_1830 = arith.constant 0 : i32
        %scatter3A_1831 = arith.constant 0 : i32
        %scatter3A_1832 = tpu.memref_slice %arg7[%scan3A_1120, %scatter3A_1829, %scatter3A_1830, %scatter3A_1831] : memref<2x8x8x129xf32, #tpu.memory_space<vmem>> -> memref<1x8x8x129xf32, #tpu.memory_space<vmem>>
        %scatter3A_1833 = tpu.memref_squeeze %scatter3A_1832 : memref<1x8x8x129xf32, #tpu.memory_space<vmem>> -> memref<8x8x129xf32, #tpu.memory_space<vmem>>
        tpu.vector_store_idx %scatter3A_1833[%select_n3A_96, %select_n3A_203, %scan3A_1788], %scan3A_1786 : memref<8x8x129xf32, #tpu.memory_space<vmem>>[vector<16xi32>, vector<16xi32>, vector<16xi32>], vector<16xf32>,
        %scatter3A_1834 = arith.constant 0 : i32
        %scatter3A_1835 = arith.constant 0 : i32
        %scatter3A_1836 = arith.constant 0 : i32
        %scatter3A_1837 = tpu.memref_slice %arg7[%scan3A_1120, %scatter3A_1834, %scatter3A_1835, %scatter3A_1836] : memref<2x8x8x129xf32, #tpu.memory_space<vmem>> -> memref<1x8x8x129xf32, #tpu.memory_space<vmem>>
        %scatter3A_1838 = tpu.memref_squeeze %scatter3A_1837 : memref<1x8x8x129xf32, #tpu.memory_space<vmem>> -> memref<8x8x129xf32, #tpu.memory_space<vmem>>
        tpu.vector_store_idx %scatter3A_1838[%select_n3A_130, %select_n3A_228, %scan3A_1788], %scan3A_1787 : memref<8x8x129xf32, #tpu.memory_space<vmem>>[vector<16xi32>, vector<16xi32>, vector<16xi32>], vector<16xf32>,
        %add3A_1839 = arith.constant 1 : i32
        %add3A_1840 = vector.broadcast %add3A_1839 : i32 to vector<16xi32>
        %add3A_1841 = arith.addi %scan3A_1788, %add3A_1840 : vector<16xi32>
        scf.yield %get3A_1797, %get3A_1804, %get3A_1811, %get3A_1818, %add3A_1841 : vector<16xf32>, vector<16xf32>, vector<16xf32>, vector<16xf32>, vector<16xi32>
      }
      %scan3A_1126 = arith.constant 127 : i32
      %scatter3A_1127 = arith.constant 1 : i32
      %scatter3A_1128 = arith.constant 0 : i32
      %scatter3A_1129 = arith.constant 0 : i32
      %scatter3A_1130 = arith.constant 0 : i32
      %scatter3A_1131 = tpu.memref_slice %arg7[%scatter3A_1127, %scatter3A_1128, %scatter3A_1129, %scatter3A_1130] : memref<2x8x8x129xf32, #tpu.memory_space<vmem>> -> memref<1x8x8x129xf32, #tpu.memory_space<vmem>>
      %scatter3A_1132 = tpu.memref_squeeze %scatter3A_1131 : memref<1x8x8x129xf32, #tpu.memory_space<vmem>> -> memref<8x8x129xf32, #tpu.memory_space<vmem>>
      tpu.vector_store_idx %scatter3A_1132[%select_n3A, %select_n3A_153, %scan3A_1125#4], %scan3A_1125#0 : memref<8x8x129xf32, #tpu.memory_space<vmem>>[vector<16xi32>, vector<16xi32>, vector<16xi32>], vector<16xf32>,
      %scatter3A_1133 = arith.constant 1 : i32
      %scatter3A_1134 = arith.constant 0 : i32
      %scatter3A_1135 = arith.constant 0 : i32
      %scatter3A_1136 = arith.constant 0 : i32
      %scatter3A_1137 = tpu.memref_slice %arg7[%scatter3A_1133, %scatter3A_1134, %scatter3A_1135, %scatter3A_1136] : memref<2x8x8x129xf32, #tpu.memory_space<vmem>> -> memref<1x8x8x129xf32, #tpu.memory_space<vmem>>
      %scatter3A_1138 = tpu.memref_squeeze %scatter3A_1137 : memref<1x8x8x129xf32, #tpu.memory_space<vmem>> -> memref<8x8x129xf32, #tpu.memory_space<vmem>>
      tpu.vector_store_idx %scatter3A_1138[%select_n3A_62, %select_n3A_178, %scan3A_1125#4], %scan3A_1125#1 : memref<8x8x129xf32, #tpu.memory_space<vmem>>[vector<16xi32>, vector<16xi32>, vector<16xi32>], vector<16xf32>,
      %scatter3A_1139 = arith.constant 1 : i32
      %scatter3A_1140 = arith.constant 0 : i32
      %scatter3A_1141 = arith.constant 0 : i32
      %scatter3A_1142 = arith.constant 0 : i32
      %scatter3A_1143 = tpu.memref_slice %arg7[%scatter3A_1139, %scatter3A_1140, %scatter3A_1141, %scatter3A_1142] : memref<2x8x8x129xf32, #tpu.memory_space<vmem>> -> memref<1x8x8x129xf32, #tpu.memory_space<vmem>>
      %scatter3A_1144 = tpu.memref_squeeze %scatter3A_1143 : memref<1x8x8x129xf32, #tpu.memory_space<vmem>> -> memref<8x8x129xf32, #tpu.memory_space<vmem>>
      tpu.vector_store_idx %scatter3A_1144[%select_n3A_96, %select_n3A_203, %scan3A_1125#4], %scan3A_1125#2 : memref<8x8x129xf32, #tpu.memory_space<vmem>>[vector<16xi32>, vector<16xi32>, vector<16xi32>], vector<16xf32>,
      %scatter3A_1145 = arith.constant 1 : i32
      %scatter3A_1146 = arith.constant 0 : i32
      %scatter3A_1147 = arith.constant 0 : i32
      %scatter3A_1148 = arith.constant 0 : i32
      %scatter3A_1149 = tpu.memref_slice %arg7[%scatter3A_1145, %scatter3A_1146, %scatter3A_1147, %scatter3A_1148] : memref<2x8x8x129xf32, #tpu.memory_space<vmem>> -> memref<1x8x8x129xf32, #tpu.memory_space<vmem>>
      %scatter3A_1150 = tpu.memref_squeeze %scatter3A_1149 : memref<1x8x8x129xf32, #tpu.memory_space<vmem>> -> memref<8x8x129xf32, #tpu.memory_space<vmem>>
      tpu.vector_store_idx %scatter3A_1150[%select_n3A_130, %select_n3A_228, %scan3A_1125#4], %scan3A_1125#3 : memref<8x8x129xf32, #tpu.memory_space<vmem>>[vector<16xi32>, vector<16xi32>, vector<16xi32>], vector<16xf32>,
      %mul3A_1151 = arith.constant 2 : i32
      %mul3A_1152 = arith.muli %add3A_582, %mul3A_1151 : i32
      %add3A_1153 = arith.constant 1 : i32
      %add3A_1154 = arith.addi %mul3A_1152, %add3A_1153 : i32
      %jit3A_1155 = arith.constant 128 : i32
      %div3A_1156 = arith.divsi %add3A_1154, %jit3A_1155 : i32
      %sign3A_1157 = arith.constant 0 : i32
      %sign3A_1158 = arith.cmpi sgt, %add3A_1154, %sign3A_1157 : i32
      %sign3A_1159 = arith.extui %sign3A_1158 : i1 to i32
      %sign3A_1160 = arith.constant 0 : i32
      %sign3A_1161 = arith.cmpi slt, %add3A_1154, %sign3A_1160 : i32
      %sign3A_1162 = arith.extui %sign3A_1161 : i1 to i32
      %sign3A_1163 = arith.subi %sign3A_1159, %sign3A_1162 : i32
      %sign3A_1164 = arith.constant 0 : i32
      %sign3A_1165 = arith.cmpi sgt, %jit3A_1155, %sign3A_1164 : i32
      %sign3A_1166 = arith.extui %sign3A_1165 : i1 to i32
      %sign3A_1167 = arith.constant 0 : i32
      %sign3A_1168 = arith.cmpi slt, %jit3A_1155, %sign3A_1167 : i32
      %sign3A_1169 = arith.extui %sign3A_1168 : i1 to i32
      %sign3A_1170 = arith.subi %sign3A_1166, %sign3A_1169 : i32
      %ne3A_1171 = arith.cmpi ne, %sign3A_1163, %sign3A_1170 : i32
      %rem3A_1172 = arith.remsi %add3A_1154, %jit3A_1155 : i32
      %ne3A_1173 = arith.constant 0 : i32
      %ne3A_1174 = arith.cmpi ne, %rem3A_1172, %ne3A_1173 : i32
      %and3A_1175 = arith.andi %ne3A_1171, %ne3A_1174 : i1
      %sub3A_1176 = arith.constant 1 : i32
      %sub3A_1177 = arith.subi %div3A_1156, %sub3A_1176 : i32
      %select_n3A_1178 = arith.select %and3A_1175, %sub3A_1177, %div3A_1156 : i32
      %jit3A_1179 = arith.constant 128 : i32
      %eq3A_1180 = arith.constant 0 : i32
      %eq3A_1181 = arith.cmpi eq, %jit3A_1179, %eq3A_1180 : i32
      %jit3A_1182 = arith.constant 1 : i32
      %select_n3A_1183 = arith.select %eq3A_1181, %jit3A_1182, %jit3A_1179 : i32
      %rem3A_1184 = arith.remsi %add3A_1154, %select_n3A_1183 : i32
      %ne3A_1185 = arith.constant 0 : i32
      %ne3A_1186 = arith.cmpi ne, %rem3A_1184, %ne3A_1185 : i32
      %lt3A_1187 = arith.constant 0 : i32
      %lt3A_1188 = arith.cmpi slt, %rem3A_1184, %lt3A_1187 : i32
      %lt3A_1189 = arith.constant 0 : i32
      %lt3A_1190 = arith.cmpi slt, %select_n3A_1183, %lt3A_1189 : i32
      %ne3A_1191 = arith.xori %lt3A_1188, %lt3A_1190 : i1
      %and3A_1192 = arith.andi %ne3A_1191, %ne3A_1186 : i1
      %add3A_1193 = arith.addi %rem3A_1184, %select_n3A_1183 : i32
      %select_n3A_1194 = arith.select %and3A_1192, %add3A_1193, %rem3A_1184 : i32
      %dma_start3A_1195 = arith.constant 1 : i32
      %dma_start3A_1196 = arith.constant 0 : i32
      %dma_start3A_1197 = arith.constant 0 : i32
      %dma_start3A_1198 = arith.constant 0 : i32
      %dma_start3A_1199 = tpu.memref_slice %arg7[%dma_start3A_1195, %dma_start3A_1196, %dma_start3A_1197, %dma_start3A_1198] : memref<2x8x8x129xf32, #tpu.memory_space<vmem>> -> memref<1x8x8x128xf32, #tpu.memory_space<vmem>>
      %dma_start3A_1200 = tpu.memref_squeeze %dma_start3A_1199 : memref<1x8x8x128xf32, #tpu.memory_space<vmem>> -> memref<8x8x128xf32, #tpu.memory_space<vmem>>
      %dma_start3A_1201 = arith.constant 0 : i32
      %dma_start3A_1202 = arith.constant 0 : i32
      %dma_start3A_1203 = arith.constant 0 : i32
      %dma_start3A_1204 = tpu.memref_slice %arg4[%select_n3A_1178, %dma_start3A_1201, %select_n3A_1194, %dma_start3A_1202, %dma_start3A_1203] : memref<200x8x128x8x128xf32, #tpu.memory_space<hbm>> -> memref<1x8x1x8x128xf32, #tpu.memory_space<hbm>>
      %dma_start3A_1205 = tpu.memref_squeeze %dma_start3A_1204 : memref<1x8x1x8x128xf32, #tpu.memory_space<hbm>> -> memref<8x8x128xf32, #tpu.memory_space<hbm>>
      %dma_start3A_1206 = arith.constant 0 : i32
      %dma_start3A_1207 = arith.constant 0 : i32
      %dma_start3A_1208 = arith.constant 0 : i32
      %dma_start3A_1209 = tpu.memref_slice %arg4[%select_n3A_1178, %dma_start3A_1206, %select_n3A_1194, %dma_start3A_1207, %dma_start3A_1208] : memref<200x8x128x8x128xf32, #tpu.memory_space<hbm>> -> memref<1x8x1x8x128xf32, #tpu.memory_space<hbm>>
      %dma_start3A_1210 = tpu.memref_squeeze %dma_start3A_1209 : memref<1x8x1x8x128xf32, #tpu.memory_space<hbm>> -> memref<8x8x128xf32, #tpu.memory_space<hbm>>
      %dma_start3A_1211 = arith.constant 0 : i32
      %dma_start3A_1212 = arith.constant 0 : i32
      %dma_start3A_1213 = arith.constant 0 : i32
      %dma_start3A_1214 = tpu.memref_slice %arg7[%dma_start3A_1195, %dma_start3A_1211, %dma_start3A_1212, %dma_start3A_1213] : memref<2x8x8x129xf32, #tpu.memory_space<vmem>> -> memref<1x8x8x128xf32, #tpu.memory_space<vmem>>
      %dma_start3A_1215 = tpu.memref_squeeze %dma_start3A_1214 : memref<1x8x8x128xf32, #tpu.memory_space<vmem>> -> memref<8x8x128xf32, #tpu.memory_space<vmem>>
      tpu.enqueue_dma source(%dma_start3A_1215 : memref<8x8x128xf32, #tpu.memory_space<vmem>>) target(%dma_start3A_1210 : memref<8x8x128xf32, #tpu.memory_space<hbm>>) target_semaphore(%arg11 : memref<!tpu.dma_semaphore, #tpu.memory_space<semaphore_mem>>)
      %mul3A_1216 = arith.constant 2 : i32
      %mul3A_1217 = arith.muli %mul3A_1216, %scan3A_576 : i32
      %add3A_1218 = arith.addi %mul3A_2, %mul3A_1217 : i32
      %add3A_1219 = arith.constant 1 : i32
      %add3A_1220 = arith.addi %add3A_1218, %add3A_1219 : i32
      %sub3A_1221 = arith.subi %add3A_1220, %mul3A_2 : i32
      %jit3A_1222 = arith.constant 8 : i32
      %div3A_1223 = arith.divsi %sub3A_1221, %jit3A_1222 : i32
      %sign3A_1224 = arith.constant 0 : i32
      %sign3A_1225 = arith.cmpi sgt, %sub3A_1221, %sign3A_1224 : i32
      %sign3A_1226 = arith.extui %sign3A_1225 : i1 to i32
      %sign3A_1227 = arith.constant 0 : i32
      %sign3A_1228 = arith.cmpi slt, %sub3A_1221, %sign3A_1227 : i32
      %sign3A_1229 = arith.extui %sign3A_1228 : i1 to i32
      %sign3A_1230 = arith.subi %sign3A_1226, %sign3A_1229 : i32
      %sign3A_1231 = arith.constant 0 : i32
      %sign3A_1232 = arith.cmpi sgt, %jit3A_1222, %sign3A_1231 : i32
      %sign3A_1233 = arith.extui %sign3A_1232 : i1 to i32
      %sign3A_1234 = arith.constant 0 : i32
      %sign3A_1235 = arith.cmpi slt, %jit3A_1222, %sign3A_1234 : i32
      %sign3A_1236 = arith.extui %sign3A_1235 : i1 to i32
      %sign3A_1237 = arith.subi %sign3A_1233, %sign3A_1236 : i32
      %ne3A_1238 = arith.cmpi ne, %sign3A_1230, %sign3A_1237 : i32
      %rem3A_1239 = arith.remsi %sub3A_1221, %jit3A_1222 : i32
      %ne3A_1240 = arith.constant 0 : i32
      %ne3A_1241 = arith.cmpi ne, %rem3A_1239, %ne3A_1240 : i32
      %and3A_1242 = arith.andi %ne3A_1238, %ne3A_1241 : i1
      %sub3A_1243 = arith.constant 1 : i32
      %sub3A_1244 = arith.subi %div3A_1223, %sub3A_1243 : i32
      %select_n3A_1245 = arith.select %and3A_1242, %sub3A_1244, %div3A_1223 : i32
      %add3A_1246 = arith.constant 1 : i32
      %add3A_1247 = arith.addi %select_n3A_1245, %add3A_1246 : i32
      %jit3A_1248 = arith.constant 8 : i32
      %eq3A_1249 = arith.constant 0 : i32
      %eq3A_1250 = arith.cmpi eq, %jit3A_1248, %eq3A_1249 : i32
      %jit3A_1251 = arith.constant 1 : i32
      %select_n3A_1252 = arith.select %eq3A_1250, %jit3A_1251, %jit3A_1248 : i32
      %rem3A_1253 = arith.remsi %sub3A_1221, %select_n3A_1252 : i32
      %ne3A_1254 = arith.constant 0 : i32
      %ne3A_1255 = arith.cmpi ne, %rem3A_1253, %ne3A_1254 : i32
      %lt3A_1256 = arith.constant 0 : i32
      %lt3A_1257 = arith.cmpi slt, %rem3A_1253, %lt3A_1256 : i32
      %lt3A_1258 = arith.constant 0 : i32
      %lt3A_1259 = arith.cmpi slt, %select_n3A_1252, %lt3A_1258 : i32
      %ne3A_1260 = arith.xori %lt3A_1257, %lt3A_1259 : i1
      %and3A_1261 = arith.andi %ne3A_1260, %ne3A_1255 : i1
      %add3A_1262 = arith.addi %rem3A_1253, %select_n3A_1252 : i32
      %select_n3A_1263 = arith.select %and3A_1261, %add3A_1262, %rem3A_1253 : i32
      %eq3A_1264 = arith.constant 0 : i32
      %eq3A_1265 = arith.cmpi eq, %select_n3A_1263, %eq3A_1264 : i32
      %add3A_1266 = arith.constant 8 : i32
      %add3A_1267 = arith.addi %sub3A_1221, %add3A_1266 : i32
      %lt3A_1268 = arith.constant 400 : i32
      %lt3A_1269 = arith.cmpi slt, %add3A_1267, %lt3A_1268 : i32
      %and3A_1270 = arith.andi %eq3A_1265, %lt3A_1269 : i1
      %add3A_1271 = arith.constant 1 : i32
      %add3A_1272 = arith.addi %sub3A_1221, %add3A_1271 : i32
      %jit3A_1273 = arith.constant 8 : i32
      %div3A_1274 = arith.divsi %add3A_1272, %jit3A_1273 : i32
      %sign3A_1275 = arith.constant 0 : i32
      %sign3A_1276 = arith.cmpi sgt, %add3A_1272, %sign3A_1275 : i32
      %sign3A_1277 = arith.extui %sign3A_1276 : i1 to i32
      %sign3A_1278 = arith.constant 0 : i32
      %sign3A_1279 = arith.cmpi slt, %add3A_1272, %sign3A_1278 : i32
      %sign3A_1280 = arith.extui %sign3A_1279 : i1 to i32
      %sign3A_1281 = arith.subi %sign3A_1277, %sign3A_1280 : i32
      %sign3A_1282 = arith.constant 0 : i32
      %sign3A_1283 = arith.cmpi sgt, %jit3A_1273, %sign3A_1282 : i32
      %sign3A_1284 = arith.extui %sign3A_1283 : i1 to i32
      %sign3A_1285 = arith.constant 0 : i32
      %sign3A_1286 = arith.cmpi slt, %jit3A_1273, %sign3A_1285 : i32
      %sign3A_1287 = arith.extui %sign3A_1286 : i1 to i32
      %sign3A_1288 = arith.subi %sign3A_1284, %sign3A_1287 : i32
      %ne3A_1289 = arith.cmpi ne, %sign3A_1281, %sign3A_1288 : i32
      %rem3A_1290 = arith.remsi %add3A_1272, %jit3A_1273 : i32
      %ne3A_1291 = arith.constant 0 : i32
      %ne3A_1292 = arith.cmpi ne, %rem3A_1290, %ne3A_1291 : i32
      %and3A_1293 = arith.andi %ne3A_1289, %ne3A_1292 : i1
      %sub3A_1294 = arith.constant 1 : i32
      %sub3A_1295 = arith.subi %div3A_1274, %sub3A_1294 : i32
      %select_n3A_1296 = arith.select %and3A_1293, %sub3A_1295, %div3A_1274 : i32
      %add3A_1297 = arith.constant 1 : i32
      %add3A_1298 = arith.addi %sub3A_1221, %add3A_1297 : i32
      %jit3A_1299 = arith.constant 8 : i32
      %eq3A_1300 = arith.constant 0 : i32
      %eq3A_1301 = arith.cmpi eq, %jit3A_1299, %eq3A_1300 : i32
      %jit3A_1302 = arith.constant 1 : i32
      %select_n3A_1303 = arith.select %eq3A_1301, %jit3A_1302, %jit3A_1299 : i32
      %rem3A_1304 = arith.remsi %add3A_1298, %select_n3A_1303 : i32
      %ne3A_1305 = arith.constant 0 : i32
      %ne3A_1306 = arith.cmpi ne, %rem3A_1304, %ne3A_1305 : i32
      %lt3A_1307 = arith.constant 0 : i32
      %lt3A_1308 = arith.cmpi slt, %rem3A_1304, %lt3A_1307 : i32
      %lt3A_1309 = arith.constant 0 : i32
      %lt3A_1310 = arith.cmpi slt, %select_n3A_1303, %lt3A_1309 : i32
      %ne3A_1311 = arith.xori %lt3A_1308, %lt3A_1310 : i1
      %and3A_1312 = arith.andi %ne3A_1311, %ne3A_1306 : i1
      %add3A_1313 = arith.addi %rem3A_1304, %select_n3A_1303 : i32
      %select_n3A_1314 = arith.select %and3A_1312, %add3A_1313, %rem3A_1304 : i32
      %eq3A_1315 = arith.constant 0 : i32
      %eq3A_1316 = arith.cmpi eq, %select_n3A_1314, %eq3A_1315 : i32
      %add3A_1317 = arith.constant 1 : i32
      %add3A_1318 = arith.addi %sub3A_1221, %add3A_1317 : i32
      %lt3A_1319 = arith.constant 400 : i32
      %lt3A_1320 = arith.cmpi slt, %add3A_1318, %lt3A_1319 : i32
      %and3A_1321 = arith.andi %eq3A_1316, %lt3A_1320 : i1
      %jit3A_1322 = arith.constant 2 : i32
      %eq3A_1323 = arith.constant 0 : i32
      %eq3A_1324 = arith.cmpi eq, %jit3A_1322, %eq3A_1323 : i32
      %jit3A_1325 = arith.constant 1 : i32
      %select_n3A_1326 = arith.select %eq3A_1324, %jit3A_1325, %jit3A_1322 : i32
      %rem3A_1327 = arith.remsi %add3A_1247, %select_n3A_1326 : i32
      %ne3A_1328 = arith.constant 0 : i32
      %ne3A_1329 = arith.cmpi ne, %rem3A_1327, %ne3A_1328 : i32
      %lt3A_1330 = arith.constant 0 : i32
      %lt3A_1331 = arith.cmpi slt, %rem3A_1327, %lt3A_1330 : i32
      %lt3A_1332 = arith.constant 0 : i32
      %lt3A_1333 = arith.cmpi slt, %select_n3A_1326, %lt3A_1332 : i32
      %ne3A_1334 = arith.xori %lt3A_1331, %lt3A_1333 : i1
      %and3A_1335 = arith.andi %ne3A_1334, %ne3A_1329 : i1
      %add3A_1336 = arith.addi %rem3A_1327, %select_n3A_1326 : i32
      %select_n3A_1337 = arith.select %and3A_1335, %add3A_1336, %rem3A_1327 : i32
      %eq3A_1338 = arith.constant 0 : i32
      %eq3A_1339 = arith.cmpi eq, %select_n3A_1337, %eq3A_1338 : i32
      %and3A_1340 = arith.andi %and3A_1270, %eq3A_1339 : i1
      %convert_element_type3A_1341 = arith.extui %and3A_1340 : i1 to i32
      %cond3A_1342 = arith.constant 0 : i32
      %cond3A_1343 = arith.cmpi ne, %convert_element_type3A_1341, %cond3A_1342 : i32
      scf.if %cond3A_1343 {
        %mul3A_1783 = arith.constant 8 : i32
        %mul3A_1784 = arith.muli %add3A_1247, %mul3A_1783 : i32
        %add3A_1785 = arith.addi %mul3A_2, %mul3A_1784 : i32
        %mul3A_1786 = arith.constant 2 : i32
        %mul3A_1787 = arith.muli %add3A_1785, %mul3A_1786 : i32
        %jit3A_1788 = arith.constant 128 : i32
        %div3A_1789 = arith.divsi %mul3A_1787, %jit3A_1788 : i32
        %sign3A_1790 = arith.constant 0 : i32
        %sign3A_1791 = arith.cmpi sgt, %mul3A_1787, %sign3A_1790 : i32
        %sign3A_1792 = arith.extui %sign3A_1791 : i1 to i32
        %sign3A_1793 = arith.constant 0 : i32
        %sign3A_1794 = arith.cmpi slt, %mul3A_1787, %sign3A_1793 : i32
        %sign3A_1795 = arith.extui %sign3A_1794 : i1 to i32
        %sign3A_1796 = arith.subi %sign3A_1792, %sign3A_1795 : i32
        %sign3A_1797 = arith.constant 0 : i32
        %sign3A_1798 = arith.cmpi sgt, %jit3A_1788, %sign3A_1797 : i32
        %sign3A_1799 = arith.extui %sign3A_1798 : i1 to i32
        %sign3A_1800 = arith.constant 0 : i32
        %sign3A_1801 = arith.cmpi slt, %jit3A_1788, %sign3A_1800 : i32
        %sign3A_1802 = arith.extui %sign3A_1801 : i1 to i32
        %sign3A_1803 = arith.subi %sign3A_1799, %sign3A_1802 : i32
        %ne3A_1804 = arith.cmpi ne, %sign3A_1796, %sign3A_1803 : i32
        %rem3A_1805 = arith.remsi %mul3A_1787, %jit3A_1788 : i32
        %ne3A_1806 = arith.constant 0 : i32
        %ne3A_1807 = arith.cmpi ne, %rem3A_1805, %ne3A_1806 : i32
        %and3A_1808 = arith.andi %ne3A_1804, %ne3A_1807 : i1
        %sub3A_1809 = arith.constant 1 : i32
        %sub3A_1810 = arith.subi %div3A_1789, %sub3A_1809 : i32
        %select_n3A_1811 = arith.select %and3A_1808, %sub3A_1810, %div3A_1789 : i32
        %jit3A_1812 = arith.constant 128 : i32
        %eq3A_1813 = arith.constant 0 : i32
        %eq3A_1814 = arith.cmpi eq, %jit3A_1812, %eq3A_1813 : i32
        %jit3A_1815 = arith.constant 1 : i32
        %select_n3A_1816 = arith.select %eq3A_1814, %jit3A_1815, %jit3A_1812 : i32
        %rem3A_1817 = arith.remsi %mul3A_1787, %select_n3A_1816 : i32
        %ne3A_1818 = arith.constant 0 : i32
        %ne3A_1819 = arith.cmpi ne, %rem3A_1817, %ne3A_1818 : i32
        %lt3A_1820 = arith.constant 0 : i32
        %lt3A_1821 = arith.cmpi slt, %rem3A_1817, %lt3A_1820 : i32
        %lt3A_1822 = arith.constant 0 : i32
        %lt3A_1823 = arith.cmpi slt, %select_n3A_1816, %lt3A_1822 : i32
        %ne3A_1824 = arith.xori %lt3A_1821, %lt3A_1823 : i1
        %and3A_1825 = arith.andi %ne3A_1824, %ne3A_1819 : i1
        %add3A_1826 = arith.addi %rem3A_1817, %select_n3A_1816 : i32
        %select_n3A_1827 = arith.select %and3A_1825, %add3A_1826, %rem3A_1817 : i32
        %dma_start3A_1828 = arith.constant 0 : i32
        %dma_start3A_1829 = arith.constant 0 : i32
        %dma_start3A_1830 = arith.constant 0 : i32
        %dma_start3A_1831 = tpu.memref_slice %arg5[%dma_start3A_1828, %dma_start3A_1829, %dma_start3A_1830] : memref<2x16x128xi32, #tpu.memory_space<vmem>> -> memref<1x16x128xi32, #tpu.memory_space<vmem>>
        %dma_start3A_1832 = tpu.memref_squeeze %dma_start3A_1831 : memref<1x16x128xi32, #tpu.memory_space<vmem>> -> memref<16x128xi32, #tpu.memory_space<vmem>>
        %dma_start3A_1833 = arith.constant 0 : i32
        %dma_start3A_1834 = tpu.memref_slice %arg3[%select_n3A_1811, %select_n3A_1827, %dma_start3A_1833] : memref<200x128x128xi32, #tpu.memory_space<hbm>> -> memref<1x16x128xi32, #tpu.memory_space<hbm>>
        %dma_start3A_1835 = tpu.memref_squeeze %dma_start3A_1834 : memref<1x16x128xi32, #tpu.memory_space<hbm>> -> memref<16x128xi32, #tpu.memory_space<hbm>>
        %dma_start3A_1836 = arith.constant 0 : i32
        %dma_start3A_1837 = arith.constant 0 : i32
        %dma_start3A_1838 = tpu.memref_slice %arg5[%dma_start3A_1828, %dma_start3A_1836, %dma_start3A_1837] : memref<2x16x128xi32, #tpu.memory_space<vmem>> -> memref<1x16x128xi32, #tpu.memory_space<vmem>>
        %dma_start3A_1839 = tpu.memref_squeeze %dma_start3A_1838 : memref<1x16x128xi32, #tpu.memory_space<vmem>> -> memref<16x128xi32, #tpu.memory_space<vmem>>
        %dma_start3A_1840 = arith.constant 0 : i32
        %dma_start3A_1841 = tpu.memref_slice %arg3[%select_n3A_1811, %select_n3A_1827, %dma_start3A_1840] : memref<200x128x128xi32, #tpu.memory_space<hbm>> -> memref<1x16x128xi32, #tpu.memory_space<hbm>>
        %dma_start3A_1842 = tpu.memref_squeeze %dma_start3A_1841 : memref<1x16x128xi32, #tpu.memory_space<hbm>> -> memref<16x128xi32, #tpu.memory_space<hbm>>
        tpu.enqueue_dma source(%dma_start3A_1842 : memref<16x128xi32, #tpu.memory_space<hbm>>) target(%dma_start3A_1839 : memref<16x128xi32, #tpu.memory_space<vmem>>) target_semaphore(%arg12 : memref<!tpu.dma_semaphore, #tpu.memory_space<semaphore_mem>>)
      } else {
      }
      %jit3A_1344 = arith.constant 2 : i32
      %eq3A_1345 = arith.constant 0 : i32
      %eq3A_1346 = arith.cmpi eq, %jit3A_1344, %eq3A_1345 : i32
      %jit3A_1347 = arith.constant 1 : i32
      %select_n3A_1348 = arith.select %eq3A_1346, %jit3A_1347, %jit3A_1344 : i32
      %rem3A_1349 = arith.remsi %select_n3A_1296, %select_n3A_1348 : i32
      %ne3A_1350 = arith.constant 0 : i32
      %ne3A_1351 = arith.cmpi ne, %rem3A_1349, %ne3A_1350 : i32
      %lt3A_1352 = arith.constant 0 : i32
      %lt3A_1353 = arith.cmpi slt, %rem3A_1349, %lt3A_1352 : i32
      %lt3A_1354 = arith.constant 0 : i32
      %lt3A_1355 = arith.cmpi slt, %select_n3A_1348, %lt3A_1354 : i32
      %ne3A_1356 = arith.xori %lt3A_1353, %lt3A_1355 : i1
      %and3A_1357 = arith.andi %ne3A_1356, %ne3A_1351 : i1
      %add3A_1358 = arith.addi %rem3A_1349, %select_n3A_1348 : i32
      %select_n3A_1359 = arith.select %and3A_1357, %add3A_1358, %rem3A_1349 : i32
      %eq3A_1360 = arith.constant 0 : i32
      %eq3A_1361 = arith.cmpi eq, %select_n3A_1359, %eq3A_1360 : i32
      %and3A_1362 = arith.andi %and3A_1321, %eq3A_1361 : i1
      %convert_element_type3A_1363 = arith.extui %and3A_1362 : i1 to i32
      %cond3A_1364 = arith.constant 0 : i32
      %cond3A_1365 = arith.cmpi ne, %convert_element_type3A_1363, %cond3A_1364 : i32
      scf.if %cond3A_1365 {
        %mul3A_1783 = arith.constant 8 : i32
        %mul3A_1784 = arith.muli %select_n3A_1296, %mul3A_1783 : i32
        %add3A_1785 = arith.addi %mul3A_2, %mul3A_1784 : i32
        %mul3A_1786 = arith.constant 2 : i32
        %mul3A_1787 = arith.muli %add3A_1785, %mul3A_1786 : i32
        %jit3A_1788 = arith.constant 128 : i32
        %div3A_1789 = arith.divsi %mul3A_1787, %jit3A_1788 : i32
        %sign3A_1790 = arith.constant 0 : i32
        %sign3A_1791 = arith.cmpi sgt, %mul3A_1787, %sign3A_1790 : i32
        %sign3A_1792 = arith.extui %sign3A_1791 : i1 to i32
        %sign3A_1793 = arith.constant 0 : i32
        %sign3A_1794 = arith.cmpi slt, %mul3A_1787, %sign3A_1793 : i32
        %sign3A_1795 = arith.extui %sign3A_1794 : i1 to i32
        %sign3A_1796 = arith.subi %sign3A_1792, %sign3A_1795 : i32
        %sign3A_1797 = arith.constant 0 : i32
        %sign3A_1798 = arith.cmpi sgt, %jit3A_1788, %sign3A_1797 : i32
        %sign3A_1799 = arith.extui %sign3A_1798 : i1 to i32
        %sign3A_1800 = arith.constant 0 : i32
        %sign3A_1801 = arith.cmpi slt, %jit3A_1788, %sign3A_1800 : i32
        %sign3A_1802 = arith.extui %sign3A_1801 : i1 to i32
        %sign3A_1803 = arith.subi %sign3A_1799, %sign3A_1802 : i32
        %ne3A_1804 = arith.cmpi ne, %sign3A_1796, %sign3A_1803 : i32
        %rem3A_1805 = arith.remsi %mul3A_1787, %jit3A_1788 : i32
        %ne3A_1806 = arith.constant 0 : i32
        %ne3A_1807 = arith.cmpi ne, %rem3A_1805, %ne3A_1806 : i32
        %and3A_1808 = arith.andi %ne3A_1804, %ne3A_1807 : i1
        %sub3A_1809 = arith.constant 1 : i32
        %sub3A_1810 = arith.subi %div3A_1789, %sub3A_1809 : i32
        %select_n3A_1811 = arith.select %and3A_1808, %sub3A_1810, %div3A_1789 : i32
        %jit3A_1812 = arith.constant 128 : i32
        %eq3A_1813 = arith.constant 0 : i32
        %eq3A_1814 = arith.cmpi eq, %jit3A_1812, %eq3A_1813 : i32
        %jit3A_1815 = arith.constant 1 : i32
        %select_n3A_1816 = arith.select %eq3A_1814, %jit3A_1815, %jit3A_1812 : i32
        %rem3A_1817 = arith.remsi %mul3A_1787, %select_n3A_1816 : i32
        %ne3A_1818 = arith.constant 0 : i32
        %ne3A_1819 = arith.cmpi ne, %rem3A_1817, %ne3A_1818 : i32
        %lt3A_1820 = arith.constant 0 : i32
        %lt3A_1821 = arith.cmpi slt, %rem3A_1817, %lt3A_1820 : i32
        %lt3A_1822 = arith.constant 0 : i32
        %lt3A_1823 = arith.cmpi slt, %select_n3A_1816, %lt3A_1822 : i32
        %ne3A_1824 = arith.xori %lt3A_1821, %lt3A_1823 : i1
        %and3A_1825 = arith.andi %ne3A_1824, %ne3A_1819 : i1
        %add3A_1826 = arith.addi %rem3A_1817, %select_n3A_1816 : i32
        %select_n3A_1827 = arith.select %and3A_1825, %add3A_1826, %rem3A_1817 : i32
        %dma_wait3A_1828 = arith.constant 0 : i32
        %dma_wait3A_1829 = arith.constant 0 : i32
        %dma_wait3A_1830 = arith.constant 0 : i32
        %dma_wait3A_1831 = tpu.memref_slice %arg5[%dma_wait3A_1828, %dma_wait3A_1829, %dma_wait3A_1830] : memref<2x16x128xi32, #tpu.memory_space<vmem>> -> memref<1x16x128xi32, #tpu.memory_space<vmem>>
        %dma_wait3A_1832 = tpu.memref_squeeze %dma_wait3A_1831 : memref<1x16x128xi32, #tpu.memory_space<vmem>> -> memref<16x128xi32, #tpu.memory_space<vmem>>
        %dma_wait3A_1833 = arith.constant 0 : i32
        %dma_wait3A_1834 = tpu.memref_slice %arg3[%select_n3A_1811, %select_n3A_1827, %dma_wait3A_1833] : memref<200x128x128xi32, #tpu.memory_space<hbm>> -> memref<1x16x128xi32, #tpu.memory_space<hbm>>
        %dma_wait3A_1835 = tpu.memref_squeeze %dma_wait3A_1834 : memref<1x16x128xi32, #tpu.memory_space<hbm>> -> memref<16x128xi32, #tpu.memory_space<hbm>>
        %dma_wait3A_1836 = arith.constant 0 : i32
        %dma_wait3A_1837 = arith.constant 0 : i32
        %dma_wait3A_1838 = tpu.memref_slice %arg5[%dma_wait3A_1828, %dma_wait3A_1836, %dma_wait3A_1837] : memref<2x16x128xi32, #tpu.memory_space<vmem>> -> memref<1x16x128xi32, #tpu.memory_space<vmem>>
        %dma_wait3A_1839 = tpu.memref_squeeze %dma_wait3A_1838 : memref<1x16x128xi32, #tpu.memory_space<vmem>> -> memref<16x128xi32, #tpu.memory_space<vmem>>
        %dma_wait3A_1840 = arith.constant 0 : i32
        %dma_wait3A_1841 = tpu.memref_slice %arg3[%select_n3A_1811, %select_n3A_1827, %dma_wait3A_1840] : memref<200x128x128xi32, #tpu.memory_space<hbm>> -> memref<1x16x128xi32, #tpu.memory_space<hbm>>
        %dma_wait3A_1842 = tpu.memref_squeeze %dma_wait3A_1841 : memref<1x16x128xi32, #tpu.memory_space<hbm>> -> memref<16x128xi32, #tpu.memory_space<hbm>>
        tpu.wait_dma2 semaphore(%arg12 : memref<!tpu.dma_semaphore, #tpu.memory_space<semaphore_mem>>) src(%dma_wait3A_1842 : memref<16x128xi32, #tpu.memory_space<hbm>>) dst(%dma_wait3A_1839 : memref<16x128xi32, #tpu.memory_space<vmem>>)
      } else {
      }
      %jit3A_1366 = arith.constant 2 : i32
      %eq3A_1367 = arith.constant 0 : i32
      %eq3A_1368 = arith.cmpi eq, %jit3A_1366, %eq3A_1367 : i32
      %jit3A_1369 = arith.constant 1 : i32
      %select_n3A_1370 = arith.select %eq3A_1368, %jit3A_1369, %jit3A_1366 : i32
      %rem3A_1371 = arith.remsi %add3A_1247, %select_n3A_1370 : i32
      %ne3A_1372 = arith.constant 0 : i32
      %ne3A_1373 = arith.cmpi ne, %rem3A_1371, %ne3A_1372 : i32
      %lt3A_1374 = arith.constant 0 : i32
      %lt3A_1375 = arith.cmpi slt, %rem3A_1371, %lt3A_1374 : i32
      %lt3A_1376 = arith.constant 0 : i32
      %lt3A_1377 = arith.cmpi slt, %select_n3A_1370, %lt3A_1376 : i32
      %ne3A_1378 = arith.xori %lt3A_1375, %lt3A_1377 : i1
      %and3A_1379 = arith.andi %ne3A_1378, %ne3A_1373 : i1
      %add3A_1380 = arith.addi %rem3A_1371, %select_n3A_1370 : i32
      %select_n3A_1381 = arith.select %and3A_1379, %add3A_1380, %rem3A_1371 : i32
      %eq3A_1382 = arith.constant 1 : i32
      %eq3A_1383 = arith.cmpi eq, %select_n3A_1381, %eq3A_1382 : i32
      %and3A_1384 = arith.andi %and3A_1270, %eq3A_1383 : i1
      %convert_element_type3A_1385 = arith.extui %and3A_1384 : i1 to i32
      %cond3A_1386 = arith.constant 0 : i32
      %cond3A_1387 = arith.cmpi ne, %convert_element_type3A_1385, %cond3A_1386 : i32
      scf.if %cond3A_1387 {
        %mul3A_1783 = arith.constant 8 : i32
        %mul3A_1784 = arith.muli %add3A_1247, %mul3A_1783 : i32
        %add3A_1785 = arith.addi %mul3A_2, %mul3A_1784 : i32
        %mul3A_1786 = arith.constant 2 : i32
        %mul3A_1787 = arith.muli %add3A_1785, %mul3A_1786 : i32
        %jit3A_1788 = arith.constant 128 : i32
        %div3A_1789 = arith.divsi %mul3A_1787, %jit3A_1788 : i32
        %sign3A_1790 = arith.constant 0 : i32
        %sign3A_1791 = arith.cmpi sgt, %mul3A_1787, %sign3A_1790 : i32
        %sign3A_1792 = arith.extui %sign3A_1791 : i1 to i32
        %sign3A_1793 = arith.constant 0 : i32
        %sign3A_1794 = arith.cmpi slt, %mul3A_1787, %sign3A_1793 : i32
        %sign3A_1795 = arith.extui %sign3A_1794 : i1 to i32
        %sign3A_1796 = arith.subi %sign3A_1792, %sign3A_1795 : i32
        %sign3A_1797 = arith.constant 0 : i32
        %sign3A_1798 = arith.cmpi sgt, %jit3A_1788, %sign3A_1797 : i32
        %sign3A_1799 = arith.extui %sign3A_1798 : i1 to i32
        %sign3A_1800 = arith.constant 0 : i32
        %sign3A_1801 = arith.cmpi slt, %jit3A_1788, %sign3A_1800 : i32
        %sign3A_1802 = arith.extui %sign3A_1801 : i1 to i32
        %sign3A_1803 = arith.subi %sign3A_1799, %sign3A_1802 : i32
        %ne3A_1804 = arith.cmpi ne, %sign3A_1796, %sign3A_1803 : i32
        %rem3A_1805 = arith.remsi %mul3A_1787, %jit3A_1788 : i32
        %ne3A_1806 = arith.constant 0 : i32
        %ne3A_1807 = arith.cmpi ne, %rem3A_1805, %ne3A_1806 : i32
        %and3A_1808 = arith.andi %ne3A_1804, %ne3A_1807 : i1
        %sub3A_1809 = arith.constant 1 : i32
        %sub3A_1810 = arith.subi %div3A_1789, %sub3A_1809 : i32
        %select_n3A_1811 = arith.select %and3A_1808, %sub3A_1810, %div3A_1789 : i32
        %jit3A_1812 = arith.constant 128 : i32
        %eq3A_1813 = arith.constant 0 : i32
        %eq3A_1814 = arith.cmpi eq, %jit3A_1812, %eq3A_1813 : i32
        %jit3A_1815 = arith.constant 1 : i32
        %select_n3A_1816 = arith.select %eq3A_1814, %jit3A_1815, %jit3A_1812 : i32
        %rem3A_1817 = arith.remsi %mul3A_1787, %select_n3A_1816 : i32
        %ne3A_1818 = arith.constant 0 : i32
        %ne3A_1819 = arith.cmpi ne, %rem3A_1817, %ne3A_1818 : i32
        %lt3A_1820 = arith.constant 0 : i32
        %lt3A_1821 = arith.cmpi slt, %rem3A_1817, %lt3A_1820 : i32
        %lt3A_1822 = arith.constant 0 : i32
        %lt3A_1823 = arith.cmpi slt, %select_n3A_1816, %lt3A_1822 : i32
        %ne3A_1824 = arith.xori %lt3A_1821, %lt3A_1823 : i1
        %and3A_1825 = arith.andi %ne3A_1824, %ne3A_1819 : i1
        %add3A_1826 = arith.addi %rem3A_1817, %select_n3A_1816 : i32
        %select_n3A_1827 = arith.select %and3A_1825, %add3A_1826, %rem3A_1817 : i32
        %dma_start3A_1828 = arith.constant 1 : i32
        %dma_start3A_1829 = arith.constant 0 : i32
        %dma_start3A_1830 = arith.constant 0 : i32
        %dma_start3A_1831 = tpu.memref_slice %arg5[%dma_start3A_1828, %dma_start3A_1829, %dma_start3A_1830] : memref<2x16x128xi32, #tpu.memory_space<vmem>> -> memref<1x16x128xi32, #tpu.memory_space<vmem>>
        %dma_start3A_1832 = tpu.memref_squeeze %dma_start3A_1831 : memref<1x16x128xi32, #tpu.memory_space<vmem>> -> memref<16x128xi32, #tpu.memory_space<vmem>>
        %dma_start3A_1833 = arith.constant 0 : i32
        %dma_start3A_1834 = tpu.memref_slice %arg3[%select_n3A_1811, %select_n3A_1827, %dma_start3A_1833] : memref<200x128x128xi32, #tpu.memory_space<hbm>> -> memref<1x16x128xi32, #tpu.memory_space<hbm>>
        %dma_start3A_1835 = tpu.memref_squeeze %dma_start3A_1834 : memref<1x16x128xi32, #tpu.memory_space<hbm>> -> memref<16x128xi32, #tpu.memory_space<hbm>>
        %dma_start3A_1836 = arith.constant 0 : i32
        %dma_start3A_1837 = arith.constant 0 : i32
        %dma_start3A_1838 = tpu.memref_slice %arg5[%dma_start3A_1828, %dma_start3A_1836, %dma_start3A_1837] : memref<2x16x128xi32, #tpu.memory_space<vmem>> -> memref<1x16x128xi32, #tpu.memory_space<vmem>>
        %dma_start3A_1839 = tpu.memref_squeeze %dma_start3A_1838 : memref<1x16x128xi32, #tpu.memory_space<vmem>> -> memref<16x128xi32, #tpu.memory_space<vmem>>
        %dma_start3A_1840 = arith.constant 0 : i32
        %dma_start3A_1841 = tpu.memref_slice %arg3[%select_n3A_1811, %select_n3A_1827, %dma_start3A_1840] : memref<200x128x128xi32, #tpu.memory_space<hbm>> -> memref<1x16x128xi32, #tpu.memory_space<hbm>>
        %dma_start3A_1842 = tpu.memref_squeeze %dma_start3A_1841 : memref<1x16x128xi32, #tpu.memory_space<hbm>> -> memref<16x128xi32, #tpu.memory_space<hbm>>
        tpu.enqueue_dma source(%dma_start3A_1842 : memref<16x128xi32, #tpu.memory_space<hbm>>) target(%dma_start3A_1839 : memref<16x128xi32, #tpu.memory_space<vmem>>) target_semaphore(%arg13 : memref<!tpu.dma_semaphore, #tpu.memory_space<semaphore_mem>>)
      } else {
      }
      %jit3A_1388 = arith.constant 2 : i32
      %eq3A_1389 = arith.constant 0 : i32
      %eq3A_1390 = arith.cmpi eq, %jit3A_1388, %eq3A_1389 : i32
      %jit3A_1391 = arith.constant 1 : i32
      %select_n3A_1392 = arith.select %eq3A_1390, %jit3A_1391, %jit3A_1388 : i32
      %rem3A_1393 = arith.remsi %select_n3A_1296, %select_n3A_1392 : i32
      %ne3A_1394 = arith.constant 0 : i32
      %ne3A_1395 = arith.cmpi ne, %rem3A_1393, %ne3A_1394 : i32
      %lt3A_1396 = arith.constant 0 : i32
      %lt3A_1397 = arith.cmpi slt, %rem3A_1393, %lt3A_1396 : i32
      %lt3A_1398 = arith.constant 0 : i32
      %lt3A_1399 = arith.cmpi slt, %select_n3A_1392, %lt3A_1398 : i32
      %ne3A_1400 = arith.xori %lt3A_1397, %lt3A_1399 : i1
      %and3A_1401 = arith.andi %ne3A_1400, %ne3A_1395 : i1
      %add3A_1402 = arith.addi %rem3A_1393, %select_n3A_1392 : i32
      %select_n3A_1403 = arith.select %and3A_1401, %add3A_1402, %rem3A_1393 : i32
      %eq3A_1404 = arith.constant 1 : i32
      %eq3A_1405 = arith.cmpi eq, %select_n3A_1403, %eq3A_1404 : i32
      %and3A_1406 = arith.andi %and3A_1321, %eq3A_1405 : i1
      %convert_element_type3A_1407 = arith.extui %and3A_1406 : i1 to i32
      %cond3A_1408 = arith.constant 0 : i32
      %cond3A_1409 = arith.cmpi ne, %convert_element_type3A_1407, %cond3A_1408 : i32
      scf.if %cond3A_1409 {
        %mul3A_1783 = arith.constant 8 : i32
        %mul3A_1784 = arith.muli %select_n3A_1296, %mul3A_1783 : i32
        %add3A_1785 = arith.addi %mul3A_2, %mul3A_1784 : i32
        %mul3A_1786 = arith.constant 2 : i32
        %mul3A_1787 = arith.muli %add3A_1785, %mul3A_1786 : i32
        %jit3A_1788 = arith.constant 128 : i32
        %div3A_1789 = arith.divsi %mul3A_1787, %jit3A_1788 : i32
        %sign3A_1790 = arith.constant 0 : i32
        %sign3A_1791 = arith.cmpi sgt, %mul3A_1787, %sign3A_1790 : i32
        %sign3A_1792 = arith.extui %sign3A_1791 : i1 to i32
        %sign3A_1793 = arith.constant 0 : i32
        %sign3A_1794 = arith.cmpi slt, %mul3A_1787, %sign3A_1793 : i32
        %sign3A_1795 = arith.extui %sign3A_1794 : i1 to i32
        %sign3A_1796 = arith.subi %sign3A_1792, %sign3A_1795 : i32
        %sign3A_1797 = arith.constant 0 : i32
        %sign3A_1798 = arith.cmpi sgt, %jit3A_1788, %sign3A_1797 : i32
        %sign3A_1799 = arith.extui %sign3A_1798 : i1 to i32
        %sign3A_1800 = arith.constant 0 : i32
        %sign3A_1801 = arith.cmpi slt, %jit3A_1788, %sign3A_1800 : i32
        %sign3A_1802 = arith.extui %sign3A_1801 : i1 to i32
        %sign3A_1803 = arith.subi %sign3A_1799, %sign3A_1802 : i32
        %ne3A_1804 = arith.cmpi ne, %sign3A_1796, %sign3A_1803 : i32
        %rem3A_1805 = arith.remsi %mul3A_1787, %jit3A_1788 : i32
        %ne3A_1806 = arith.constant 0 : i32
        %ne3A_1807 = arith.cmpi ne, %rem3A_1805, %ne3A_1806 : i32
        %and3A_1808 = arith.andi %ne3A_1804, %ne3A_1807 : i1
        %sub3A_1809 = arith.constant 1 : i32
        %sub3A_1810 = arith.subi %div3A_1789, %sub3A_1809 : i32
        %select_n3A_1811 = arith.select %and3A_1808, %sub3A_1810, %div3A_1789 : i32
        %jit3A_1812 = arith.constant 128 : i32
        %eq3A_1813 = arith.constant 0 : i32
        %eq3A_1814 = arith.cmpi eq, %jit3A_1812, %eq3A_1813 : i32
        %jit3A_1815 = arith.constant 1 : i32
        %select_n3A_1816 = arith.select %eq3A_1814, %jit3A_1815, %jit3A_1812 : i32
        %rem3A_1817 = arith.remsi %mul3A_1787, %select_n3A_1816 : i32
        %ne3A_1818 = arith.constant 0 : i32
        %ne3A_1819 = arith.cmpi ne, %rem3A_1817, %ne3A_1818 : i32
        %lt3A_1820 = arith.constant 0 : i32
        %lt3A_1821 = arith.cmpi slt, %rem3A_1817, %lt3A_1820 : i32
        %lt3A_1822 = arith.constant 0 : i32
        %lt3A_1823 = arith.cmpi slt, %select_n3A_1816, %lt3A_1822 : i32
        %ne3A_1824 = arith.xori %lt3A_1821, %lt3A_1823 : i1
        %and3A_1825 = arith.andi %ne3A_1824, %ne3A_1819 : i1
        %add3A_1826 = arith.addi %rem3A_1817, %select_n3A_1816 : i32
        %select_n3A_1827 = arith.select %and3A_1825, %add3A_1826, %rem3A_1817 : i32
        %dma_wait3A_1828 = arith.constant 1 : i32
        %dma_wait3A_1829 = arith.constant 0 : i32
        %dma_wait3A_1830 = arith.constant 0 : i32
        %dma_wait3A_1831 = tpu.memref_slice %arg5[%dma_wait3A_1828, %dma_wait3A_1829, %dma_wait3A_1830] : memref<2x16x128xi32, #tpu.memory_space<vmem>> -> memref<1x16x128xi32, #tpu.memory_space<vmem>>
        %dma_wait3A_1832 = tpu.memref_squeeze %dma_wait3A_1831 : memref<1x16x128xi32, #tpu.memory_space<vmem>> -> memref<16x128xi32, #tpu.memory_space<vmem>>
        %dma_wait3A_1833 = arith.constant 0 : i32
        %dma_wait3A_1834 = tpu.memref_slice %arg3[%select_n3A_1811, %select_n3A_1827, %dma_wait3A_1833] : memref<200x128x128xi32, #tpu.memory_space<hbm>> -> memref<1x16x128xi32, #tpu.memory_space<hbm>>
        %dma_wait3A_1835 = tpu.memref_squeeze %dma_wait3A_1834 : memref<1x16x128xi32, #tpu.memory_space<hbm>> -> memref<16x128xi32, #tpu.memory_space<hbm>>
        %dma_wait3A_1836 = arith.constant 0 : i32
        %dma_wait3A_1837 = arith.constant 0 : i32
        %dma_wait3A_1838 = tpu.memref_slice %arg5[%dma_wait3A_1828, %dma_wait3A_1836, %dma_wait3A_1837] : memref<2x16x128xi32, #tpu.memory_space<vmem>> -> memref<1x16x128xi32, #tpu.memory_space<vmem>>
        %dma_wait3A_1839 = tpu.memref_squeeze %dma_wait3A_1838 : memref<1x16x128xi32, #tpu.memory_space<vmem>> -> memref<16x128xi32, #tpu.memory_space<vmem>>
        %dma_wait3A_1840 = arith.constant 0 : i32
        %dma_wait3A_1841 = tpu.memref_slice %arg3[%select_n3A_1811, %select_n3A_1827, %dma_wait3A_1840] : memref<200x128x128xi32, #tpu.memory_space<hbm>> -> memref<1x16x128xi32, #tpu.memory_space<hbm>>
        %dma_wait3A_1842 = tpu.memref_squeeze %dma_wait3A_1841 : memref<1x16x128xi32, #tpu.memory_space<hbm>> -> memref<16x128xi32, #tpu.memory_space<hbm>>
        tpu.wait_dma2 semaphore(%arg13 : memref<!tpu.dma_semaphore, #tpu.memory_space<semaphore_mem>>) src(%dma_wait3A_1842 : memref<16x128xi32, #tpu.memory_space<hbm>>) dst(%dma_wait3A_1839 : memref<16x128xi32, #tpu.memory_space<vmem>>)
      } else {
      }
      %mul3A_1410 = arith.constant 2 : i32
      %mul3A_1411 = arith.muli %mul3A_1410, %scan3A_576 : i32
      %add3A_1412 = arith.constant 1 : i32
      %add3A_1413 = arith.addi %mul3A_1411, %add3A_1412 : i32
      %add3A_1414 = arith.constant 1 : i32
      %add3A_1415 = arith.addi %add3A_1413, %add3A_1414 : i32
      %lt3A_1416 = arith.constant 400 : i32
      %lt3A_1417 = arith.cmpi slt, %add3A_1415, %lt3A_1416 : i32
      %convert_element_type3A_1418 = arith.extui %lt3A_1417 : i1 to i32
      %cond3A_1419 = arith.constant 0 : i32
      %cond3A_1420 = arith.cmpi ne, %convert_element_type3A_1418, %cond3A_1419 : i32
      scf.if %cond3A_1420 {
        %add3A_1783 = arith.constant 1 : i32
        %add3A_1784 = arith.addi %add3A_1220, %add3A_1783 : i32
        %sub3A_1785 = arith.subi %add3A_1784, %mul3A_2 : i32
        %jit3A_1786 = arith.constant 8 : i32
        %div3A_1787 = arith.divsi %sub3A_1785, %jit3A_1786 : i32
        %sign3A_1788 = arith.constant 0 : i32
        %sign3A_1789 = arith.cmpi sgt, %sub3A_1785, %sign3A_1788 : i32
        %sign3A_1790 = arith.extui %sign3A_1789 : i1 to i32
        %sign3A_1791 = arith.constant 0 : i32
        %sign3A_1792 = arith.cmpi slt, %sub3A_1785, %sign3A_1791 : i32
        %sign3A_1793 = arith.extui %sign3A_1792 : i1 to i32
        %sign3A_1794 = arith.subi %sign3A_1790, %sign3A_1793 : i32
        %sign3A_1795 = arith.constant 0 : i32
        %sign3A_1796 = arith.cmpi sgt, %jit3A_1786, %sign3A_1795 : i32
        %sign3A_1797 = arith.extui %sign3A_1796 : i1 to i32
        %sign3A_1798 = arith.constant 0 : i32
        %sign3A_1799 = arith.cmpi slt, %jit3A_1786, %sign3A_1798 : i32
        %sign3A_1800 = arith.extui %sign3A_1799 : i1 to i32
        %sign3A_1801 = arith.subi %sign3A_1797, %sign3A_1800 : i32
        %ne3A_1802 = arith.cmpi ne, %sign3A_1794, %sign3A_1801 : i32
        %rem3A_1803 = arith.remsi %sub3A_1785, %jit3A_1786 : i32
        %ne3A_1804 = arith.constant 0 : i32
        %ne3A_1805 = arith.cmpi ne, %rem3A_1803, %ne3A_1804 : i32
        %and3A_1806 = arith.andi %ne3A_1802, %ne3A_1805 : i1
        %sub3A_1807 = arith.constant 1 : i32
        %sub3A_1808 = arith.subi %div3A_1787, %sub3A_1807 : i32
        %select_n3A_1809 = arith.select %and3A_1806, %sub3A_1808, %div3A_1787 : i32
        %jit3A_1810 = arith.constant 2 : i32
        %eq3A_1811 = arith.constant 0 : i32
        %eq3A_1812 = arith.cmpi eq, %jit3A_1810, %eq3A_1811 : i32
        %jit3A_1813 = arith.constant 1 : i32
        %select_n3A_1814 = arith.select %eq3A_1812, %jit3A_1813, %jit3A_1810 : i32
        %rem3A_1815 = arith.remsi %select_n3A_1809, %select_n3A_1814 : i32
        %ne3A_1816 = arith.constant 0 : i32
        %ne3A_1817 = arith.cmpi ne, %rem3A_1815, %ne3A_1816 : i32
        %lt3A_1818 = arith.constant 0 : i32
        %lt3A_1819 = arith.cmpi slt, %rem3A_1815, %lt3A_1818 : i32
        %lt3A_1820 = arith.constant 0 : i32
        %lt3A_1821 = arith.cmpi slt, %select_n3A_1814, %lt3A_1820 : i32
        %ne3A_1822 = arith.xori %lt3A_1819, %lt3A_1821 : i1
        %and3A_1823 = arith.andi %ne3A_1822, %ne3A_1817 : i1
        %add3A_1824 = arith.addi %rem3A_1815, %select_n3A_1814 : i32
        %select_n3A_1825 = arith.select %and3A_1823, %add3A_1824, %rem3A_1815 : i32
        %jit3A_1826 = arith.constant 8 : i32
        %eq3A_1827 = arith.constant 0 : i32
        %eq3A_1828 = arith.cmpi eq, %jit3A_1826, %eq3A_1827 : i32
        %jit3A_1829 = arith.constant 1 : i32
        %select_n3A_1830 = arith.select %eq3A_1828, %jit3A_1829, %jit3A_1826 : i32
        %rem3A_1831 = arith.remsi %sub3A_1785, %select_n3A_1830 : i32
        %ne3A_1832 = arith.constant 0 : i32
        %ne3A_1833 = arith.cmpi ne, %rem3A_1831, %ne3A_1832 : i32
        %lt3A_1834 = arith.constant 0 : i32
        %lt3A_1835 = arith.cmpi slt, %rem3A_1831, %lt3A_1834 : i32
        %lt3A_1836 = arith.constant 0 : i32
        %lt3A_1837 = arith.cmpi slt, %select_n3A_1830, %lt3A_1836 : i32
        %ne3A_1838 = arith.xori %lt3A_1835, %lt3A_1837 : i1
        %and3A_1839 = arith.andi %ne3A_1838, %ne3A_1833 : i1
        %add3A_1840 = arith.addi %rem3A_1831, %select_n3A_1830 : i32
        %select_n3A_1841 = arith.select %and3A_1839, %add3A_1840, %rem3A_1831 : i32
        %mul3A_1842 = arith.constant 2 : i32
        %mul3A_1843 = arith.muli %select_n3A_1841, %mul3A_1842 : i32
        %add3A_1844 = arith.constant 0 : i32
        %add3A_1845 = arith.addi %mul3A_1843, %add3A_1844 : i32
        %dma_start3A_1846 = arith.constant 0 : i32
        %dma_start3A_1847 = arith.constant 0 : i32
        %dma_start3A_1848 = arith.constant 0 : i32
        %dma_start3A_1849 = arith.constant 0 : i32
        %dma_start3A_1850 = tpu.memref_slice %arg6[%dma_start3A_1846, %dma_start3A_1847, %dma_start3A_1848, %dma_start3A_1849] : memref<2x2x128x64xf32, #tpu.memory_space<vmem>> -> memref<1x1x128x64xf32, #tpu.memory_space<vmem>>
        %dma_start3A_1851 = tpu.memref_squeeze %dma_start3A_1850 : memref<1x1x128x64xf32, #tpu.memory_space<vmem>> -> memref<128x64xf32, #tpu.memory_space<vmem>>
        %dma_start3A_1852 = arith.constant 0 : i32
        %dma_start3A_1853 = tpu.memref_slice %arg5[%select_n3A_1825, %add3A_1845, %dma_start3A_1852] : memref<2x16x128xi32, #tpu.memory_space<vmem>> -> memref<1x1x128xi32, #tpu.memory_space<vmem>>
        %dma_start3A_1854 = tpu.memref_squeeze %dma_start3A_1853 : memref<1x1x128xi32, #tpu.memory_space<vmem>> -> memref<128xi32, #tpu.memory_space<vmem>>
        %dma_start3A_1855 = arith.constant 0 : i32
        %dma_start3A_1856 = arith.constant 0 : i32
        %dma_start3A_1857 = tpu.memref_slice %arg2[%dma_start3A_1855, %dma_start3A_1856] : memref<1000000x64xf32, #tpu.memory_space<hbm>> -> memref<1000000x64xf32, #tpu.memory_space<hbm>>
        tpu.enqueue_indirect_dma source(%dma_start3A_1857 : memref<1000000x64xf32, #tpu.memory_space<hbm>>) target(%dma_start3A_1851 : memref<128x64xf32, #tpu.memory_space<vmem>>) offsets(%dma_start3A_1854 : memref<128xi32, #tpu.memory_space<vmem>>) semaphore(%arg8 : memref<!tpu.dma_semaphore, #tpu.memory_space<semaphore_mem>>)
        %add3A_1858 = arith.constant 1 : i32
        %add3A_1859 = arith.addi %mul3A_1843, %add3A_1858 : i32
        %dma_start3A_1860 = arith.constant 0 : i32
        %dma_start3A_1861 = arith.constant 1 : i32
        %dma_start3A_1862 = arith.constant 0 : i32
        %dma_start3A_1863 = arith.constant 0 : i32
        %dma_start3A_1864 = tpu.memref_slice %arg6[%dma_start3A_1860, %dma_start3A_1861, %dma_start3A_1862, %dma_start3A_1863] : memref<2x2x128x64xf32, #tpu.memory_space<vmem>> -> memref<1x1x128x64xf32, #tpu.memory_space<vmem>>
        %dma_start3A_1865 = tpu.memref_squeeze %dma_start3A_1864 : memref<1x1x128x64xf32, #tpu.memory_space<vmem>> -> memref<128x64xf32, #tpu.memory_space<vmem>>
        %dma_start3A_1866 = arith.constant 0 : i32
        %dma_start3A_1867 = tpu.memref_slice %arg5[%select_n3A_1825, %add3A_1859, %dma_start3A_1866] : memref<2x16x128xi32, #tpu.memory_space<vmem>> -> memref<1x1x128xi32, #tpu.memory_space<vmem>>
        %dma_start3A_1868 = tpu.memref_squeeze %dma_start3A_1867 : memref<1x1x128xi32, #tpu.memory_space<vmem>> -> memref<128xi32, #tpu.memory_space<vmem>>
        %dma_start3A_1869 = arith.constant 0 : i32
        %dma_start3A_1870 = arith.constant 0 : i32
        %dma_start3A_1871 = tpu.memref_slice %arg2[%dma_start3A_1869, %dma_start3A_1870] : memref<1000000x64xf32, #tpu.memory_space<hbm>> -> memref<1000000x64xf32, #tpu.memory_space<hbm>>
        tpu.enqueue_indirect_dma source(%dma_start3A_1871 : memref<1000000x64xf32, #tpu.memory_space<hbm>>) target(%dma_start3A_1865 : memref<128x64xf32, #tpu.memory_space<vmem>>) offsets(%dma_start3A_1868 : memref<128xi32, #tpu.memory_space<vmem>>) semaphore(%arg8 : memref<!tpu.dma_semaphore, #tpu.memory_space<semaphore_mem>>)
      } else {
      }
      %sub3A_1421 = arith.subi %add3A_1220, %mul3A_2 : i32
      %jit3A_1422 = arith.constant 8 : i32
      %div3A_1423 = arith.divsi %sub3A_1421, %jit3A_1422 : i32
      %sign3A_1424 = arith.constant 0 : i32
      %sign3A_1425 = arith.cmpi sgt, %sub3A_1421, %sign3A_1424 : i32
      %sign3A_1426 = arith.extui %sign3A_1425 : i1 to i32
      %sign3A_1427 = arith.constant 0 : i32
      %sign3A_1428 = arith.cmpi slt, %sub3A_1421, %sign3A_1427 : i32
      %sign3A_1429 = arith.extui %sign3A_1428 : i1 to i32
      %sign3A_1430 = arith.subi %sign3A_1426, %sign3A_1429 : i32
      %sign3A_1431 = arith.constant 0 : i32
      %sign3A_1432 = arith.cmpi sgt, %jit3A_1422, %sign3A_1431 : i32
      %sign3A_1433 = arith.extui %sign3A_1432 : i1 to i32
      %sign3A_1434 = arith.constant 0 : i32
      %sign3A_1435 = arith.cmpi slt, %jit3A_1422, %sign3A_1434 : i32
      %sign3A_1436 = arith.extui %sign3A_1435 : i1 to i32
      %sign3A_1437 = arith.subi %sign3A_1433, %sign3A_1436 : i32
      %ne3A_1438 = arith.cmpi ne, %sign3A_1430, %sign3A_1437 : i32
      %rem3A_1439 = arith.remsi %sub3A_1421, %jit3A_1422 : i32
      %ne3A_1440 = arith.constant 0 : i32
      %ne3A_1441 = arith.cmpi ne, %rem3A_1439, %ne3A_1440 : i32
      %and3A_1442 = arith.andi %ne3A_1438, %ne3A_1441 : i1
      %sub3A_1443 = arith.constant 1 : i32
      %sub3A_1444 = arith.subi %div3A_1423, %sub3A_1443 : i32
      %select_n3A_1445 = arith.select %and3A_1442, %sub3A_1444, %div3A_1423 : i32
      %jit3A_1446 = arith.constant 2 : i32
      %eq3A_1447 = arith.constant 0 : i32
      %eq3A_1448 = arith.cmpi eq, %jit3A_1446, %eq3A_1447 : i32
      %jit3A_1449 = arith.constant 1 : i32
      %select_n3A_1450 = arith.select %eq3A_1448, %jit3A_1449, %jit3A_1446 : i32
      %rem3A_1451 = arith.remsi %select_n3A_1445, %select_n3A_1450 : i32
      %ne3A_1452 = arith.constant 0 : i32
      %ne3A_1453 = arith.cmpi ne, %rem3A_1451, %ne3A_1452 : i32
      %lt3A_1454 = arith.constant 0 : i32
      %lt3A_1455 = arith.cmpi slt, %rem3A_1451, %lt3A_1454 : i32
      %lt3A_1456 = arith.constant 0 : i32
      %lt3A_1457 = arith.cmpi slt, %select_n3A_1450, %lt3A_1456 : i32
      %ne3A_1458 = arith.xori %lt3A_1455, %lt3A_1457 : i1
      %and3A_1459 = arith.andi %ne3A_1458, %ne3A_1453 : i1
      %add3A_1460 = arith.addi %rem3A_1451, %select_n3A_1450 : i32
      %select_n3A_1461 = arith.select %and3A_1459, %add3A_1460, %rem3A_1451 : i32
      %jit3A_1462 = arith.constant 8 : i32
      %eq3A_1463 = arith.constant 0 : i32
      %eq3A_1464 = arith.cmpi eq, %jit3A_1462, %eq3A_1463 : i32
      %jit3A_1465 = arith.constant 1 : i32
      %select_n3A_1466 = arith.select %eq3A_1464, %jit3A_1465, %jit3A_1462 : i32
      %rem3A_1467 = arith.remsi %sub3A_1421, %select_n3A_1466 : i32
      %ne3A_1468 = arith.constant 0 : i32
      %ne3A_1469 = arith.cmpi ne, %rem3A_1467, %ne3A_1468 : i32
      %lt3A_1470 = arith.constant 0 : i32
      %lt3A_1471 = arith.cmpi slt, %rem3A_1467, %lt3A_1470 : i32
      %lt3A_1472 = arith.constant 0 : i32
      %lt3A_1473 = arith.cmpi slt, %select_n3A_1466, %lt3A_1472 : i32
      %ne3A_1474 = arith.xori %lt3A_1471, %lt3A_1473 : i1
      %and3A_1475 = arith.andi %ne3A_1474, %ne3A_1469 : i1
      %add3A_1476 = arith.addi %rem3A_1467, %select_n3A_1466 : i32
      %select_n3A_1477 = arith.select %and3A_1475, %add3A_1476, %rem3A_1467 : i32
      %mul3A_1478 = arith.constant 2 : i32
      %mul3A_1479 = arith.muli %select_n3A_1477, %mul3A_1478 : i32
      %add3A_1480 = arith.constant 0 : i32
      %add3A_1481 = arith.addi %mul3A_1479, %add3A_1480 : i32
      %dma_wait3A_1482 = arith.constant 1 : i32
      %dma_wait3A_1483 = arith.constant 0 : i32
      %dma_wait3A_1484 = arith.constant 0 : i32
      %dma_wait3A_1485 = arith.constant 0 : i32
      %dma_wait3A_1486 = tpu.memref_slice %arg6[%dma_wait3A_1482, %dma_wait3A_1483, %dma_wait3A_1484, %dma_wait3A_1485] : memref<2x2x128x64xf32, #tpu.memory_space<vmem>> -> memref<1x1x128x64xf32, #tpu.memory_space<vmem>>
      %dma_wait3A_1487 = tpu.memref_squeeze %dma_wait3A_1486 : memref<1x1x128x64xf32, #tpu.memory_space<vmem>> -> memref<128x64xf32, #tpu.memory_space<vmem>>
      %dma_wait3A_1488 = arith.constant 0 : i32
      %dma_wait3A_1489 = tpu.memref_slice %arg5[%select_n3A_1461, %add3A_1481, %dma_wait3A_1488] : memref<2x16x128xi32, #tpu.memory_space<vmem>> -> memref<1x1x128xi32, #tpu.memory_space<vmem>>
      %dma_wait3A_1490 = tpu.memref_squeeze %dma_wait3A_1489 : memref<1x1x128xi32, #tpu.memory_space<vmem>> -> memref<128xi32, #tpu.memory_space<vmem>>
      %dma_wait3A_1491 = arith.constant 0 : i32
      %dma_wait3A_1492 = arith.constant 0 : i32
      %dma_wait3A_1493 = tpu.memref_slice %arg2[%dma_wait3A_1491, %dma_wait3A_1492] : memref<1000000x64xf32, #tpu.memory_space<hbm>> -> memref<1000000x64xf32, #tpu.memory_space<hbm>>
      tpu.wait_indirect_dma semaphore(%arg9 : memref<!tpu.dma_semaphore, #tpu.memory_space<semaphore_mem>>) src(%dma_wait3A_1493 : memref<1000000x64xf32, #tpu.memory_space<hbm>>) dst(%dma_wait3A_1487 : memref<128x64xf32, #tpu.memory_space<vmem>>)
      %add3A_1494 = arith.constant 1 : i32
      %add3A_1495 = arith.addi %mul3A_1479, %add3A_1494 : i32
      %dma_wait3A_1496 = arith.constant 1 : i32
      %dma_wait3A_1497 = arith.constant 1 : i32
      %dma_wait3A_1498 = arith.constant 0 : i32
      %dma_wait3A_1499 = arith.constant 0 : i32
      %dma_wait3A_1500 = tpu.memref_slice %arg6[%dma_wait3A_1496, %dma_wait3A_1497, %dma_wait3A_1498, %dma_wait3A_1499] : memref<2x2x128x64xf32, #tpu.memory_space<vmem>> -> memref<1x1x128x64xf32, #tpu.memory_space<vmem>>
      %dma_wait3A_1501 = tpu.memref_squeeze %dma_wait3A_1500 : memref<1x1x128x64xf32, #tpu.memory_space<vmem>> -> memref<128x64xf32, #tpu.memory_space<vmem>>
      %dma_wait3A_1502 = arith.constant 0 : i32
      %dma_wait3A_1503 = tpu.memref_slice %arg5[%select_n3A_1461, %add3A_1495, %dma_wait3A_1502] : memref<2x16x128xi32, #tpu.memory_space<vmem>> -> memref<1x1x128xi32, #tpu.memory_space<vmem>>
      %dma_wait3A_1504 = tpu.memref_squeeze %dma_wait3A_1503 : memref<1x1x128xi32, #tpu.memory_space<vmem>> -> memref<128xi32, #tpu.memory_space<vmem>>
      %dma_wait3A_1505 = arith.constant 0 : i32
      %dma_wait3A_1506 = arith.constant 0 : i32
      %dma_wait3A_1507 = tpu.memref_slice %arg2[%dma_wait3A_1505, %dma_wait3A_1506] : memref<1000000x64xf32, #tpu.memory_space<hbm>> -> memref<1000000x64xf32, #tpu.memory_space<hbm>>
      tpu.wait_indirect_dma semaphore(%arg9 : memref<!tpu.dma_semaphore, #tpu.memory_space<semaphore_mem>>) src(%dma_wait3A_1507 : memref<1000000x64xf32, #tpu.memory_space<hbm>>) dst(%dma_wait3A_1501 : memref<128x64xf32, #tpu.memory_space<vmem>>)
      %add3A_1508 = arith.constant 1 : i32
      %add3A_1509 = arith.addi %scan3A_576, %add3A_1508 : i32
      %ge3A_1510 = arith.constant 1 : i32
      %ge3A_1511 = arith.cmpi sge, %add3A_1509, %ge3A_1510 : i32
      %convert_element_type3A_1512 = arith.extui %ge3A_1511 : i1 to i32
      %cond3A_1513 = arith.constant 0 : i32
      %cond3A_1514 = arith.cmpi ne, %convert_element_type3A_1512, %cond3A_1513 : i32
      scf.if %cond3A_1514 {
        %sub3A_1783 = arith.constant 1 : i32
        %sub3A_1784 = arith.subi %add3A_1220, %sub3A_1783 : i32
        %mul3A_1785 = arith.constant 2 : i32
        %mul3A_1786 = arith.muli %sub3A_1784, %mul3A_1785 : i32
        %add3A_1787 = arith.constant 0 : i32
        %add3A_1788 = arith.addi %mul3A_1786, %add3A_1787 : i32
        %jit3A_1789 = arith.constant 128 : i32
        %div3A_1790 = arith.divsi %add3A_1788, %jit3A_1789 : i32
        %sign3A_1791 = arith.constant 0 : i32
        %sign3A_1792 = arith.cmpi sgt, %add3A_1788, %sign3A_1791 : i32
        %sign3A_1793 = arith.extui %sign3A_1792 : i1 to i32
        %sign3A_1794 = arith.constant 0 : i32
        %sign3A_1795 = arith.cmpi slt, %add3A_1788, %sign3A_1794 : i32
        %sign3A_1796 = arith.extui %sign3A_1795 : i1 to i32
        %sign3A_1797 = arith.subi %sign3A_1793, %sign3A_1796 : i32
        %sign3A_1798 = arith.constant 0 : i32
        %sign3A_1799 = arith.cmpi sgt, %jit3A_1789, %sign3A_1798 : i32
        %sign3A_1800 = arith.extui %sign3A_1799 : i1 to i32
        %sign3A_1801 = arith.constant 0 : i32
        %sign3A_1802 = arith.cmpi slt, %jit3A_1789, %sign3A_1801 : i32
        %sign3A_1803 = arith.extui %sign3A_1802 : i1 to i32
        %sign3A_1804 = arith.subi %sign3A_1800, %sign3A_1803 : i32
        %ne3A_1805 = arith.cmpi ne, %sign3A_1797, %sign3A_1804 : i32
        %rem3A_1806 = arith.remsi %add3A_1788, %jit3A_1789 : i32
        %ne3A_1807 = arith.constant 0 : i32
        %ne3A_1808 = arith.cmpi ne, %rem3A_1806, %ne3A_1807 : i32
        %and3A_1809 = arith.andi %ne3A_1805, %ne3A_1808 : i1
        %sub3A_1810 = arith.constant 1 : i32
        %sub3A_1811 = arith.subi %div3A_1790, %sub3A_1810 : i32
        %select_n3A_1812 = arith.select %and3A_1809, %sub3A_1811, %div3A_1790 : i32
        %jit3A_1813 = arith.constant 128 : i32
        %eq3A_1814 = arith.constant 0 : i32
        %eq3A_1815 = arith.cmpi eq, %jit3A_1813, %eq3A_1814 : i32
        %jit3A_1816 = arith.constant 1 : i32
        %select_n3A_1817 = arith.select %eq3A_1815, %jit3A_1816, %jit3A_1813 : i32
        %rem3A_1818 = arith.remsi %add3A_1788, %select_n3A_1817 : i32
        %ne3A_1819 = arith.constant 0 : i32
        %ne3A_1820 = arith.cmpi ne, %rem3A_1818, %ne3A_1819 : i32
        %lt3A_1821 = arith.constant 0 : i32
        %lt3A_1822 = arith.cmpi slt, %rem3A_1818, %lt3A_1821 : i32
        %lt3A_1823 = arith.constant 0 : i32
        %lt3A_1824 = arith.cmpi slt, %select_n3A_1817, %lt3A_1823 : i32
        %ne3A_1825 = arith.xori %lt3A_1822, %lt3A_1824 : i1
        %and3A_1826 = arith.andi %ne3A_1825, %ne3A_1820 : i1
        %add3A_1827 = arith.addi %rem3A_1818, %select_n3A_1817 : i32
        %select_n3A_1828 = arith.select %and3A_1826, %add3A_1827, %rem3A_1818 : i32
        %dma_wait3A_1829 = arith.constant 0 : i32
        %dma_wait3A_1830 = arith.constant 0 : i32
        %dma_wait3A_1831 = arith.constant 0 : i32
        %dma_wait3A_1832 = arith.constant 0 : i32
        %dma_wait3A_1833 = tpu.memref_slice %arg7[%dma_wait3A_1829, %dma_wait3A_1830, %dma_wait3A_1831, %dma_wait3A_1832] : memref<2x8x8x129xf32, #tpu.memory_space<vmem>> -> memref<1x8x8x128xf32, #tpu.memory_space<vmem>>
        %dma_wait3A_1834 = tpu.memref_squeeze %dma_wait3A_1833 : memref<1x8x8x128xf32, #tpu.memory_space<vmem>> -> memref<8x8x128xf32, #tpu.memory_space<vmem>>
        %dma_wait3A_1835 = arith.constant 0 : i32
        %dma_wait3A_1836 = arith.constant 0 : i32
        %dma_wait3A_1837 = arith.constant 0 : i32
        %dma_wait3A_1838 = tpu.memref_slice %arg4[%select_n3A_1812, %dma_wait3A_1835, %select_n3A_1828, %dma_wait3A_1836, %dma_wait3A_1837] : memref<200x8x128x8x128xf32, #tpu.memory_space<hbm>> -> memref<1x8x1x8x128xf32, #tpu.memory_space<hbm>>
        %dma_wait3A_1839 = tpu.memref_squeeze %dma_wait3A_1838 : memref<1x8x1x8x128xf32, #tpu.memory_space<hbm>> -> memref<8x8x128xf32, #tpu.memory_space<hbm>>
        %dma_wait3A_1840 = arith.constant 0 : i32
        %dma_wait3A_1841 = arith.constant 0 : i32
        %dma_wait3A_1842 = arith.constant 0 : i32
        %dma_wait3A_1843 = tpu.memref_slice %arg4[%select_n3A_1812, %dma_wait3A_1840, %select_n3A_1828, %dma_wait3A_1841, %dma_wait3A_1842] : memref<200x8x128x8x128xf32, #tpu.memory_space<hbm>> -> memref<1x8x1x8x128xf32, #tpu.memory_space<hbm>>
        %dma_wait3A_1844 = tpu.memref_squeeze %dma_wait3A_1843 : memref<1x8x1x8x128xf32, #tpu.memory_space<hbm>> -> memref<8x8x128xf32, #tpu.memory_space<hbm>>
        %dma_wait3A_1845 = arith.constant 0 : i32
        %dma_wait3A_1846 = arith.constant 0 : i32
        %dma_wait3A_1847 = arith.constant 0 : i32
        %dma_wait3A_1848 = tpu.memref_slice %arg7[%dma_wait3A_1829, %dma_wait3A_1845, %dma_wait3A_1846, %dma_wait3A_1847] : memref<2x8x8x129xf32, #tpu.memory_space<vmem>> -> memref<1x8x8x128xf32, #tpu.memory_space<vmem>>
        %dma_wait3A_1849 = tpu.memref_squeeze %dma_wait3A_1848 : memref<1x8x8x128xf32, #tpu.memory_space<vmem>> -> memref<8x8x128xf32, #tpu.memory_space<vmem>>
        tpu.wait_dma2 semaphore(%arg10 : memref<!tpu.dma_semaphore, #tpu.memory_space<semaphore_mem>>) src(%dma_wait3A_1849 : memref<8x8x128xf32, #tpu.memory_space<vmem>>) dst(%dma_wait3A_1844 : memref<8x8x128xf32, #tpu.memory_space<hbm>>)
      } else {
      }
      %broadcast_in_dim3A_1515 = arith.constant 0 : i32
      %broadcast_in_dim3A_1516 = vector.broadcast %broadcast_in_dim3A_1515 : i32 to vector<16xi32>
      %get3A_1517 = arith.constant 1 : i32
      %get3A_1518 = arith.constant 0 : i32
      %get3A_1519 = arith.constant 0 : i32
      %get3A_1520 = arith.index_cast %get3A_1517 : i32 to index
      %get3A_1521 = arith.index_cast %get3A_1518 : i32 to index
      %get3A_1522 = arith.index_cast %get3A_1519 : i32 to index
      %get3A_1523 = arith.constant 0 : index
      %get3A_1524 = tpu.vector_load %arg6[%get3A_1520, %get3A_1521, %get3A_1522, %get3A_1523] {strides = array<i32>} : memref<2x2x128x64xf32, #tpu.memory_space<vmem>>, vector<16xf32>,
      %get3A_1525 = arith.constant 1 : i32
      %get3A_1526 = arith.constant 0 : i32
      %get3A_1527 = arith.constant 0 : i32
      %get3A_1528 = arith.index_cast %get3A_1525 : i32 to index
      %get3A_1529 = arith.index_cast %get3A_1526 : i32 to index
      %get3A_1530 = arith.index_cast %get3A_1527 : i32 to index
      %get3A_1531 = arith.constant 16 : index
      %get3A_1532 = tpu.vector_load %arg6[%get3A_1528, %get3A_1529, %get3A_1530, %get3A_1531] {strides = array<i32>} : memref<2x2x128x64xf32, #tpu.memory_space<vmem>>, vector<16xf32>,
      %get3A_1533 = arith.constant 1 : i32
      %get3A_1534 = arith.constant 0 : i32
      %get3A_1535 = arith.constant 0 : i32
      %get3A_1536 = arith.index_cast %get3A_1533 : i32 to index
      %get3A_1537 = arith.index_cast %get3A_1534 : i32 to index
      %get3A_1538 = arith.index_cast %get3A_1535 : i32 to index
      %get3A_1539 = arith.constant 32 : index
      %get3A_1540 = tpu.vector_load %arg6[%get3A_1536, %get3A_1537, %get3A_1538, %get3A_1539] {strides = array<i32>} : memref<2x2x128x64xf32, #tpu.memory_space<vmem>>, vector<16xf32>,
      %get3A_1541 = arith.constant 1 : i32
      %get3A_1542 = arith.constant 0 : i32
      %get3A_1543 = arith.constant 0 : i32
      %get3A_1544 = arith.index_cast %get3A_1541 : i32 to index
      %get3A_1545 = arith.index_cast %get3A_1542 : i32 to index
      %get3A_1546 = arith.index_cast %get3A_1543 : i32 to index
      %get3A_1547 = arith.constant 48 : index
      %get3A_1548 = tpu.vector_load %arg6[%get3A_1544, %get3A_1545, %get3A_1546, %get3A_1547] {strides = array<i32>} : memref<2x2x128x64xf32, #tpu.memory_space<vmem>>, vector<16xf32>,
      %scan3A_1549 = arith.constant 0 : i32
      %scan3A_1550 = arith.constant 0 : i32
      %scan3A_1551 = arith.constant 127 : i32
      %scan3A_1552 = arith.addi %scan3A_1550, %scan3A_1551 : i32
      %scan3A_1553 = arith.constant 1 : i32
      %scan3A_1554:5 = scf.for %scan3A_1783 = %scan3A_1550 to %scan3A_1552 step %scan3A_1553 iter_args(%scan3A_1784 = %get3A_1524, %scan3A_1785 = %get3A_1532, %scan3A_1786 = %get3A_1540, %scan3A_1787 = %get3A_1548, %scan3A_1788 = %broadcast_in_dim3A_1516) -> (vector<16xf32>, vector<16xf32>, vector<16xf32>, vector<16xf32>, vector<16xi32>)  : i32 {
        %add3A_1789 = arith.constant 1 : i32
        %add3A_1790 = arith.addi %scan3A_1783, %add3A_1789 : i32
        %get3A_1791 = arith.constant 1 : i32
        %get3A_1792 = arith.constant 0 : i32
        %get3A_1793 = arith.index_cast %get3A_1791 : i32 to index
        %get3A_1794 = arith.index_cast %get3A_1792 : i32 to index
        %get3A_1795 = arith.index_cast %add3A_1790 : i32 to index
        %get3A_1796 = arith.constant 0 : index
        %get3A_1797 = tpu.vector_load %arg6[%get3A_1793, %get3A_1794, %get3A_1795, %get3A_1796] {strides = array<i32>} : memref<2x2x128x64xf32, #tpu.memory_space<vmem>>, vector<16xf32>,
        %get3A_1798 = arith.constant 1 : i32
        %get3A_1799 = arith.constant 0 : i32
        %get3A_1800 = arith.index_cast %get3A_1798 : i32 to index
        %get3A_1801 = arith.index_cast %get3A_1799 : i32 to index
        %get3A_1802 = arith.index_cast %add3A_1790 : i32 to index
        %get3A_1803 = arith.constant 16 : index
        %get3A_1804 = tpu.vector_load %arg6[%get3A_1800, %get3A_1801, %get3A_1802, %get3A_1803] {strides = array<i32>} : memref<2x2x128x64xf32, #tpu.memory_space<vmem>>, vector<16xf32>,
        %get3A_1805 = arith.constant 1 : i32
        %get3A_1806 = arith.constant 0 : i32
        %get3A_1807 = arith.index_cast %get3A_1805 : i32 to index
        %get3A_1808 = arith.index_cast %get3A_1806 : i32 to index
        %get3A_1809 = arith.index_cast %add3A_1790 : i32 to index
        %get3A_1810 = arith.constant 32 : index
        %get3A_1811 = tpu.vector_load %arg6[%get3A_1807, %get3A_1808, %get3A_1809, %get3A_1810] {strides = array<i32>} : memref<2x2x128x64xf32, #tpu.memory_space<vmem>>, vector<16xf32>,
        %get3A_1812 = arith.constant 1 : i32
        %get3A_1813 = arith.constant 0 : i32
        %get3A_1814 = arith.index_cast %get3A_1812 : i32 to index
        %get3A_1815 = arith.index_cast %get3A_1813 : i32 to index
        %get3A_1816 = arith.index_cast %add3A_1790 : i32 to index
        %get3A_1817 = arith.constant 48 : index
        %get3A_1818 = tpu.vector_load %arg6[%get3A_1814, %get3A_1815, %get3A_1816, %get3A_1817] {strides = array<i32>} : memref<2x2x128x64xf32, #tpu.memory_space<vmem>>, vector<16xf32>,
        %scatter3A_1819 = arith.constant 0 : i32
        %scatter3A_1820 = arith.constant 0 : i32
        %scatter3A_1821 = arith.constant 0 : i32
        %scatter3A_1822 = tpu.memref_slice %arg7[%scan3A_1549, %scatter3A_1819, %scatter3A_1820, %scatter3A_1821] : memref<2x8x8x129xf32, #tpu.memory_space<vmem>> -> memref<1x8x8x129xf32, #tpu.memory_space<vmem>>
        %scatter3A_1823 = tpu.memref_squeeze %scatter3A_1822 : memref<1x8x8x129xf32, #tpu.memory_space<vmem>> -> memref<8x8x129xf32, #tpu.memory_space<vmem>>
        tpu.vector_store_idx %scatter3A_1823[%select_n3A, %select_n3A_153, %scan3A_1788], %scan3A_1784 : memref<8x8x129xf32, #tpu.memory_space<vmem>>[vector<16xi32>, vector<16xi32>, vector<16xi32>], vector<16xf32>,
        %scatter3A_1824 = arith.constant 0 : i32
        %scatter3A_1825 = arith.constant 0 : i32
        %scatter3A_1826 = arith.constant 0 : i32
        %scatter3A_1827 = tpu.memref_slice %arg7[%scan3A_1549, %scatter3A_1824, %scatter3A_1825, %scatter3A_1826] : memref<2x8x8x129xf32, #tpu.memory_space<vmem>> -> memref<1x8x8x129xf32, #tpu.memory_space<vmem>>
        %scatter3A_1828 = tpu.memref_squeeze %scatter3A_1827 : memref<1x8x8x129xf32, #tpu.memory_space<vmem>> -> memref<8x8x129xf32, #tpu.memory_space<vmem>>
        tpu.vector_store_idx %scatter3A_1828[%select_n3A_62, %select_n3A_178, %scan3A_1788], %scan3A_1785 : memref<8x8x129xf32, #tpu.memory_space<vmem>>[vector<16xi32>, vector<16xi32>, vector<16xi32>], vector<16xf32>,
        %scatter3A_1829 = arith.constant 0 : i32
        %scatter3A_1830 = arith.constant 0 : i32
        %scatter3A_1831 = arith.constant 0 : i32
        %scatter3A_1832 = tpu.memref_slice %arg7[%scan3A_1549, %scatter3A_1829, %scatter3A_1830, %scatter3A_1831] : memref<2x8x8x129xf32, #tpu.memory_space<vmem>> -> memref<1x8x8x129xf32, #tpu.memory_space<vmem>>
        %scatter3A_1833 = tpu.memref_squeeze %scatter3A_1832 : memref<1x8x8x129xf32, #tpu.memory_space<vmem>> -> memref<8x8x129xf32, #tpu.memory_space<vmem>>
        tpu.vector_store_idx %scatter3A_1833[%select_n3A_96, %select_n3A_203, %scan3A_1788], %scan3A_1786 : memref<8x8x129xf32, #tpu.memory_space<vmem>>[vector<16xi32>, vector<16xi32>, vector<16xi32>], vector<16xf32>,
        %scatter3A_1834 = arith.constant 0 : i32
        %scatter3A_1835 = arith.constant 0 : i32
        %scatter3A_1836 = arith.constant 0 : i32
        %scatter3A_1837 = tpu.memref_slice %arg7[%scan3A_1549, %scatter3A_1834, %scatter3A_1835, %scatter3A_1836] : memref<2x8x8x129xf32, #tpu.memory_space<vmem>> -> memref<1x8x8x129xf32, #tpu.memory_space<vmem>>
        %scatter3A_1838 = tpu.memref_squeeze %scatter3A_1837 : memref<1x8x8x129xf32, #tpu.memory_space<vmem>> -> memref<8x8x129xf32, #tpu.memory_space<vmem>>
        tpu.vector_store_idx %scatter3A_1838[%select_n3A_130, %select_n3A_228, %scan3A_1788], %scan3A_1787 : memref<8x8x129xf32, #tpu.memory_space<vmem>>[vector<16xi32>, vector<16xi32>, vector<16xi32>], vector<16xf32>,
        %add3A_1839 = arith.constant 1 : i32
        %add3A_1840 = vector.broadcast %add3A_1839 : i32 to vector<16xi32>
        %add3A_1841 = arith.addi %scan3A_1788, %add3A_1840 : vector<16xi32>
        scf.yield %get3A_1797, %get3A_1804, %get3A_1811, %get3A_1818, %add3A_1841 : vector<16xf32>, vector<16xf32>, vector<16xf32>, vector<16xf32>, vector<16xi32>
      }
      %scan3A_1555 = arith.constant 127 : i32
      %scatter3A_1556 = arith.constant 0 : i32
      %scatter3A_1557 = arith.constant 0 : i32
      %scatter3A_1558 = arith.constant 0 : i32
      %scatter3A_1559 = arith.constant 0 : i32
      %scatter3A_1560 = tpu.memref_slice %arg7[%scatter3A_1556, %scatter3A_1557, %scatter3A_1558, %scatter3A_1559] : memref<2x8x8x129xf32, #tpu.memory_space<vmem>> -> memref<1x8x8x129xf32, #tpu.memory_space<vmem>>
      %scatter3A_1561 = tpu.memref_squeeze %scatter3A_1560 : memref<1x8x8x129xf32, #tpu.memory_space<vmem>> -> memref<8x8x129xf32, #tpu.memory_space<vmem>>
      tpu.vector_store_idx %scatter3A_1561[%select_n3A, %select_n3A_153, %scan3A_1554#4], %scan3A_1554#0 : memref<8x8x129xf32, #tpu.memory_space<vmem>>[vector<16xi32>, vector<16xi32>, vector<16xi32>], vector<16xf32>,
      %scatter3A_1562 = arith.constant 0 : i32
      %scatter3A_1563 = arith.constant 0 : i32
      %scatter3A_1564 = arith.constant 0 : i32
      %scatter3A_1565 = arith.constant 0 : i32
      %scatter3A_1566 = tpu.memref_slice %arg7[%scatter3A_1562, %scatter3A_1563, %scatter3A_1564, %scatter3A_1565] : memref<2x8x8x129xf32, #tpu.memory_space<vmem>> -> memref<1x8x8x129xf32, #tpu.memory_space<vmem>>
      %scatter3A_1567 = tpu.memref_squeeze %scatter3A_1566 : memref<1x8x8x129xf32, #tpu.memory_space<vmem>> -> memref<8x8x129xf32, #tpu.memory_space<vmem>>
      tpu.vector_store_idx %scatter3A_1567[%select_n3A_62, %select_n3A_178, %scan3A_1554#4], %scan3A_1554#1 : memref<8x8x129xf32, #tpu.memory_space<vmem>>[vector<16xi32>, vector<16xi32>, vector<16xi32>], vector<16xf32>,
      %scatter3A_1568 = arith.constant 0 : i32
      %scatter3A_1569 = arith.constant 0 : i32
      %scatter3A_1570 = arith.constant 0 : i32
      %scatter3A_1571 = arith.constant 0 : i32
      %scatter3A_1572 = tpu.memref_slice %arg7[%scatter3A_1568, %scatter3A_1569, %scatter3A_1570, %scatter3A_1571] : memref<2x8x8x129xf32, #tpu.memory_space<vmem>> -> memref<1x8x8x129xf32, #tpu.memory_space<vmem>>
      %scatter3A_1573 = tpu.memref_squeeze %scatter3A_1572 : memref<1x8x8x129xf32, #tpu.memory_space<vmem>> -> memref<8x8x129xf32, #tpu.memory_space<vmem>>
      tpu.vector_store_idx %scatter3A_1573[%select_n3A_96, %select_n3A_203, %scan3A_1554#4], %scan3A_1554#2 : memref<8x8x129xf32, #tpu.memory_space<vmem>>[vector<16xi32>, vector<16xi32>, vector<16xi32>], vector<16xf32>,
      %scatter3A_1574 = arith.constant 0 : i32
      %scatter3A_1575 = arith.constant 0 : i32
      %scatter3A_1576 = arith.constant 0 : i32
      %scatter3A_1577 = arith.constant 0 : i32
      %scatter3A_1578 = tpu.memref_slice %arg7[%scatter3A_1574, %scatter3A_1575, %scatter3A_1576, %scatter3A_1577] : memref<2x8x8x129xf32, #tpu.memory_space<vmem>> -> memref<1x8x8x129xf32, #tpu.memory_space<vmem>>
      %scatter3A_1579 = tpu.memref_squeeze %scatter3A_1578 : memref<1x8x8x129xf32, #tpu.memory_space<vmem>> -> memref<8x8x129xf32, #tpu.memory_space<vmem>>
      tpu.vector_store_idx %scatter3A_1579[%select_n3A_130, %select_n3A_228, %scan3A_1554#4], %scan3A_1554#3 : memref<8x8x129xf32, #tpu.memory_space<vmem>>[vector<16xi32>, vector<16xi32>, vector<16xi32>], vector<16xf32>,
      %mul3A_1580 = arith.constant 2 : i32
      %mul3A_1581 = arith.muli %add3A_1220, %mul3A_1580 : i32
      %add3A_1582 = arith.constant 0 : i32
      %add3A_1583 = arith.addi %mul3A_1581, %add3A_1582 : i32
      %jit3A_1584 = arith.constant 128 : i32
      %div3A_1585 = arith.divsi %add3A_1583, %jit3A_1584 : i32
      %sign3A_1586 = arith.constant 0 : i32
      %sign3A_1587 = arith.cmpi sgt, %add3A_1583, %sign3A_1586 : i32
      %sign3A_1588 = arith.extui %sign3A_1587 : i1 to i32
      %sign3A_1589 = arith.constant 0 : i32
      %sign3A_1590 = arith.cmpi slt, %add3A_1583, %sign3A_1589 : i32
      %sign3A_1591 = arith.extui %sign3A_1590 : i1 to i32
      %sign3A_1592 = arith.subi %sign3A_1588, %sign3A_1591 : i32
      %sign3A_1593 = arith.constant 0 : i32
      %sign3A_1594 = arith.cmpi sgt, %jit3A_1584, %sign3A_1593 : i32
      %sign3A_1595 = arith.extui %sign3A_1594 : i1 to i32
      %sign3A_1596 = arith.constant 0 : i32
      %sign3A_1597 = arith.cmpi slt, %jit3A_1584, %sign3A_1596 : i32
      %sign3A_1598 = arith.extui %sign3A_1597 : i1 to i32
      %sign3A_1599 = arith.subi %sign3A_1595, %sign3A_1598 : i32
      %ne3A_1600 = arith.cmpi ne, %sign3A_1592, %sign3A_1599 : i32
      %rem3A_1601 = arith.remsi %add3A_1583, %jit3A_1584 : i32
      %ne3A_1602 = arith.constant 0 : i32
      %ne3A_1603 = arith.cmpi ne, %rem3A_1601, %ne3A_1602 : i32
      %and3A_1604 = arith.andi %ne3A_1600, %ne3A_1603 : i1
      %sub3A_1605 = arith.constant 1 : i32
      %sub3A_1606 = arith.subi %div3A_1585, %sub3A_1605 : i32
      %select_n3A_1607 = arith.select %and3A_1604, %sub3A_1606, %div3A_1585 : i32
      %jit3A_1608 = arith.constant 128 : i32
      %eq3A_1609 = arith.constant 0 : i32
      %eq3A_1610 = arith.cmpi eq, %jit3A_1608, %eq3A_1609 : i32
      %jit3A_1611 = arith.constant 1 : i32
      %select_n3A_1612 = arith.select %eq3A_1610, %jit3A_1611, %jit3A_1608 : i32
      %rem3A_1613 = arith.remsi %add3A_1583, %select_n3A_1612 : i32
      %ne3A_1614 = arith.constant 0 : i32
      %ne3A_1615 = arith.cmpi ne, %rem3A_1613, %ne3A_1614 : i32
      %lt3A_1616 = arith.constant 0 : i32
      %lt3A_1617 = arith.cmpi slt, %rem3A_1613, %lt3A_1616 : i32
      %lt3A_1618 = arith.constant 0 : i32
      %lt3A_1619 = arith.cmpi slt, %select_n3A_1612, %lt3A_1618 : i32
      %ne3A_1620 = arith.xori %lt3A_1617, %lt3A_1619 : i1
      %and3A_1621 = arith.andi %ne3A_1620, %ne3A_1615 : i1
      %add3A_1622 = arith.addi %rem3A_1613, %select_n3A_1612 : i32
      %select_n3A_1623 = arith.select %and3A_1621, %add3A_1622, %rem3A_1613 : i32
      %dma_start3A_1624 = arith.constant 0 : i32
      %dma_start3A_1625 = arith.constant 0 : i32
      %dma_start3A_1626 = arith.constant 0 : i32
      %dma_start3A_1627 = arith.constant 0 : i32
      %dma_start3A_1628 = tpu.memref_slice %arg7[%dma_start3A_1624, %dma_start3A_1625, %dma_start3A_1626, %dma_start3A_1627] : memref<2x8x8x129xf32, #tpu.memory_space<vmem>> -> memref<1x8x8x128xf32, #tpu.memory_space<vmem>>
      %dma_start3A_1629 = tpu.memref_squeeze %dma_start3A_1628 : memref<1x8x8x128xf32, #tpu.memory_space<vmem>> -> memref<8x8x128xf32, #tpu.memory_space<vmem>>
      %dma_start3A_1630 = arith.constant 0 : i32
      %dma_start3A_1631 = arith.constant 0 : i32
      %dma_start3A_1632 = arith.constant 0 : i32
      %dma_start3A_1633 = tpu.memref_slice %arg4[%select_n3A_1607, %dma_start3A_1630, %select_n3A_1623, %dma_start3A_1631, %dma_start3A_1632] : memref<200x8x128x8x128xf32, #tpu.memory_space<hbm>> -> memref<1x8x1x8x128xf32, #tpu.memory_space<hbm>>
      %dma_start3A_1634 = tpu.memref_squeeze %dma_start3A_1633 : memref<1x8x1x8x128xf32, #tpu.memory_space<hbm>> -> memref<8x8x128xf32, #tpu.memory_space<hbm>>
      %dma_start3A_1635 = arith.constant 0 : i32
      %dma_start3A_1636 = arith.constant 0 : i32
      %dma_start3A_1637 = arith.constant 0 : i32
      %dma_start3A_1638 = tpu.memref_slice %arg4[%select_n3A_1607, %dma_start3A_1635, %select_n3A_1623, %dma_start3A_1636, %dma_start3A_1637] : memref<200x8x128x8x128xf32, #tpu.memory_space<hbm>> -> memref<1x8x1x8x128xf32, #tpu.memory_space<hbm>>
      %dma_start3A_1639 = tpu.memref_squeeze %dma_start3A_1638 : memref<1x8x1x8x128xf32, #tpu.memory_space<hbm>> -> memref<8x8x128xf32, #tpu.memory_space<hbm>>
      %dma_start3A_1640 = arith.constant 0 : i32
      %dma_start3A_1641 = arith.constant 0 : i32
      %dma_start3A_1642 = arith.constant 0 : i32
      %dma_start3A_1643 = tpu.memref_slice %arg7[%dma_start3A_1624, %dma_start3A_1640, %dma_start3A_1641, %dma_start3A_1642] : memref<2x8x8x129xf32, #tpu.memory_space<vmem>> -> memref<1x8x8x128xf32, #tpu.memory_space<vmem>>
      %dma_start3A_1644 = tpu.memref_squeeze %dma_start3A_1643 : memref<1x8x8x128xf32, #tpu.memory_space<vmem>> -> memref<8x8x128xf32, #tpu.memory_space<vmem>>
      tpu.enqueue_dma source(%dma_start3A_1644 : memref<8x8x128xf32, #tpu.memory_space<vmem>>) target(%dma_start3A_1639 : memref<8x8x128xf32, #tpu.memory_space<hbm>>) target_semaphore(%arg10 : memref<!tpu.dma_semaphore, #tpu.memory_space<semaphore_mem>>)
      %add3A_1645 = arith.constant 1 : i32
      %add3A_1646 = arith.addi %scan3A_576, %add3A_1645 : i32
      %ge3A_1647 = arith.constant 1 : i32
      %ge3A_1648 = arith.cmpi sge, %add3A_1646, %ge3A_1647 : i32
      %convert_element_type3A_1649 = arith.extui %ge3A_1648 : i1 to i32
      %cond3A_1650 = arith.constant 0 : i32
      %cond3A_1651 = arith.cmpi ne, %convert_element_type3A_1649, %cond3A_1650 : i32
      scf.if %cond3A_1651 {
        %sub3A_1783 = arith.constant 1 : i32
        %sub3A_1784 = arith.subi %add3A_1220, %sub3A_1783 : i32
        %mul3A_1785 = arith.constant 2 : i32
        %mul3A_1786 = arith.muli %sub3A_1784, %mul3A_1785 : i32
        %add3A_1787 = arith.constant 1 : i32
        %add3A_1788 = arith.addi %mul3A_1786, %add3A_1787 : i32
        %jit3A_1789 = arith.constant 128 : i32
        %div3A_1790 = arith.divsi %add3A_1788, %jit3A_1789 : i32
        %sign3A_1791 = arith.constant 0 : i32
        %sign3A_1792 = arith.cmpi sgt, %add3A_1788, %sign3A_1791 : i32
        %sign3A_1793 = arith.extui %sign3A_1792 : i1 to i32
        %sign3A_1794 = arith.constant 0 : i32
        %sign3A_1795 = arith.cmpi slt, %add3A_1788, %sign3A_1794 : i32
        %sign3A_1796 = arith.extui %sign3A_1795 : i1 to i32
        %sign3A_1797 = arith.subi %sign3A_1793, %sign3A_1796 : i32
        %sign3A_1798 = arith.constant 0 : i32
        %sign3A_1799 = arith.cmpi sgt, %jit3A_1789, %sign3A_1798 : i32
        %sign3A_1800 = arith.extui %sign3A_1799 : i1 to i32
        %sign3A_1801 = arith.constant 0 : i32
        %sign3A_1802 = arith.cmpi slt, %jit3A_1789, %sign3A_1801 : i32
        %sign3A_1803 = arith.extui %sign3A_1802 : i1 to i32
        %sign3A_1804 = arith.subi %sign3A_1800, %sign3A_1803 : i32
        %ne3A_1805 = arith.cmpi ne, %sign3A_1797, %sign3A_1804 : i32
        %rem3A_1806 = arith.remsi %add3A_1788, %jit3A_1789 : i32
        %ne3A_1807 = arith.constant 0 : i32
        %ne3A_1808 = arith.cmpi ne, %rem3A_1806, %ne3A_1807 : i32
        %and3A_1809 = arith.andi %ne3A_1805, %ne3A_1808 : i1
        %sub3A_1810 = arith.constant 1 : i32
        %sub3A_1811 = arith.subi %div3A_1790, %sub3A_1810 : i32
        %select_n3A_1812 = arith.select %and3A_1809, %sub3A_1811, %div3A_1790 : i32
        %jit3A_1813 = arith.constant 128 : i32
        %eq3A_1814 = arith.constant 0 : i32
        %eq3A_1815 = arith.cmpi eq, %jit3A_1813, %eq3A_1814 : i32
        %jit3A_1816 = arith.constant 1 : i32
        %select_n3A_1817 = arith.select %eq3A_1815, %jit3A_1816, %jit3A_1813 : i32
        %rem3A_1818 = arith.remsi %add3A_1788, %select_n3A_1817 : i32
        %ne3A_1819 = arith.constant 0 : i32
        %ne3A_1820 = arith.cmpi ne, %rem3A_1818, %ne3A_1819 : i32
        %lt3A_1821 = arith.constant 0 : i32
        %lt3A_1822 = arith.cmpi slt, %rem3A_1818, %lt3A_1821 : i32
        %lt3A_1823 = arith.constant 0 : i32
        %lt3A_1824 = arith.cmpi slt, %select_n3A_1817, %lt3A_1823 : i32
        %ne3A_1825 = arith.xori %lt3A_1822, %lt3A_1824 : i1
        %and3A_1826 = arith.andi %ne3A_1825, %ne3A_1820 : i1
        %add3A_1827 = arith.addi %rem3A_1818, %select_n3A_1817 : i32
        %select_n3A_1828 = arith.select %and3A_1826, %add3A_1827, %rem3A_1818 : i32
        %dma_wait3A_1829 = arith.constant 1 : i32
        %dma_wait3A_1830 = arith.constant 0 : i32
        %dma_wait3A_1831 = arith.constant 0 : i32
        %dma_wait3A_1832 = arith.constant 0 : i32
        %dma_wait3A_1833 = tpu.memref_slice %arg7[%dma_wait3A_1829, %dma_wait3A_1830, %dma_wait3A_1831, %dma_wait3A_1832] : memref<2x8x8x129xf32, #tpu.memory_space<vmem>> -> memref<1x8x8x128xf32, #tpu.memory_space<vmem>>
        %dma_wait3A_1834 = tpu.memref_squeeze %dma_wait3A_1833 : memref<1x8x8x128xf32, #tpu.memory_space<vmem>> -> memref<8x8x128xf32, #tpu.memory_space<vmem>>
        %dma_wait3A_1835 = arith.constant 0 : i32
        %dma_wait3A_1836 = arith.constant 0 : i32
        %dma_wait3A_1837 = arith.constant 0 : i32
        %dma_wait3A_1838 = tpu.memref_slice %arg4[%select_n3A_1812, %dma_wait3A_1835, %select_n3A_1828, %dma_wait3A_1836, %dma_wait3A_1837] : memref<200x8x128x8x128xf32, #tpu.memory_space<hbm>> -> memref<1x8x1x8x128xf32, #tpu.memory_space<hbm>>
        %dma_wait3A_1839 = tpu.memref_squeeze %dma_wait3A_1838 : memref<1x8x1x8x128xf32, #tpu.memory_space<hbm>> -> memref<8x8x128xf32, #tpu.memory_space<hbm>>
        %dma_wait3A_1840 = arith.constant 0 : i32
        %dma_wait3A_1841 = arith.constant 0 : i32
        %dma_wait3A_1842 = arith.constant 0 : i32
        %dma_wait3A_1843 = tpu.memref_slice %arg4[%select_n3A_1812, %dma_wait3A_1840, %select_n3A_1828, %dma_wait3A_1841, %dma_wait3A_1842] : memref<200x8x128x8x128xf32, #tpu.memory_space<hbm>> -> memref<1x8x1x8x128xf32, #tpu.memory_space<hbm>>
        %dma_wait3A_1844 = tpu.memref_squeeze %dma_wait3A_1843 : memref<1x8x1x8x128xf32, #tpu.memory_space<hbm>> -> memref<8x8x128xf32, #tpu.memory_space<hbm>>
        %dma_wait3A_1845 = arith.constant 0 : i32
        %dma_wait3A_1846 = arith.constant 0 : i32
        %dma_wait3A_1847 = arith.constant 0 : i32
        %dma_wait3A_1848 = tpu.memref_slice %arg7[%dma_wait3A_1829, %dma_wait3A_1845, %dma_wait3A_1846, %dma_wait3A_1847] : memref<2x8x8x129xf32, #tpu.memory_space<vmem>> -> memref<1x8x8x128xf32, #tpu.memory_space<vmem>>
        %dma_wait3A_1849 = tpu.memref_squeeze %dma_wait3A_1848 : memref<1x8x8x128xf32, #tpu.memory_space<vmem>> -> memref<8x8x128xf32, #tpu.memory_space<vmem>>
        tpu.wait_dma2 semaphore(%arg11 : memref<!tpu.dma_semaphore, #tpu.memory_space<semaphore_mem>>) src(%dma_wait3A_1849 : memref<8x8x128xf32, #tpu.memory_space<vmem>>) dst(%dma_wait3A_1844 : memref<8x8x128xf32, #tpu.memory_space<hbm>>)
      } else {
      }
      %broadcast_in_dim3A_1652 = arith.constant 0 : i32
      %broadcast_in_dim3A_1653 = vector.broadcast %broadcast_in_dim3A_1652 : i32 to vector<16xi32>
      %get3A_1654 = arith.constant 1 : i32
      %get3A_1655 = arith.constant 1 : i32
      %get3A_1656 = arith.constant 0 : i32
      %get3A_1657 = arith.index_cast %get3A_1654 : i32 to index
      %get3A_1658 = arith.index_cast %get3A_1655 : i32 to index
      %get3A_1659 = arith.index_cast %get3A_1656 : i32 to index
      %get3A_1660 = arith.constant 0 : index
      %get3A_1661 = tpu.vector_load %arg6[%get3A_1657, %get3A_1658, %get3A_1659, %get3A_1660] {strides = array<i32>} : memref<2x2x128x64xf32, #tpu.memory_space<vmem>>, vector<16xf32>,
      %get3A_1662 = arith.constant 1 : i32
      %get3A_1663 = arith.constant 1 : i32
      %get3A_1664 = arith.constant 0 : i32
      %get3A_1665 = arith.index_cast %get3A_1662 : i32 to index
      %get3A_1666 = arith.index_cast %get3A_1663 : i32 to index
      %get3A_1667 = arith.index_cast %get3A_1664 : i32 to index
      %get3A_1668 = arith.constant 16 : index
      %get3A_1669 = tpu.vector_load %arg6[%get3A_1665, %get3A_1666, %get3A_1667, %get3A_1668] {strides = array<i32>} : memref<2x2x128x64xf32, #tpu.memory_space<vmem>>, vector<16xf32>,
      %get3A_1670 = arith.constant 1 : i32
      %get3A_1671 = arith.constant 1 : i32
      %get3A_1672 = arith.constant 0 : i32
      %get3A_1673 = arith.index_cast %get3A_1670 : i32 to index
      %get3A_1674 = arith.index_cast %get3A_1671 : i32 to index
      %get3A_1675 = arith.index_cast %get3A_1672 : i32 to index
      %get3A_1676 = arith.constant 32 : index
      %get3A_1677 = tpu.vector_load %arg6[%get3A_1673, %get3A_1674, %get3A_1675, %get3A_1676] {strides = array<i32>} : memref<2x2x128x64xf32, #tpu.memory_space<vmem>>, vector<16xf32>,
      %get3A_1678 = arith.constant 1 : i32
      %get3A_1679 = arith.constant 1 : i32
      %get3A_1680 = arith.constant 0 : i32
      %get3A_1681 = arith.index_cast %get3A_1678 : i32 to index
      %get3A_1682 = arith.index_cast %get3A_1679 : i32 to index
      %get3A_1683 = arith.index_cast %get3A_1680 : i32 to index
      %get3A_1684 = arith.constant 48 : index
      %get3A_1685 = tpu.vector_load %arg6[%get3A_1681, %get3A_1682, %get3A_1683, %get3A_1684] {strides = array<i32>} : memref<2x2x128x64xf32, #tpu.memory_space<vmem>>, vector<16xf32>,
      %scan3A_1686 = arith.constant 1 : i32
      %scan3A_1687 = arith.constant 0 : i32
      %scan3A_1688 = arith.constant 127 : i32
      %scan3A_1689 = arith.addi %scan3A_1687, %scan3A_1688 : i32
      %scan3A_1690 = arith.constant 1 : i32
      %scan3A_1691:5 = scf.for %scan3A_1783 = %scan3A_1687 to %scan3A_1689 step %scan3A_1690 iter_args(%scan3A_1784 = %get3A_1661, %scan3A_1785 = %get3A_1669, %scan3A_1786 = %get3A_1677, %scan3A_1787 = %get3A_1685, %scan3A_1788 = %broadcast_in_dim3A_1653) -> (vector<16xf32>, vector<16xf32>, vector<16xf32>, vector<16xf32>, vector<16xi32>)  : i32 {
        %add3A_1789 = arith.constant 1 : i32
        %add3A_1790 = arith.addi %scan3A_1783, %add3A_1789 : i32
        %get3A_1791 = arith.constant 1 : i32
        %get3A_1792 = arith.constant 1 : i32
        %get3A_1793 = arith.index_cast %get3A_1791 : i32 to index
        %get3A_1794 = arith.index_cast %get3A_1792 : i32 to index
        %get3A_1795 = arith.index_cast %add3A_1790 : i32 to index
        %get3A_1796 = arith.constant 0 : index
        %get3A_1797 = tpu.vector_load %arg6[%get3A_1793, %get3A_1794, %get3A_1795, %get3A_1796] {strides = array<i32>} : memref<2x2x128x64xf32, #tpu.memory_space<vmem>>, vector<16xf32>,
        %get3A_1798 = arith.constant 1 : i32
        %get3A_1799 = arith.constant 1 : i32
        %get3A_1800 = arith.index_cast %get3A_1798 : i32 to index
        %get3A_1801 = arith.index_cast %get3A_1799 : i32 to index
        %get3A_1802 = arith.index_cast %add3A_1790 : i32 to index
        %get3A_1803 = arith.constant 16 : index
        %get3A_1804 = tpu.vector_load %arg6[%get3A_1800, %get3A_1801, %get3A_1802, %get3A_1803] {strides = array<i32>} : memref<2x2x128x64xf32, #tpu.memory_space<vmem>>, vector<16xf32>,
        %get3A_1805 = arith.constant 1 : i32
        %get3A_1806 = arith.constant 1 : i32
        %get3A_1807 = arith.index_cast %get3A_1805 : i32 to index
        %get3A_1808 = arith.index_cast %get3A_1806 : i32 to index
        %get3A_1809 = arith.index_cast %add3A_1790 : i32 to index
        %get3A_1810 = arith.constant 32 : index
        %get3A_1811 = tpu.vector_load %arg6[%get3A_1807, %get3A_1808, %get3A_1809, %get3A_1810] {strides = array<i32>} : memref<2x2x128x64xf32, #tpu.memory_space<vmem>>, vector<16xf32>,
        %get3A_1812 = arith.constant 1 : i32
        %get3A_1813 = arith.constant 1 : i32
        %get3A_1814 = arith.index_cast %get3A_1812 : i32 to index
        %get3A_1815 = arith.index_cast %get3A_1813 : i32 to index
        %get3A_1816 = arith.index_cast %add3A_1790 : i32 to index
        %get3A_1817 = arith.constant 48 : index
        %get3A_1818 = tpu.vector_load %arg6[%get3A_1814, %get3A_1815, %get3A_1816, %get3A_1817] {strides = array<i32>} : memref<2x2x128x64xf32, #tpu.memory_space<vmem>>, vector<16xf32>,
        %scatter3A_1819 = arith.constant 0 : i32
        %scatter3A_1820 = arith.constant 0 : i32
        %scatter3A_1821 = arith.constant 0 : i32
        %scatter3A_1822 = tpu.memref_slice %arg7[%scan3A_1686, %scatter3A_1819, %scatter3A_1820, %scatter3A_1821] : memref<2x8x8x129xf32, #tpu.memory_space<vmem>> -> memref<1x8x8x129xf32, #tpu.memory_space<vmem>>
        %scatter3A_1823 = tpu.memref_squeeze %scatter3A_1822 : memref<1x8x8x129xf32, #tpu.memory_space<vmem>> -> memref<8x8x129xf32, #tpu.memory_space<vmem>>
        tpu.vector_store_idx %scatter3A_1823[%select_n3A, %select_n3A_153, %scan3A_1788], %scan3A_1784 : memref<8x8x129xf32, #tpu.memory_space<vmem>>[vector<16xi32>, vector<16xi32>, vector<16xi32>], vector<16xf32>,
        %scatter3A_1824 = arith.constant 0 : i32
        %scatter3A_1825 = arith.constant 0 : i32
        %scatter3A_1826 = arith.constant 0 : i32
        %scatter3A_1827 = tpu.memref_slice %arg7[%scan3A_1686, %scatter3A_1824, %scatter3A_1825, %scatter3A_1826] : memref<2x8x8x129xf32, #tpu.memory_space<vmem>> -> memref<1x8x8x129xf32, #tpu.memory_space<vmem>>
        %scatter3A_1828 = tpu.memref_squeeze %scatter3A_1827 : memref<1x8x8x129xf32, #tpu.memory_space<vmem>> -> memref<8x8x129xf32, #tpu.memory_space<vmem>>
        tpu.vector_store_idx %scatter3A_1828[%select_n3A_62, %select_n3A_178, %scan3A_1788], %scan3A_1785 : memref<8x8x129xf32, #tpu.memory_space<vmem>>[vector<16xi32>, vector<16xi32>, vector<16xi32>], vector<16xf32>,
        %scatter3A_1829 = arith.constant 0 : i32
        %scatter3A_1830 = arith.constant 0 : i32
        %scatter3A_1831 = arith.constant 0 : i32
        %scatter3A_1832 = tpu.memref_slice %arg7[%scan3A_1686, %scatter3A_1829, %scatter3A_1830, %scatter3A_1831] : memref<2x8x8x129xf32, #tpu.memory_space<vmem>> -> memref<1x8x8x129xf32, #tpu.memory_space<vmem>>
        %scatter3A_1833 = tpu.memref_squeeze %scatter3A_1832 : memref<1x8x8x129xf32, #tpu.memory_space<vmem>> -> memref<8x8x129xf32, #tpu.memory_space<vmem>>
        tpu.vector_store_idx %scatter3A_1833[%select_n3A_96, %select_n3A_203, %scan3A_1788], %scan3A_1786 : memref<8x8x129xf32, #tpu.memory_space<vmem>>[vector<16xi32>, vector<16xi32>, vector<16xi32>], vector<16xf32>,
        %scatter3A_1834 = arith.constant 0 : i32
        %scatter3A_1835 = arith.constant 0 : i32
        %scatter3A_1836 = arith.constant 0 : i32
        %scatter3A_1837 = tpu.memref_slice %arg7[%scan3A_1686, %scatter3A_1834, %scatter3A_1835, %scatter3A_1836] : memref<2x8x8x129xf32, #tpu.memory_space<vmem>> -> memref<1x8x8x129xf32, #tpu.memory_space<vmem>>
        %scatter3A_1838 = tpu.memref_squeeze %scatter3A_1837 : memref<1x8x8x129xf32, #tpu.memory_space<vmem>> -> memref<8x8x129xf32, #tpu.memory_space<vmem>>
        tpu.vector_store_idx %scatter3A_1838[%select_n3A_130, %select_n3A_228, %scan3A_1788], %scan3A_1787 : memref<8x8x129xf32, #tpu.memory_space<vmem>>[vector<16xi32>, vector<16xi32>, vector<16xi32>], vector<16xf32>,
        %add3A_1839 = arith.constant 1 : i32
        %add3A_1840 = vector.broadcast %add3A_1839 : i32 to vector<16xi32>
        %add3A_1841 = arith.addi %scan3A_1788, %add3A_1840 : vector<16xi32>
        scf.yield %get3A_1797, %get3A_1804, %get3A_1811, %get3A_1818, %add3A_1841 : vector<16xf32>, vector<16xf32>, vector<16xf32>, vector<16xf32>, vector<16xi32>
      }
      %scan3A_1692 = arith.constant 127 : i32
      %scatter3A_1693 = arith.constant 1 : i32
      %scatter3A_1694 = arith.constant 0 : i32
      %scatter3A_1695 = arith.constant 0 : i32
      %scatter3A_1696 = arith.constant 0 : i32
      %scatter3A_1697 = tpu.memref_slice %arg7[%scatter3A_1693, %scatter3A_1694, %scatter3A_1695, %scatter3A_1696] : memref<2x8x8x129xf32, #tpu.memory_space<vmem>> -> memref<1x8x8x129xf32, #tpu.memory_space<vmem>>
      %scatter3A_1698 = tpu.memref_squeeze %scatter3A_1697 : memref<1x8x8x129xf32, #tpu.memory_space<vmem>> -> memref<8x8x129xf32, #tpu.memory_space<vmem>>
      tpu.vector_store_idx %scatter3A_1698[%select_n3A, %select_n3A_153, %scan3A_1691#4], %scan3A_1691#0 : memref<8x8x129xf32, #tpu.memory_space<vmem>>[vector<16xi32>, vector<16xi32>, vector<16xi32>], vector<16xf32>,
      %scatter3A_1699 = arith.constant 1 : i32
      %scatter3A_1700 = arith.constant 0 : i32
      %scatter3A_1701 = arith.constant 0 : i32
      %scatter3A_1702 = arith.constant 0 : i32
      %scatter3A_1703 = tpu.memref_slice %arg7[%scatter3A_1699, %scatter3A_1700, %scatter3A_1701, %scatter3A_1702] : memref<2x8x8x129xf32, #tpu.memory_space<vmem>> -> memref<1x8x8x129xf32, #tpu.memory_space<vmem>>
      %scatter3A_1704 = tpu.memref_squeeze %scatter3A_1703 : memref<1x8x8x129xf32, #tpu.memory_space<vmem>> -> memref<8x8x129xf32, #tpu.memory_space<vmem>>
      tpu.vector_store_idx %scatter3A_1704[%select_n3A_62, %select_n3A_178, %scan3A_1691#4], %scan3A_1691#1 : memref<8x8x129xf32, #tpu.memory_space<vmem>>[vector<16xi32>, vector<16xi32>, vector<16xi32>], vector<16xf32>,
      %scatter3A_1705 = arith.constant 1 : i32
      %scatter3A_1706 = arith.constant 0 : i32
      %scatter3A_1707 = arith.constant 0 : i32
      %scatter3A_1708 = arith.constant 0 : i32
      %scatter3A_1709 = tpu.memref_slice %arg7[%scatter3A_1705, %scatter3A_1706, %scatter3A_1707, %scatter3A_1708] : memref<2x8x8x129xf32, #tpu.memory_space<vmem>> -> memref<1x8x8x129xf32, #tpu.memory_space<vmem>>
      %scatter3A_1710 = tpu.memref_squeeze %scatter3A_1709 : memref<1x8x8x129xf32, #tpu.memory_space<vmem>> -> memref<8x8x129xf32, #tpu.memory_space<vmem>>
      tpu.vector_store_idx %scatter3A_1710[%select_n3A_96, %select_n3A_203, %scan3A_1691#4], %scan3A_1691#2 : memref<8x8x129xf32, #tpu.memory_space<vmem>>[vector<16xi32>, vector<16xi32>, vector<16xi32>], vector<16xf32>,
      %scatter3A_1711 = arith.constant 1 : i32
      %scatter3A_1712 = arith.constant 0 : i32
      %scatter3A_1713 = arith.constant 0 : i32
      %scatter3A_1714 = arith.constant 0 : i32
      %scatter3A_1715 = tpu.memref_slice %arg7[%scatter3A_1711, %scatter3A_1712, %scatter3A_1713, %scatter3A_1714] : memref<2x8x8x129xf32, #tpu.memory_space<vmem>> -> memref<1x8x8x129xf32, #tpu.memory_space<vmem>>
      %scatter3A_1716 = tpu.memref_squeeze %scatter3A_1715 : memref<1x8x8x129xf32, #tpu.memory_space<vmem>> -> memref<8x8x129xf32, #tpu.memory_space<vmem>>
      tpu.vector_store_idx %scatter3A_1716[%select_n3A_130, %select_n3A_228, %scan3A_1691#4], %scan3A_1691#3 : memref<8x8x129xf32, #tpu.memory_space<vmem>>[vector<16xi32>, vector<16xi32>, vector<16xi32>], vector<16xf32>,
      %mul3A_1717 = arith.constant 2 : i32
      %mul3A_1718 = arith.muli %add3A_1220, %mul3A_1717 : i32
      %add3A_1719 = arith.constant 1 : i32
      %add3A_1720 = arith.addi %mul3A_1718, %add3A_1719 : i32
      %jit3A_1721 = arith.constant 128 : i32
      %div3A_1722 = arith.divsi %add3A_1720, %jit3A_1721 : i32
      %sign3A_1723 = arith.constant 0 : i32
      %sign3A_1724 = arith.cmpi sgt, %add3A_1720, %sign3A_1723 : i32
      %sign3A_1725 = arith.extui %sign3A_1724 : i1 to i32
      %sign3A_1726 = arith.constant 0 : i32
      %sign3A_1727 = arith.cmpi slt, %add3A_1720, %sign3A_1726 : i32
      %sign3A_1728 = arith.extui %sign3A_1727 : i1 to i32
      %sign3A_1729 = arith.subi %sign3A_1725, %sign3A_1728 : i32
      %sign3A_1730 = arith.constant 0 : i32
      %sign3A_1731 = arith.cmpi sgt, %jit3A_1721, %sign3A_1730 : i32
      %sign3A_1732 = arith.extui %sign3A_1731 : i1 to i32
      %sign3A_1733 = arith.constant 0 : i32
      %sign3A_1734 = arith.cmpi slt, %jit3A_1721, %sign3A_1733 : i32
      %sign3A_1735 = arith.extui %sign3A_1734 : i1 to i32
      %sign3A_1736 = arith.subi %sign3A_1732, %sign3A_1735 : i32
      %ne3A_1737 = arith.cmpi ne, %sign3A_1729, %sign3A_1736 : i32
      %rem3A_1738 = arith.remsi %add3A_1720, %jit3A_1721 : i32
      %ne3A_1739 = arith.constant 0 : i32
      %ne3A_1740 = arith.cmpi ne, %rem3A_1738, %ne3A_1739 : i32
      %and3A_1741 = arith.andi %ne3A_1737, %ne3A_1740 : i1
      %sub3A_1742 = arith.constant 1 : i32
      %sub3A_1743 = arith.subi %div3A_1722, %sub3A_1742 : i32
      %select_n3A_1744 = arith.select %and3A_1741, %sub3A_1743, %div3A_1722 : i32
      %jit3A_1745 = arith.constant 128 : i32
      %eq3A_1746 = arith.constant 0 : i32
      %eq3A_1747 = arith.cmpi eq, %jit3A_1745, %eq3A_1746 : i32
      %jit3A_1748 = arith.constant 1 : i32
      %select_n3A_1749 = arith.select %eq3A_1747, %jit3A_1748, %jit3A_1745 : i32
      %rem3A_1750 = arith.remsi %add3A_1720, %select_n3A_1749 : i32
      %ne3A_1751 = arith.constant 0 : i32
      %ne3A_1752 = arith.cmpi ne, %rem3A_1750, %ne3A_1751 : i32
      %lt3A_1753 = arith.constant 0 : i32
      %lt3A_1754 = arith.cmpi slt, %rem3A_1750, %lt3A_1753 : i32
      %lt3A_1755 = arith.constant 0 : i32
      %lt3A_1756 = arith.cmpi slt, %select_n3A_1749, %lt3A_1755 : i32
      %ne3A_1757 = arith.xori %lt3A_1754, %lt3A_1756 : i1
      %and3A_1758 = arith.andi %ne3A_1757, %ne3A_1752 : i1
      %add3A_1759 = arith.addi %rem3A_1750, %select_n3A_1749 : i32
      %select_n3A_1760 = arith.select %and3A_1758, %add3A_1759, %rem3A_1750 : i32
      %dma_start3A_1761 = arith.constant 1 : i32
      %dma_start3A_1762 = arith.constant 0 : i32
      %dma_start3A_1763 = arith.constant 0 : i32
      %dma_start3A_1764 = arith.constant 0 : i32
      %dma_start3A_1765 = tpu.memref_slice %arg7[%dma_start3A_1761, %dma_start3A_1762, %dma_start3A_1763, %dma_start3A_1764] : memref<2x8x8x129xf32, #tpu.memory_space<vmem>> -> memref<1x8x8x128xf32, #tpu.memory_space<vmem>>
      %dma_start3A_1766 = tpu.memref_squeeze %dma_start3A_1765 : memref<1x8x8x128xf32, #tpu.memory_space<vmem>> -> memref<8x8x128xf32, #tpu.memory_space<vmem>>
      %dma_start3A_1767 = arith.constant 0 : i32
      %dma_start3A_1768 = arith.constant 0 : i32
      %dma_start3A_1769 = arith.constant 0 : i32
      %dma_start3A_1770 = tpu.memref_slice %arg4[%select_n3A_1744, %dma_start3A_1767, %select_n3A_1760, %dma_start3A_1768, %dma_start3A_1769] : memref<200x8x128x8x128xf32, #tpu.memory_space<hbm>> -> memref<1x8x1x8x128xf32, #tpu.memory_space<hbm>>
      %dma_start3A_1771 = tpu.memref_squeeze %dma_start3A_1770 : memref<1x8x1x8x128xf32, #tpu.memory_space<hbm>> -> memref<8x8x128xf32, #tpu.memory_space<hbm>>
      %dma_start3A_1772 = arith.constant 0 : i32
      %dma_start3A_1773 = arith.constant 0 : i32
      %dma_start3A_1774 = arith.constant 0 : i32
      %dma_start3A_1775 = tpu.memref_slice %arg4[%select_n3A_1744, %dma_start3A_1772, %select_n3A_1760, %dma_start3A_1773, %dma_start3A_1774] : memref<200x8x128x8x128xf32, #tpu.memory_space<hbm>> -> memref<1x8x1x8x128xf32, #tpu.memory_space<hbm>>
      %dma_start3A_1776 = tpu.memref_squeeze %dma_start3A_1775 : memref<1x8x1x8x128xf32, #tpu.memory_space<hbm>> -> memref<8x8x128xf32, #tpu.memory_space<hbm>>
      %dma_start3A_1777 = arith.constant 0 : i32
      %dma_start3A_1778 = arith.constant 0 : i32
      %dma_start3A_1779 = arith.constant 0 : i32
      %dma_start3A_1780 = tpu.memref_slice %arg7[%dma_start3A_1761, %dma_start3A_1777, %dma_start3A_1778, %dma_start3A_1779] : memref<2x8x8x129xf32, #tpu.memory_space<vmem>> -> memref<1x8x8x128xf32, #tpu.memory_space<vmem>>
      %dma_start3A_1781 = tpu.memref_squeeze %dma_start3A_1780 : memref<1x8x8x128xf32, #tpu.memory_space<vmem>> -> memref<8x8x128xf32, #tpu.memory_space<vmem>>
      tpu.enqueue_dma source(%dma_start3A_1781 : memref<8x8x128xf32, #tpu.memory_space<vmem>>) target(%dma_start3A_1776 : memref<8x8x128xf32, #tpu.memory_space<hbm>>) target_semaphore(%arg11 : memref<!tpu.dma_semaphore, #tpu.memory_space<semaphore_mem>>)
      %scan3A_1782 = arith.constant 0 : i32
      scf.yield %scan3A_1782 : i32
    }
    %scan3A_437 = arith.constant 200 : i32
    %add3A_438 = arith.constant 400 : i32
    %add3A_439 = arith.addi %mul3A_2, %add3A_438 : i32
    %sub3A_440 = arith.constant 1 : i32
    %sub3A_441 = arith.subi %add3A_439, %sub3A_440 : i32
    %mul3A_442 = arith.constant 2 : i32
    %mul3A_443 = arith.muli %sub3A_441, %mul3A_442 : i32
    %add3A_444 = arith.constant 0 : i32
    %add3A_445 = arith.addi %mul3A_443, %add3A_444 : i32
    %jit3A_446 = arith.constant 128 : i32
    %div3A_447 = arith.divsi %add3A_445, %jit3A_446 : i32
    %sign3A_448 = arith.constant 0 : i32
    %sign3A_449 = arith.cmpi sgt, %add3A_445, %sign3A_448 : i32
    %sign3A_450 = arith.extui %sign3A_449 : i1 to i32
    %sign3A_451 = arith.constant 0 : i32
    %sign3A_452 = arith.cmpi slt, %add3A_445, %sign3A_451 : i32
    %sign3A_453 = arith.extui %sign3A_452 : i1 to i32
    %sign3A_454 = arith.subi %sign3A_450, %sign3A_453 : i32
    %sign3A_455 = arith.constant 0 : i32
    %sign3A_456 = arith.cmpi sgt, %jit3A_446, %sign3A_455 : i32
    %sign3A_457 = arith.extui %sign3A_456 : i1 to i32
    %sign3A_458 = arith.constant 0 : i32
    %sign3A_459 = arith.cmpi slt, %jit3A_446, %sign3A_458 : i32
    %sign3A_460 = arith.extui %sign3A_459 : i1 to i32
    %sign3A_461 = arith.subi %sign3A_457, %sign3A_460 : i32
    %ne3A_462 = arith.cmpi ne, %sign3A_454, %sign3A_461 : i32
    %rem3A_463 = arith.remsi %add3A_445, %jit3A_446 : i32
    %ne3A_464 = arith.constant 0 : i32
    %ne3A_465 = arith.cmpi ne, %rem3A_463, %ne3A_464 : i32
    %and3A_466 = arith.andi %ne3A_462, %ne3A_465 : i1
    %sub3A_467 = arith.constant 1 : i32
    %sub3A_468 = arith.subi %div3A_447, %sub3A_467 : i32
    %select_n3A_469 = arith.select %and3A_466, %sub3A_468, %div3A_447 : i32
    %jit3A_470 = arith.constant 128 : i32
    %eq3A_471 = arith.constant 0 : i32
    %eq3A_472 = arith.cmpi eq, %jit3A_470, %eq3A_471 : i32
    %jit3A_473 = arith.constant 1 : i32
    %select_n3A_474 = arith.select %eq3A_472, %jit3A_473, %jit3A_470 : i32
    %rem3A_475 = arith.remsi %add3A_445, %select_n3A_474 : i32
    %ne3A_476 = arith.constant 0 : i32
    %ne3A_477 = arith.cmpi ne, %rem3A_475, %ne3A_476 : i32
    %lt3A_478 = arith.constant 0 : i32
    %lt3A_479 = arith.cmpi slt, %rem3A_475, %lt3A_478 : i32
    %lt3A_480 = arith.constant 0 : i32
    %lt3A_481 = arith.cmpi slt, %select_n3A_474, %lt3A_480 : i32
    %ne3A_482 = arith.xori %lt3A_479, %lt3A_481 : i1
    %and3A_483 = arith.andi %ne3A_482, %ne3A_477 : i1
    %add3A_484 = arith.addi %rem3A_475, %select_n3A_474 : i32
    %select_n3A_485 = arith.select %and3A_483, %add3A_484, %rem3A_475 : i32
    %dma_wait3A_486 = arith.constant 0 : i32
    %dma_wait3A_487 = arith.constant 0 : i32
    %dma_wait3A_488 = arith.constant 0 : i32
    %dma_wait3A_489 = arith.constant 0 : i32
    %dma_wait3A_490 = tpu.memref_slice %arg7[%dma_wait3A_486, %dma_wait3A_487, %dma_wait3A_488, %dma_wait3A_489] : memref<2x8x8x129xf32, #tpu.memory_space<vmem>> -> memref<1x8x8x128xf32, #tpu.memory_space<vmem>>
    %dma_wait3A_491 = tpu.memref_squeeze %dma_wait3A_490 : memref<1x8x8x128xf32, #tpu.memory_space<vmem>> -> memref<8x8x128xf32, #tpu.memory_space<vmem>>
    %dma_wait3A_492 = arith.constant 0 : i32
    %dma_wait3A_493 = arith.constant 0 : i32
    %dma_wait3A_494 = arith.constant 0 : i32
    %dma_wait3A_495 = tpu.memref_slice %arg4[%select_n3A_469, %dma_wait3A_492, %select_n3A_485, %dma_wait3A_493, %dma_wait3A_494] : memref<200x8x128x8x128xf32, #tpu.memory_space<hbm>> -> memref<1x8x1x8x128xf32, #tpu.memory_space<hbm>>
    %dma_wait3A_496 = tpu.memref_squeeze %dma_wait3A_495 : memref<1x8x1x8x128xf32, #tpu.memory_space<hbm>> -> memref<8x8x128xf32, #tpu.memory_space<hbm>>
    %dma_wait3A_497 = arith.constant 0 : i32
    %dma_wait3A_498 = arith.constant 0 : i32
    %dma_wait3A_499 = arith.constant 0 : i32
    %dma_wait3A_500 = tpu.memref_slice %arg4[%select_n3A_469, %dma_wait3A_497, %select_n3A_485, %dma_wait3A_498, %dma_wait3A_499] : memref<200x8x128x8x128xf32, #tpu.memory_space<hbm>> -> memref<1x8x1x8x128xf32, #tpu.memory_space<hbm>>
    %dma_wait3A_501 = tpu.memref_squeeze %dma_wait3A_500 : memref<1x8x1x8x128xf32, #tpu.memory_space<hbm>> -> memref<8x8x128xf32, #tpu.memory_space<hbm>>
    %dma_wait3A_502 = arith.constant 0 : i32
    %dma_wait3A_503 = arith.constant 0 : i32
    %dma_wait3A_504 = arith.constant 0 : i32
    %dma_wait3A_505 = tpu.memref_slice %arg7[%dma_wait3A_486, %dma_wait3A_502, %dma_wait3A_503, %dma_wait3A_504] : memref<2x8x8x129xf32, #tpu.memory_space<vmem>> -> memref<1x8x8x128xf32, #tpu.memory_space<vmem>>
    %dma_wait3A_506 = tpu.memref_squeeze %dma_wait3A_505 : memref<1x8x8x128xf32, #tpu.memory_space<vmem>> -> memref<8x8x128xf32, #tpu.memory_space<vmem>>
    tpu.wait_dma2 semaphore(%arg10 : memref<!tpu.dma_semaphore, #tpu.memory_space<semaphore_mem>>) src(%dma_wait3A_506 : memref<8x8x128xf32, #tpu.memory_space<vmem>>) dst(%dma_wait3A_501 : memref<8x8x128xf32, #tpu.memory_space<hbm>>)
    %add3A_507 = arith.constant 400 : i32
    %add3A_508 = arith.addi %mul3A_2, %add3A_507 : i32
    %sub3A_509 = arith.constant 1 : i32
    %sub3A_510 = arith.subi %add3A_508, %sub3A_509 : i32
    %mul3A_511 = arith.constant 2 : i32
    %mul3A_512 = arith.muli %sub3A_510, %mul3A_511 : i32
    %add3A_513 = arith.constant 1 : i32
    %add3A_514 = arith.addi %mul3A_512, %add3A_513 : i32
    %jit3A_515 = arith.constant 128 : i32
    %div3A_516 = arith.divsi %add3A_514, %jit3A_515 : i32
    %sign3A_517 = arith.constant 0 : i32
    %sign3A_518 = arith.cmpi sgt, %add3A_514, %sign3A_517 : i32
    %sign3A_519 = arith.extui %sign3A_518 : i1 to i32
    %sign3A_520 = arith.constant 0 : i32
    %sign3A_521 = arith.cmpi slt, %add3A_514, %sign3A_520 : i32
    %sign3A_522 = arith.extui %sign3A_521 : i1 to i32
    %sign3A_523 = arith.subi %sign3A_519, %sign3A_522 : i32
    %sign3A_524 = arith.constant 0 : i32
    %sign3A_525 = arith.cmpi sgt, %jit3A_515, %sign3A_524 : i32
    %sign3A_526 = arith.extui %sign3A_525 : i1 to i32
    %sign3A_527 = arith.constant 0 : i32
    %sign3A_528 = arith.cmpi slt, %jit3A_515, %sign3A_527 : i32
    %sign3A_529 = arith.extui %sign3A_528 : i1 to i32
    %sign3A_530 = arith.subi %sign3A_526, %sign3A_529 : i32
    %ne3A_531 = arith.cmpi ne, %sign3A_523, %sign3A_530 : i32
    %rem3A_532 = arith.remsi %add3A_514, %jit3A_515 : i32
    %ne3A_533 = arith.constant 0 : i32
    %ne3A_534 = arith.cmpi ne, %rem3A_532, %ne3A_533 : i32
    %and3A_535 = arith.andi %ne3A_531, %ne3A_534 : i1
    %sub3A_536 = arith.constant 1 : i32
    %sub3A_537 = arith.subi %div3A_516, %sub3A_536 : i32
    %select_n3A_538 = arith.select %and3A_535, %sub3A_537, %div3A_516 : i32
    %jit3A_539 = arith.constant 128 : i32
    %eq3A_540 = arith.constant 0 : i32
    %eq3A_541 = arith.cmpi eq, %jit3A_539, %eq3A_540 : i32
    %jit3A_542 = arith.constant 1 : i32
    %select_n3A_543 = arith.select %eq3A_541, %jit3A_542, %jit3A_539 : i32
    %rem3A_544 = arith.remsi %add3A_514, %select_n3A_543 : i32
    %ne3A_545 = arith.constant 0 : i32
    %ne3A_546 = arith.cmpi ne, %rem3A_544, %ne3A_545 : i32
    %lt3A_547 = arith.constant 0 : i32
    %lt3A_548 = arith.cmpi slt, %rem3A_544, %lt3A_547 : i32
    %lt3A_549 = arith.constant 0 : i32
    %lt3A_550 = arith.cmpi slt, %select_n3A_543, %lt3A_549 : i32
    %ne3A_551 = arith.xori %lt3A_548, %lt3A_550 : i1
    %and3A_552 = arith.andi %ne3A_551, %ne3A_546 : i1
    %add3A_553 = arith.addi %rem3A_544, %select_n3A_543 : i32
    %select_n3A_554 = arith.select %and3A_552, %add3A_553, %rem3A_544 : i32
    %dma_wait3A_555 = arith.constant 1 : i32
    %dma_wait3A_556 = arith.constant 0 : i32
    %dma_wait3A_557 = arith.constant 0 : i32
    %dma_wait3A_558 = arith.constant 0 : i32
    %dma_wait3A_559 = tpu.memref_slice %arg7[%dma_wait3A_555, %dma_wait3A_556, %dma_wait3A_557, %dma_wait3A_558] : memref<2x8x8x129xf32, #tpu.memory_space<vmem>> -> memref<1x8x8x128xf32, #tpu.memory_space<vmem>>
    %dma_wait3A_560 = tpu.memref_squeeze %dma_wait3A_559 : memref<1x8x8x128xf32, #tpu.memory_space<vmem>> -> memref<8x8x128xf32, #tpu.memory_space<vmem>>
    %dma_wait3A_561 = arith.constant 0 : i32
    %dma_wait3A_562 = arith.constant 0 : i32
    %dma_wait3A_563 = arith.constant 0 : i32
    %dma_wait3A_564 = tpu.memref_slice %arg4[%select_n3A_538, %dma_wait3A_561, %select_n3A_554, %dma_wait3A_562, %dma_wait3A_563] : memref<200x8x128x8x128xf32, #tpu.memory_space<hbm>> -> memref<1x8x1x8x128xf32, #tpu.memory_space<hbm>>
    %dma_wait3A_565 = tpu.memref_squeeze %dma_wait3A_564 : memref<1x8x1x8x128xf32, #tpu.memory_space<hbm>> -> memref<8x8x128xf32, #tpu.memory_space<hbm>>
    %dma_wait3A_566 = arith.constant 0 : i32
    %dma_wait3A_567 = arith.constant 0 : i32
    %dma_wait3A_568 = arith.constant 0 : i32
    %dma_wait3A_569 = tpu.memref_slice %arg4[%select_n3A_538, %dma_wait3A_566, %select_n3A_554, %dma_wait3A_567, %dma_wait3A_568] : memref<200x8x128x8x128xf32, #tpu.memory_space<hbm>> -> memref<1x8x1x8x128xf32, #tpu.memory_space<hbm>>
    %dma_wait3A_570 = tpu.memref_squeeze %dma_wait3A_569 : memref<1x8x1x8x128xf32, #tpu.memory_space<hbm>> -> memref<8x8x128xf32, #tpu.memory_space<hbm>>
    %dma_wait3A_571 = arith.constant 0 : i32
    %dma_wait3A_572 = arith.constant 0 : i32
    %dma_wait3A_573 = arith.constant 0 : i32
    %dma_wait3A_574 = tpu.memref_slice %arg7[%dma_wait3A_555, %dma_wait3A_571, %dma_wait3A_572, %dma_wait3A_573] : memref<2x8x8x129xf32, #tpu.memory_space<vmem>> -> memref<1x8x8x128xf32, #tpu.memory_space<vmem>>
    %dma_wait3A_575 = tpu.memref_squeeze %dma_wait3A_574 : memref<1x8x8x128xf32, #tpu.memory_space<vmem>> -> memref<8x8x128xf32, #tpu.memory_space<vmem>>
    tpu.wait_dma2 semaphore(%arg11 : memref<!tpu.dma_semaphore, #tpu.memory_space<semaphore_mem>>) src(%dma_wait3A_575 : memref<8x8x128xf32, #tpu.memory_space<vmem>>) dst(%dma_wait3A_570 : memref<8x8x128xf32, #tpu.memory_space<hbm>>)
    return
  }
}

</mosaic_0001>

<sc_bundles>
// kernel: kernel.3.cloned.1.call-start
scs
__scs_entry_jumppad:
0x0: {  	(pc) =	sbr.rel $0x88, $3  }
0x1: {  	(tag) =	ssettag $0x0;
	lr =	simm.s32 $0x1  }
0x2: {  	[smem:$0x3F9F] =	sst lr;
	_ =	strace $0xD0000000  }
0x3: {  	_ = 	snop  }
0x4: {  	_ = 	snop  }
0x5: {  	_ = 	snop  }
0x6: {  	_ = 	snop  }
0x7: {  	_ = 	snop  }
__scs_overlays_trampoline_lowered:
0x8: {  	[smem:$0x3FAE] =	sst s0  }
0x9: {  	[smem:$0x3FAF] =	sst s1  }
0xa: {  	[smem:$0x3FB0] =	sst s2  }
0xb: {  	[smem:$0x3FB1] =	sst s3  }
0xc: {  	[smem:$0x3FB2] =	sst s4  }
0xd: {  	[smem:$0x3FB3] =	sst s5  }
0xe: {  	[smem:$0x3FB4] =	sst s6  }
0xf: {  	[smem:$0x3FB5] =	sst s7  }
0x10: {  	[smem:$0x3FB6] =	sst s8  }
0x11: {  	[smem:$0x3FB7] =	sst s9;
	s0 =	simm.s32 @!p0 $0x0  }
0x12: {  	s1 =	sld [smem:$0x3F9D];
	s0 =	simm.s32 @p0 $0x1  }
0x13: {  	[smem:$0x3FB8] =	sst s0;
	s0 =	simm.s32 @!p1 $0x0  }
0x14: {  	s2 =	sld [smem:$0x3F9C];
	s0 =	simm.s32 @p1 $0x1  }
0x15: {  	[smem:$0x3FB9] =	sst s0;
	s0 =	simm.s32 @!p2 $0x0  }
0x16: {  	s3 =	sld [smem:$0x3FDB];
	s0 =	simm.s32 @p2 $0x1  }
0x17: {  	s4 =	simm.s32 $0x1BF5;
	[smem:$0x3FBB] =	sst s0  }
0x18: {  	s0 =	sld [smem:$0x3F9E];
	_ =	swait.ge [sflag:s4], $0x0  }
0x19: {  	s7 =	sld [smem:$0x3F9F]  }
0x1a: {  	s8 =	sadd.s32 $0xFFFFE003, lr  }
0x1b: {  	s9 =	sadd.s32 $0xFFFFFEF7, lr;
	s5 =	simm.s32 $0xFFFFFFFF;
	p2 =	slt.u32 s8, $0xFFFFF086  }
0x1c: {  	p1 =	slt.u32 s9, $0xF7A;
	s5 =	simm.s32 @!p2 $0x0  }
0x1d: {  	s5 =	simm.s32 @p1 $0x1;
	p0 =	seq.s32 s7, s2  }
0x1e: {  	s7 =	smul.u32 @!p0 $0xF7A, s2;
	p2 =	seq.s32 @!p0 s5, $0x0  }
0x1f: {  	s9 =	smul.u32 $0xF7A, s1;
	s8 =	simm.s32 @!p0 $0x1BF5;
	p2 =	por !p2, p0  }
0x20: {  	[sflag:s8] =	ssyncset.s32 @!p0 $0xFFFFF086;
	s6 =	sadd.s32 @!p0 s3, s7;
	s7 =	simm.s32 @!p0 $0x108  }
0x21: {  	s3 =	sadd.s32 s3, s9;
	s6 =	sadd.s32 @!p0 $0x88, s6;
	s7 =	simm.s32 @p2 $0x1082  }
0x22: {  	[simem:s7], [sflag:s8] =	dma.local @!p0 [hbm:s6], $0xF7A  }
0x23: {  	s9 =	sor.u32 $0xD0000000, s2;
	s6 =	simm.s32 $0x108;
	_ =	swait.ge @!p0 [sflag:s8], $0x0  }
0x24: {  	s3 =	sadd.s32 $0x88, s3;
	s6 =	simm.s32 @!p1 $0x1082;
	[sflag:s4] =	ssyncset.s32 $0xFFFFF086  }
0x25: {  	[simem:s6], [sflag:s4] =	dma.local [hbm:s3], $0xF7A  }
0x26: {  	[smem:$0x3F9F] =	sst s1;
	(tag) =	ssettag s2;
	_ =	strace s9  }
0x27: {  	s1 =	sld [smem:$0x3FAF]  }
0x28: {  	s2 =	sld [smem:$0x3FB0]  }
0x29: {  	s4 =	sld [smem:$0x3FB2]  }
0x2a: {  	p0 =	seq.s32 s5, $0x0;
	s5 =	sld [smem:$0x3FB3]  }
0x2b: {  	s6 =	sld [smem:$0x3FB4]  }
0x2c: {  	s7 =	sld [smem:$0x3FB5]  }
0x2d: {  	s3 =	simm.s32 $0x108;
	s8 =	sld [smem:$0x3FB6]  }
0x2e: {  	s3 =	simm.s32 @!p0 $0x1082;
	s9 =	sld [smem:$0x3FB7]  }
0x2f: {  	lr =	sadd.s32 s0, s3;
	s0 =	sld [smem:$0x3FAE]  }
0x30: {  	s3 =	sld [smem:$0x3FB1]  }
0x31: {  	[smem:$0x3FBA] =	sst s10  }
0x32: {  	s10 =	sld [smem:$0x3FB8];
	_ =	sdelay $0x3  }
0x33: {  	p0 =	seq.s32 s10, $0x1;
	s10 =	sld [smem:$0x3FBA];
	_ =	sdelay $0x3  }
0x34: {  	[smem:$0x3FBA] =	sst s10  }
0x35: {  	s10 =	sld [smem:$0x3FB9];
	_ =	sdelay $0x3  }
0x36: {  	p1 =	seq.s32 s10, $0x1;
	s10 =	sld [smem:$0x3FBA];
	_ =	sdelay $0x3  }
0x37: {  	[smem:$0x3FBA] =	sst s10  }
0x38: {  	s10 =	sld [smem:$0x3FBB]  }
0x39: {  	_ = 	snop;
	(pc) =	sbr.ind lr, $3  }
0x3a: {  	_ = 	snop  }
0x3b: {  	_ = 	snop  }
0x3c: {  	p2 =	seq.s32 s10, $0x1;
	s10 =	sld [smem:$0x3FBA]  }
0x3d: {  	_ =	shalt  }
0x3e: {  	_ =	shalt  }
0x3f: {  	_ =	shalt  }
0x40: {  	_ =	shalt  }
0x41: {  	_ =	shalt  }
0x42: {  	_ =	shalt  }
0x43: {  	_ =	shalt  }
0x44: {  	_ =	shalt  }
0x45: {  	_ =	shalt  }
0x46: {  	_ =	shalt  }
0x47: {  	_ =	shalt  }
0x48: {  	_ =	shalt  }
0x49: {  	_ =	shalt  }
0x4a: {  	_ =	shalt  }
0x4b: {  	_ =	shalt  }
0x4c: {  	_ =	shalt  }
0x4d: {  	_ =	shalt  }
0x4e: {  	_ =	shalt  }
0x4f: {  	_ =	shalt  }
0x50: {  	_ =	shalt  }
0x51: {  	_ =	shalt  }
0x52: {  	_ =	shalt  }
0x53: {  	_ =	shalt  }
0x54: {  	_ =	shalt  }
0x55: {  	_ =	shalt  }
0x56: {  	_ =	shalt  }
0x57: {  	_ =	shalt  }
0x58: {  	_ =	shalt  }
0x59: {  	_ =	shalt  }
0x5a: {  	_ =	shalt  }
0x5b: {  	_ =	shalt  }
0x5c: {  	_ =	shalt  }
0x5d: {  	_ =	shalt  }
0x5e: {  	_ =	shalt  }
0x5f: {  	_ =	shalt  }
0x60: {  	_ =	shalt  }
0x61: {  	_ =	shalt  }
0x62: {  	_ =	shalt  }
0x63: {  	_ =	shalt  }
0x64: {  	_ =	shalt  }
0x65: {  	_ =	shalt  }
0x66: {  	_ =	shalt  }
0x67: {  	_ =	shalt  }
0x68: {  	_ =	shalt  }
0x69: {  	_ =	shalt  }
0x6a: {  	_ =	shalt  }
0x6b: {  	_ =	shalt  }
0x6c: {  	_ =	shalt  }
0x6d: {  	_ =	shalt  }
0x6e: {  	_ =	shalt  }
0x6f: {  	_ =	shalt  }
0x70: {  	_ =	shalt  }
0x71: {  	_ =	shalt  }
0x72: {  	_ =	shalt  }
0x73: {  	_ =	shalt  }
0x74: {  	_ =	shalt  }
0x75: {  	_ =	shalt  }
0x76: {  	_ =	shalt  }
0x77: {  	_ =	shalt  }
0x78: {  	_ =	shalt  }
0x79: {  	_ =	shalt  }
0x7a: {  	_ =	shalt  }
0x7b: {  	_ =	shalt  }
0x7c: {  	_ =	shalt  }
0x7d: {  	_ =	shalt  }
0x7e: {  	_ =	shalt  }
0x7f: {  	_ =	shalt  }
0x80: {  	_ =	shalt  }
0x81: {  	_ =	shalt  }
0x82: {  	_ =	shalt  }
0x83: {  	_ =	shalt  }
0x84: {  	_ =	shalt  }
0x85: {  	_ =	shalt  }
0x86: {  	_ =	shalt  }
0x87: {  	_ =	shalt  }
.Lfunc_end0:
.L_simem_size_0:
called_computation_lowered:
.L_overlay_start_0:
0x88: {  	s2 =	sld [smem:$0x3FD9]  }
0x89: {  	s3 =	sld [smem:$0x3FFE];
	_ =	sdelay $0x1  }
0x8a: {  	s1 =	srdreg.scid  }
0x8b: {  	s0 =	sand.u32 $0x1, s1  }
0x8c: {  	s17 =	sshll.u32 s0, $0xA;
	s2 =	sadd.s32 s3, s2  }
0x8d: {  	s2 =	sadd.s32 s2, s17  }
0x8e: {  	[smem:$0x3FC6] =	sst s2  }
0x8f: {  	_ = 	snop  }
0x90: {  	s2 =	sld [smem:$0x3FD0];
	(tm) =	ssettm $0x1  }
0x91: {  	s18 =	sld [smem:$0x3FFB];
	_ =	sdelay $0x3  }
0x92: {  	_ =	strace s18  }
0x93: {  	s3 =	sld [smem:$0x3FFC];
	_ =	sdelay $0x3  }
0x94: {  	_ =	strace s3  }
0x95: {  	s3 =	sld [smem:$0x3FFD];
	_ =	sdelay $0x3  }
0x96: {  	_ =	strace s3  }
0x97: {  	_ =	strace $0x8FFFFFFF  }
0x98: {  	s19 =	sld [smem:$0x3FDB];
	_ =	sdelay $0x1  }
0x99: {  	s4 =	simm.s32 $_scs_section_size  }
0x9a: {  	s5 =	simm.s32 $_size__tile_overlayer_lowered;
	s6 =	simm.s32 $_tile_overlayer_lowered  }
0x9b: {  	s22 =	simm.s32 $0x1BFF;
	s21 =	sshll.u32 s6, $0x1;
	s3 =	sadd.s32 s4, s19  }
0x9c: {  	s7 =	simm.s32 $0x0;
	s20 =	sshll.u32 s5, $0x1;
	s5 =	sadd.s32 s21, s3  }
0x9d: {  	[timem:s7], [sflag:s22] =	dma.local [hbm:s5], s20  }
0x9e: {  	_ =	swait.ge [sflag:s22], s20  }
0x9f: {  	s4 =	ssub.s32 $0x0, s20;
	[sflag:s22] =	ssyncset.done $0x0  }
0xa0: {  	[sflag:s22] =	ssyncadd.s32 s4;
	_ =	sdelay $0x1  }
0xa1: {  	s23 =	simm.s32 $0x1B8B  }
0xa2: {  	_ =	swait.ge [sflag:s23], $0x1  }
0xa3: {  	[sflag:s23] =	ssyncset.done $0x0  }
0xa4: {  	s25 =	simm.s32 $0x1B8E;
	s24 =	sld [smem:$0x3FFE];
	[sflag:s23] =	ssyncadd.s32 $0xFFFFFFFF  }
0xa5: {  	s26 =	simm.s32 $execute0_lowered;
	[smem:$0x3FD2] =	sst s25  }
0xa6: {  	s5 =	sshll.u32 s26, $0x1;
	_ =	strace $0x80000046;
	[dreg:$0x1] =	wrdreg $0xFFFFFFFF  }
0xa7: {  	s28 =	simm.s32 $_size_execute0_lowered;
	s3 =	sadd.s32 s3, s5;
	[dreg:$0x0] =	wrdreg $0x0  }
0xa8: {  	s5 =	sshll.u32 s28, $0x1;
	[dreg:$0x2] =	wrdreg s3  }
0xa9: {  	[dreg:$0x3] =	wrdreg s5  }
0xaa: {  	[dreg:$0x4] =	wrdreg $0xC0  }
0xab: {  	_ =	task [dreg:s7], $0x5FFFF  }
0xac: {  	[dreg:$0x1] =	wrdreg $0xFFFFFFFF  }
0xad: {  	[dreg:$0x0] =	wrdreg $0x60  }
0xae: {  	[dreg:$0x2] =	wrdreg s24  }
0xaf: {  	[dreg:$0x3] =	wrdreg s2  }
0xb0: {  	[dreg:$0x4] =	wrdreg $0x9  }
0xb1: {  	_ =	task.clear_ibuf [dreg:s7], $0x5FFFF;
	_ =	strace $0x90000046  }
0xb2: {  	s29 =	simm.s32 $0x9;
	_ =	strace $0x80000048  }
0xb3: {  	_ =	swait.ge [sflag:s29], $0x1  }
0xb4: {  	[sflag:s29] =	ssyncadd.s32 $0xFFFFFFFF  }
0xb5: {  	_ =	strace $0x90000048  }
0xb6: {  	_ =	sfence  }
0xb7: {  	s30 =	sld [smem:$0x0];
	_ =	sdelay $0x2  }
0xb8: {  	s31 =	sshll.u32 s1, $0xD;
	s1 =	sshrl.u32 s1, $0x2  }
0xb9: {  	s3 =	sand.u32 $0x4000, s31;
	s1 =	sadd.s32 s1, s30  }
0xba: {  	s0 =	sor.u32 s3, s0;
	s1 =	sshll.u32 s1, $0x11  }
0xbb: {  	s0 =	sor.u32 s1, s0  }
0xbc: {  	s0 =	sadd.s32 $0x8F2B, s0  }
0xbd: {  	[sflag:s0] =	ssyncadd.remote.s32 $0x1  }
0xbe: {  	_ =	sfence.sel $0xFFFF  }
0xbf: {  	[dreg:$0x0] =	wrdreg $0xFFFFFFFF;
	(pc) =	sbr.abs _section_cstart, $3  }
0xc0: {  	[dreg:$0x1] =	wrdreg $0xFFFFFFFF  }
0xc1: {  	_ =	task.clear_ibuf [dreg:s7], $0x2FFFF;
	_ =	strace $0x9FFFFFFF  }
0xc2: {  	(tm) =	ssettm $0x7FFFFFFF  }
0xc3: {  	_ =	shalt  }
tec
execute0_lowered:
.L_overlay_start_1:
0x0: {  	(tag) =	ssettag $0x1  }
0x1: {  	s0 =	rddreg [dreg:$0x0];
	s1 =	srdreg.scid  }
0x2: {  	s3 =	stileid.u32;
	s2 =	rddreg [dreg:$0x1];
	s9 =	simm.s32 $0x5  }
0x3: {  	s10 =	simm.s32 $0x80;
	s12 =	simm.s32 $0x3000;
	s13 =	simm.s32 $0x5000  }
0x4: {  	s14 =	simm.s32 $0x7000;
	s15 =	simm.s32 $0x1;
	s16 =	simm.s32 $0x9000  }
0x5: {  	s17 =	simm.s32 $0xB200;
	s18 =	simm.s32 $0x2;
	s19 =	simm.s32 $0x3  }
0x6: {  	s20 =	simm.s32 $0x4;
	s1 =	sand.u32 $0x1, s1;
	s4 =	sshll.u32 s3, $0x1  }
0x7: {  	s21 =	simm.s32 $0x0;
	s3 =	simm.s32 $0x0;
	s5 =	sor.u32 s1, s4  }
0x8: {  	[smem:$0x7FF] =	sst s3;
	s4 =	sadd.s32 $0x64400, s0;
	s6 =	smul.u32 $0x19000, s5  }
0x9: {  	s0 =	sadd.s32 $0x400, s0;
	s1 =	ssub.s32 $0x2, s1;
	s7 =	sshll.u32 s5, $0xC  }
0xa: {  	v0 =	vlaneseq.u32;
	_ =	strace $0x80000047;
	s7 =	sand.u32 $0x3000, s7;
	s6 =	sand.u32 $0x3FC000, s6  }
0xb: {  	v0 =	vmul.u32 $0x88, v0;
	s31 =	sshrl.u32 s1, $0x1;
	s8 =	smul.u32 $0x3200, s5;
	s6 =	sor.u32 s7, s6  }
0xc: {  	s5 =	smul.u32 $0x190, s5;
	s1 =	ssub.s32 s1, s31;
	s6 =	sshrl.u32 s6, $0x3  }
0xd: {  	v1 =	vadd.s32 $0x880, v0;
	v2 =	vadd.s32 $0x1100, v0;
	v3 =	vadd.s32 $0x1980, v0;
	s7 =	sadd.s32 s0, s8;
	s8 =	smax.u32 s1, $0x1;
	s6 =	sadd.s32 s0, s6  }
.LBB2_1:
0xe: {  	[tilespmem:s3], [sflag:$0x5] =	stream.linear.gather [hbm4b:s6+s3], $0x800, $0x38;
	[tilespmem:$0xD400] =	vst v63  }
0xf: {  	_ =	swait.ge [sflag:s9], $0x800  }
0x10: {  	[sflag:s9] =	ssyncset.done $0x0  }
0x11: {  	s0 =	simm.s32 $0x1000;
	[sflag:s9] =	ssyncadd.s32 $0xFFFFF800  }
0x12: {  	[tilespmem:s0], [sflag:$0x1] =	stream.indirect.gather [hbm4b:s4+s10], $0x40, s3, s10, $0xb8;
	[tilespmem:$0xD400] =	vst v63  }
0x13: {  	s22 =	simm.s32 $0x0  }
0x14: {  	[tilespmem:s12], [sflag:$0x1] =	stream.indirect.gather [hbm4b:s4+s10], $0x40, s10, s10, $0xb8;
	[tilespmem:$0xD400] =	vst v63  }
.LBB2_3:
0x15: {  	s0 =	sand.u32 $0x3, s22;
	s1 =	sshrl.u32 s22, $0x2;
	p1 =	slt.u32 s22, $0xC4  }
0x16: {  	s24 =	sshll.u32 s22, $0x1;
	p0 =	seq.s32 s0, $0x0;
	s0 =	sadd.s32 $0x1, s1  }
0x17: {  	s25 =	sand.u32 $0x1, s1;
	p0 =	por !p1, !p0;
	s26 =	sand.u32 $0x1, s0  }
0x18: {  	p5 =	seq.s32 s25, $0x1;
	p0 =	por !p0, !p0;
	p6 =	seq.s32 s26, $0x1  }
0x19: {  	s26 =	sadd.s32 s5, s24;
	p1 =	por !p5, !p0;
	p0 =	por !p0, !p6  }
0x1a: {  	s30 =	sor.u32 $0x1, s26;
	s1 =	sshll.u32 @!p1 s0, $0x8;
	p0 =	por !p0, !p0  }
0x1b: {  	s23 =	simm.s32 @!p1 $0x0;
	s1 =	sadd.s32 @!p1 s1, s7;
	s0 =	sshll.u32 @p0 s0, $0x8  }
0x1c: {  	[tilespmem:s23], [sflag:$0x5] =	stream.linear.gather @!p1 [hbm4b:s1+s23], $0x800, $0x38;
	[tilespmem:$0xD400] =	vst v63  }
0x1d: {  	s0 =	sadd.s32 @p0 s0, s7;
	s1 =	simm.s32 @p0 $0x0;
	s23 =	simm.s32 @p0 $0x800  }
0x1e: {  	[tilespmem:s23], [sflag:$0x6] =	stream.linear.gather @p0 [hbm4b:s0+s1], $0x800, $0x38;
	[tilespmem:$0xD400] =	vst v63  }
0x1f: {  	s31 =	sshll.u32 s22, $0x9;
	s23 =	sshll.u32 s30, $0x8  }
0x20: {  	s1 =	sand.u32 $0x800, s31;
	s25 =	sand.u32 $0x700, s23  }
0x21: {  	s1 =	sor.u32 s25, s1  }
0x22: {  	[tilespmem:s13], [sflag:$0x2] =	stream.indirect.gather [hbm4b:s4+s10], $0x40, s1, s10, $0xb8;
	[tilespmem:$0xD400] =	vst v63  }
0x23: {  	s1 =	sor.u32 $0x80, s1  }
0x24: {  	[tilespmem:s14], [sflag:$0x2] =	stream.indirect.gather [hbm4b:s4+s10], $0x40, s1, s10, $0xb8;
	[tilespmem:$0xD400] =	vst v63  }
0x25: {  	_ =	swait.ge [sflag:s15], $0x2000  }
0x26: {  	[sflag:s15] =	ssyncset.done $0x0  }
0x27: {  	[sflag:s15] =	ssyncadd.s32 $0xFFFFE000  }
0x28: {  	_ =	swait.ge [sflag:s15], $0x2000  }
0x29: {  	p0 =	seq.s32 s22, $0x0;
	[sflag:s15] =	ssyncset.done $0x0  }
0x2a: {  	s1 =	simm.s32 @!p0 $0x3;
	[sflag:s15] =	ssyncadd.s32 $0xFFFFE000  }
0x2b: {  	_ =	swait.ge @!p0 [sflag:s1], $0x2000  }
0x2c: {  	[sflag:s1] =	ssyncset.done @!p0 $0x0  }
0x2d: {  	[sflag:s1] =	ssyncadd.s32 @!p0 $0xFFFFE000  }
0x2e: {  	v7 =	vld [tilespmem:$0x1000]  }
0x2f: {  	v6 =	vimm.s32 $0x0;
	v14 =	vld [tilespmem:$0x1010]  }
0x30: {  	v10 =	vadd.s32 v0, v6;
	v9 =	vld [tilespmem:$0x1020]  }
0x31: {  	s28 =	simm.s32 $0x0;
	v12 =	vadd.s32 v1, v6;
	v4 =	vld [tilespmem:$0x1030]  }
0x32: {  	v13 =	vadd.s32 v2, v6;
	v8 =	vld [tilespmem:s28+$0x1040]  }
0x33: {  	s29 =	simm.s32 $0x100;
	v11 =	vadd.s32 v3, v6;
	s25 =	ssub.s32 s30, s5;
	v5 =	vld [tilespmem:s28+$0x1070]  }
.LBB2_4:
0x34: {  	p1 =	sne.s32 s29, $0x7E00;
	v15 =	vld [tilespmem:s28+$0x1060]  }
0x35: {  	v16 =	vld [tilespmem:s28+$0x1050];
	[tilespmem:v10+s16+$0x0] =	vst.idx.msk $0xffff, v7  }
.Ltmp0:
0x36: {  	v6 =	vadd.s32 $0x1, v6;
	[tilespmem:v12+s16+$0x0] =	vst.idx.msk $0xffff, v14;
	(pc) =	sbr.rel @p1 .LBB2_4-.Ltmp0, $4  }
0x37: {  	v10 =	vadd.s32 v0, v6;
	[tilespmem:v13+s16+$0x0] =	vst.idx.msk $0xffff, v9;
	v7 =	vmov v8  }
0x38: {  	s28 =	sshra.s32 s29, $0x2;
	v12 =	vadd.s32 v1, v6;
	[tilespmem:v11+s16+$0x0] =	vst.idx.msk $0xffff, v4;
	v4 =	vmov v5  }
0x39: {  	v13 =	vadd.s32 v2, v6;
	v8 =	vld [tilespmem:s28+$0x1040];
	v9 =	vmov v15  }
0x3a: {  	s29 =	sadd.s32 $0x100, s29;
	v11 =	vadd.s32 v3, v6;
	v5 =	vld [tilespmem:s28+$0x1070];
	v14 =	vmov v16  }
0x3b: {  	_ =	sdelay $0x1  }
0x3c: {  	v6 =	vadd.s32 $0x1, v6  }
0x3d: {  	v15 =	vld [tilespmem:s28+$0x1060];
	v17 =	vadd.s32 v0, v6  }
0x3e: {  	v16 =	vld [tilespmem:s28+$0x1050];
	[tilespmem:v10+s16+$0x0] =	vst.idx.msk $0xffff, v7;
	v62 =	vadd.s32 v1, v6  }
0x3f: {  	[tilespmem:v12+s16+$0x0] =	vst.idx.msk $0xffff, v14;
	v63 =	vadd.s32 v2, v6  }
0x40: {  	v6 =	vadd.s32 v3, v6;
	[tilespmem:v13+s16+$0x0] =	vst.idx.msk $0xffff, v9  }
0x41: {  	[tilespmem:v11+s16+$0x0] =	vst.idx.msk $0xffff, v4  }
0x42: {  	s0 =	sshll.u32 s26, $0x8;
	[tilespmem:v17+s16+$0x0] =	vst.idx.msk $0xffff, v8  }
0x43: {  	s1 =	sshll.u32 s26, $0xB;
	s28 =	sand.u32 $0x3E00, s0;
	[tilespmem:v62+s16+$0x0] =	vst.idx.msk $0xffff, v16  }
0x44: {  	s26 =	sand.u32 $0xFFE0000, s1;
	s0 =	sadd.s32 s2, s28;
	[tilespmem:v63+s16+$0x0] =	vst.idx.msk $0xffff, v15  }
0x45: {  	s11 =	simm.s32 $0x9000;
	s30 =	sadd.s32 s26, s0;
	[tilespmem:v6+s16+$0x0] =	vst.idx.msk $0xffff, v5  }
0x46: {  	[hbm4b:s30+s3] =	stream.linear.scatter [tilespmem:s11], [sflag:$0x3], $0x80, $0x38;
	[tilespmem:$0xD400] =	vst v63  }
0x47: {  	s1 =	simm.s32 $0x9088;
	s11 =	sadd.s32 $0x10, s30  }
0x48: {  	[hbm4b:s11+s3] =	stream.linear.scatter [tilespmem:s1], [sflag:$0x3], $0x80, $0x38;
	[tilespmem:$0xD400] =	vst v63  }
0x49: {  	s1 =	simm.s32 $0x9110;
	s11 =	sadd.s32 $0x20, s30  }
0x4a: {  	[hbm4b:s11+s3] =	stream.linear.scatter [tilespmem:s1], [sflag:$0x3], $0x80, $0x38;
	[tilespmem:$0xD400] =	vst v63  }
0x4b: {  	s1 =	simm.s32 $0x9198;
	s11 =	sadd.s32 $0x30, s30  }
0x4c: {  	[hbm4b:s11+s3] =	stream.linear.scatter [tilespmem:s1], [sflag:$0x3], $0x80, $0x38;
	[tilespmem:$0xD400] =	vst v63  }
0x4d: {  	s1 =	simm.s32 $0x9220;
	s11 =	sadd.s32 $0x40, s30  }
0x4e: {  	[hbm4b:s11+s3] =	stream.linear.scatter [tilespmem:s1], [sflag:$0x3], $0x80, $0x38;
	[tilespmem:$0xD400] =	vst v63  }
0x4f: {  	s29 =	simm.s32 $0x440;
	s1 =	simm.s32 $0x92A8;
	s11 =	sadd.s32 $0x50, s30  }
0x50: {  	[hbm4b:s11+s3] =	stream.linear.scatter [tilespmem:s1], [sflag:$0x3], $0x80, $0x38;
	[tilespmem:$0xD400] =	vst v63  }
0x51: {  	s31 =	simm.s32 $0x2200;
	s1 =	simm.s32 $0x9330;
	s11 =	sadd.s32 $0x60, s30  }
0x52: {  	[hbm4b:s11+s3] =	stream.linear.scatter [tilespmem:s1], [sflag:$0x3], $0x80, $0x38;
	[tilespmem:$0xD400] =	vst v63  }
0x53: {  	s0 =	sadd.s32 $0x70, s30;
	s30 =	sadd.s32 $0x4000, s30;
	s1 =	simm.s32 $0x93B8  }
.LBB2_6:
0x54: {  	[hbm4b:s0+s3] =	stream.linear.scatter [tilespmem:s1], [sflag:$0x3], $0x80, $0x38;
	[tilespmem:$0xD400] =	vst v63  }
0x55: {  	s0 =	smov.u32 s29;
	s1 =	smov.u32 s31  }
0x56: {  	s11 =	sadd.s32 $0x1100, s31;
	s29 =	sshra.s32 s1, $0x2;
	s1 =	sadd.s32 $0x9000, s0  }
0x57: {  	[hbm4b:s30+s3] =	stream.linear.scatter [tilespmem:s1], [sflag:$0x3], $0x80, $0x38;
	[tilespmem:$0xD400] =	vst v63  }
0x58: {  	p1 =	sne.s32 s31, $0x7700;
	s31 =	sadd.s32 $0x10, s30;
	s1 =	sadd.s32 $0x9088, s0  }
0x59: {  	[hbm4b:s31+s3] =	stream.linear.scatter [tilespmem:s1], [sflag:$0x3], $0x80, $0x38;
	[tilespmem:$0xD400] =	vst v63  }
0x5a: {  	s1 =	sadd.s32 $0x9110, s0;
	s31 =	sadd.s32 $0x20, s30  }
0x5b: {  	[hbm4b:s31+s3] =	stream.linear.scatter [tilespmem:s1], [sflag:$0x3], $0x80, $0x38;
	[tilespmem:$0xD400] =	vst v63  }
0x5c: {  	s1 =	sadd.s32 $0x9198, s0;
	s31 =	sadd.s32 $0x30, s30  }
0x5d: {  	[hbm4b:s31+s3] =	stream.linear.scatter [tilespmem:s1], [sflag:$0x3], $0x80, $0x38;
	[tilespmem:$0xD400] =	vst v63  }
0x5e: {  	s1 =	sadd.s32 $0x9220, s0;
	s31 =	sadd.s32 $0x40, s30  }
0x5f: {  	[hbm4b:s31+s3] =	stream.linear.scatter [tilespmem:s1], [sflag:$0x3], $0x80, $0x38;
	[tilespmem:$0xD400] =	vst v63  }
0x60: {  	s1 =	sadd.s32 $0x92A8, s0;
	s31 =	sadd.s32 $0x50, s30  }
0x61: {  	[hbm4b:s31+s3] =	stream.linear.scatter [tilespmem:s1], [sflag:$0x3], $0x80, $0x38;
	[tilespmem:$0xD400] =	vst v63  }
.Ltmp1:
0x62: {  	_ = 	snop;
	(pc) =	sbr.rel @p1 .LBB2_6-.Ltmp1, $4  }
0x63: {  	s1 =	sadd.s32 $0x9330, s0;
	s31 =	sadd.s32 $0x60, s30  }
0x64: {  	[hbm4b:s31+s3] =	stream.linear.scatter [tilespmem:s1], [sflag:$0x3], $0x80, $0x38;
	[tilespmem:$0xD400] =	vst v63  }
0x65: {  	s1 =	sadd.s32 $0x93B8, s0  }
0x66: {  	s0 =	sadd.s32 $0x70, s30;
	s30 =	sadd.s32 $0x4000, s30;
	s31 =	smov.u32 s11  }
0x67: {  	[hbm4b:s0+s3] =	stream.linear.scatter [tilespmem:s1], [sflag:$0x3], $0x80, $0x38;
	[tilespmem:$0xD400] =	vst v63  }
0x68: {  	s1 =	sadd.s32 $0x9000, s29  }
0x69: {  	[hbm4b:s30+s3] =	stream.linear.scatter [tilespmem:s1], [sflag:$0x3], $0x80, $0x38;
	[tilespmem:$0xD400] =	vst v63  }
0x6a: {  	s11 =	sadd.s32 $0x9088, s29;
	s31 =	sadd.s32 $0x10, s30  }
0x6b: {  	[hbm4b:s31+s3] =	stream.linear.scatter [tilespmem:s11], [sflag:$0x3], $0x80, $0x38;
	[tilespmem:$0xD400] =	vst v63  }
0x6c: {  	s11 =	sadd.s32 $0x9110, s29;
	s31 =	sadd.s32 $0x20, s30  }
0x6d: {  	[hbm4b:s31+s3] =	stream.linear.scatter [tilespmem:s11], [sflag:$0x3], $0x80, $0x38;
	[tilespmem:$0xD400] =	vst v63  }
0x6e: {  	s11 =	sadd.s32 $0x9198, s29;
	s31 =	sadd.s32 $0x30, s30  }
0x6f: {  	[hbm4b:s31+s3] =	stream.linear.scatter [tilespmem:s11], [sflag:$0x3], $0x80, $0x38;
	[tilespmem:$0xD400] =	vst v63  }
0x70: {  	s11 =	sadd.s32 $0x9220, s29;
	s31 =	sadd.s32 $0x40, s30  }
0x71: {  	[hbm4b:s31+s3] =	stream.linear.scatter [tilespmem:s11], [sflag:$0x3], $0x80, $0x38;
	[tilespmem:$0xD400] =	vst v63  }
0x72: {  	s11 =	sadd.s32 $0x92A8, s29;
	s31 =	sadd.s32 $0x50, s30  }
0x73: {  	[hbm4b:s31+s3] =	stream.linear.scatter [tilespmem:s11], [sflag:$0x3], $0x80, $0x38;
	[tilespmem:$0xD400] =	vst v63  }
0x74: {  	s11 =	sadd.s32 $0x9330, s29;
	s31 =	sadd.s32 $0x60, s30  }
0x75: {  	[hbm4b:s31+s3] =	stream.linear.scatter [tilespmem:s11], [sflag:$0x3], $0x80, $0x38;
	[tilespmem:$0xD400] =	vst v63  }
0x76: {  	s0 =	simm.s32 @!p0 $0x4;
	s11 =	sadd.s32 $0x93B8, s29;
	s31 =	sadd.s32 $0x70, s30  }
0x77: {  	[hbm4b:s31+s3] =	stream.linear.scatter [tilespmem:s11], [sflag:$0x3], $0x80, $0x38;
	[tilespmem:$0xD400] =	vst v63  }
0x78: {  	_ =	swait.ge @!p0 [sflag:s0], $0x2000  }
0x79: {  	[sflag:s0] =	ssyncset.done @!p0 $0x0  }
0x7a: {  	[sflag:s0] =	ssyncadd.s32 @!p0 $0xFFFFE000  }
0x7b: {  	v7 =	vld [tilespmem:$0x3000]  }
0x7c: {  	v6 =	vimm.s32 $0x0;
	v14 =	vld [tilespmem:$0x3010]  }
0x7d: {  	v10 =	vadd.s32 v0, v6;
	v9 =	vld [tilespmem:$0x3020]  }
0x7e: {  	v12 =	vadd.s32 v1, v6;
	s29 =	simm.s32 $0x0;
	v4 =	vld [tilespmem:$0x3030]  }
0x7f: {  	v13 =	vadd.s32 v2, v6;
	v8 =	vld [tilespmem:s29+$0x3040]  }
0x80: {  	v11 =	vadd.s32 v3, v6;
	s30 =	simm.s32 $0x100;
	v5 =	vld [tilespmem:s29+$0x3070]  }
.LBB2_8:
0x81: {  	p0 =	sne.s32 s30, $0x7E00;
	v15 =	vld [tilespmem:s29+$0x3060]  }
0x82: {  	v16 =	vld [tilespmem:s29+$0x3050];
	[tilespmem:v10+s17+$0x0] =	vst.idx.msk $0xffff, v7  }
.Ltmp2:
0x83: {  	v6 =	vadd.s32 $0x1, v6;
	[tilespmem:v12+s17+$0x0] =	vst.idx.msk $0xffff, v14;
	(pc) =	sbr.rel @p0 .LBB2_8-.Ltmp2, $4  }
0x84: {  	v10 =	vadd.s32 v0, v6;
	[tilespmem:v13+s17+$0x0] =	vst.idx.msk $0xffff, v9;
	v7 =	vmov v8  }
0x85: {  	s29 =	sshra.s32 s30, $0x2;
	v12 =	vadd.s32 v1, v6;
	[tilespmem:v11+s17+$0x0] =	vst.idx.msk $0xffff, v4;
	v4 =	vmov v5  }
0x86: {  	v13 =	vadd.s32 v2, v6;
	v8 =	vld [tilespmem:s29+$0x3040];
	v9 =	vmov v15  }
0x87: {  	s30 =	sadd.s32 $0x100, s30;
	v11 =	vadd.s32 v3, v6;
	v5 =	vld [tilespmem:s29+$0x3070];
	v14 =	vmov v16  }
0x88: {  	_ =	sdelay $0x1  }
0x89: {  	v6 =	vadd.s32 $0x1, v6  }
0x8a: {  	v15 =	vld [tilespmem:s29+$0x3060];
	v17 =	vadd.s32 v0, v6  }
0x8b: {  	v16 =	vld [tilespmem:s29+$0x3050];
	[tilespmem:v10+s17+$0x0] =	vst.idx.msk $0xffff, v7;
	v62 =	vadd.s32 v1, v6  }
0x8c: {  	[tilespmem:v12+s17+$0x0] =	vst.idx.msk $0xffff, v14;
	v63 =	vadd.s32 v2, v6  }
0x8d: {  	v6 =	vadd.s32 v3, v6;
	[tilespmem:v13+s17+$0x0] =	vst.idx.msk $0xffff, v9  }
0x8e: {  	[tilespmem:v11+s17+$0x0] =	vst.idx.msk $0xffff, v4  }
0x8f: {  	[tilespmem:v17+s17+$0x0] =	vst.idx.msk $0xffff, v8  }
0x90: {  	s26 =	sadd.s32 s2, s26;
	[tilespmem:v62+s17+$0x0] =	vst.idx.msk $0xffff, v16  }
0x91: {  	s0 =	sadd.s32 s28, s26;
	[tilespmem:v63+s17+$0x0] =	vst.idx.msk $0xffff, v15  }
0x92: {  	s1 =	simm.s32 $0xB200;
	s11 =	sadd.s32 $0x80, s0;
	[tilespmem:v6+s17+$0x0] =	vst.idx.msk $0xffff, v5  }
0x93: {  	[hbm4b:s11+s3] =	stream.linear.scatter [tilespmem:s1], [sflag:$0x4], $0x80, $0x38;
	[tilespmem:$0xD400] =	vst v63  }
0x94: {  	s31 =	simm.s32 $0xB288;
	s1 =	sadd.s32 $0x10, s11  }
0x95: {  	[hbm4b:s1+s3] =	stream.linear.scatter [tilespmem:s31], [sflag:$0x4], $0x80, $0x38;
	[tilespmem:$0xD400] =	vst v63  }
0x96: {  	s1 =	simm.s32 $0xB310;
	s31 =	sadd.s32 $0x20, s11  }
0x97: {  	[hbm4b:s31+s3] =	stream.linear.scatter [tilespmem:s1], [sflag:$0x4], $0x80, $0x38;
	[tilespmem:$0xD400] =	vst v63  }
0x98: {  	s1 =	simm.s32 $0xB398;
	s31 =	sadd.s32 $0x30, s11  }
0x99: {  	[hbm4b:s31+s3] =	stream.linear.scatter [tilespmem:s1], [sflag:$0x4], $0x80, $0x38;
	[tilespmem:$0xD400] =	vst v63  }
0x9a: {  	s1 =	simm.s32 $0xB420;
	s31 =	sadd.s32 $0x40, s11  }
0x9b: {  	[hbm4b:s31+s3] =	stream.linear.scatter [tilespmem:s1], [sflag:$0x4], $0x80, $0x38;
	[tilespmem:$0xD400] =	vst v63  }
0x9c: {  	s30 =	simm.s32 $0x2200;
	s1 =	simm.s32 $0xB4A8;
	s31 =	sadd.s32 $0x50, s11  }
0x9d: {  	[hbm4b:s31+s3] =	stream.linear.scatter [tilespmem:s1], [sflag:$0x4], $0x80, $0x38;
	[tilespmem:$0xD400] =	vst v63  }
0x9e: {  	s28 =	simm.s32 $0x440;
	s1 =	simm.s32 $0xB530;
	s31 =	sadd.s32 $0x60, s11  }
0x9f: {  	[hbm4b:s31+s3] =	stream.linear.scatter [tilespmem:s1], [sflag:$0x4], $0x80, $0x38;
	[tilespmem:$0xD400] =	vst v63  }
0xa0: {  	s0 =	sadd.s32 $0x70, s11;
	s29 =	sadd.s32 $0x4000, s11;
	s1 =	simm.s32 $0xB5B8  }
.LBB2_10:
0xa1: {  	[hbm4b:s0+s3] =	stream.linear.scatter [tilespmem:s1], [sflag:$0x4], $0x80, $0x38;
	[tilespmem:$0xD400] =	vst v63  }
0xa2: {  	s0 =	smov.u32 s28;
	s1 =	smov.u32 s30  }
0xa3: {  	s11 =	sadd.s32 $0x1100, s30;
	s28 =	sshra.s32 s1, $0x2;
	s1 =	sadd.s32 $0xB200, s0  }
0xa4: {  	[hbm4b:s29+s3] =	stream.linear.scatter [tilespmem:s1], [sflag:$0x4], $0x80, $0x38;
	[tilespmem:$0xD400] =	vst v63  }
0xa5: {  	p0 =	sne.s32 s30, $0x7700;
	s30 =	sadd.s32 $0x10, s29;
	s1 =	sadd.s32 $0xB288, s0  }
0xa6: {  	[hbm4b:s30+s3] =	stream.linear.scatter [tilespmem:s1], [sflag:$0x4], $0x80, $0x38;
	[tilespmem:$0xD400] =	vst v63  }
0xa7: {  	s1 =	sadd.s32 $0xB310, s0;
	s30 =	sadd.s32 $0x20, s29  }
0xa8: {  	[hbm4b:s30+s3] =	stream.linear.scatter [tilespmem:s1], [sflag:$0x4], $0x80, $0x38;
	[tilespmem:$0xD400] =	vst v63  }
0xa9: {  	s1 =	sadd.s32 $0xB398, s0;
	s30 =	sadd.s32 $0x30, s29  }
0xaa: {  	[hbm4b:s30+s3] =	stream.linear.scatter [tilespmem:s1], [sflag:$0x4], $0x80, $0x38;
	[tilespmem:$0xD400] =	vst v63  }
0xab: {  	s1 =	sadd.s32 $0xB420, s0;
	s30 =	sadd.s32 $0x40, s29  }
0xac: {  	[hbm4b:s30+s3] =	stream.linear.scatter [tilespmem:s1], [sflag:$0x4], $0x80, $0x38;
	[tilespmem:$0xD400] =	vst v63  }
0xad: {  	s1 =	sadd.s32 $0xB4A8, s0;
	s30 =	sadd.s32 $0x50, s29  }
0xae: {  	[hbm4b:s30+s3] =	stream.linear.scatter [tilespmem:s1], [sflag:$0x4], $0x80, $0x38;
	[tilespmem:$0xD400] =	vst v63  }
.Ltmp3:
0xaf: {  	_ = 	snop;
	(pc) =	sbr.rel @p0 .LBB2_10-.Ltmp3, $4  }
0xb0: {  	s1 =	sadd.s32 $0xB530, s0;
	s30 =	sadd.s32 $0x60, s29  }
0xb1: {  	[hbm4b:s30+s3] =	stream.linear.scatter [tilespmem:s1], [sflag:$0x4], $0x80, $0x38;
	[tilespmem:$0xD400] =	vst v63  }
0xb2: {  	s1 =	sadd.s32 $0xB5B8, s0  }
0xb3: {  	s0 =	sadd.s32 $0x70, s29;
	s29 =	sadd.s32 $0x4000, s29;
	s30 =	smov.u32 s11  }
0xb4: {  	[hbm4b:s0+s3] =	stream.linear.scatter [tilespmem:s1], [sflag:$0x4], $0x80, $0x38;
	[tilespmem:$0xD400] =	vst v63  }
0xb5: {  	s11 =	sadd.s32 $0xB200, s28  }
0xb6: {  	[hbm4b:s29+s3] =	stream.linear.scatter [tilespmem:s11], [sflag:$0x4], $0x80, $0x38;
	[tilespmem:$0xD400] =	vst v63  }
0xb7: {  	s30 =	sadd.s32 $0xB288, s28;
	s31 =	sadd.s32 $0x10, s29  }
0xb8: {  	[hbm4b:s31+s3] =	stream.linear.scatter [tilespmem:s30], [sflag:$0x4], $0x80, $0x38;
	[tilespmem:$0xD400] =	vst v63  }
0xb9: {  	s1 =	sadd.s32 $0xB310, s28;
	s11 =	sadd.s32 $0x20, s29  }
0xba: {  	[hbm4b:s11+s3] =	stream.linear.scatter [tilespmem:s1], [sflag:$0x4], $0x80, $0x38;
	[tilespmem:$0xD400] =	vst v63  }
0xbb: {  	s30 =	sadd.s32 $0xB398, s28;
	s31 =	sadd.s32 $0x30, s29  }
0xbc: {  	[hbm4b:s31+s3] =	stream.linear.scatter [tilespmem:s30], [sflag:$0x4], $0x80, $0x38;
	[tilespmem:$0xD400] =	vst v63  }
0xbd: {  	s1 =	sadd.s32 $0xB420, s28;
	s11 =	sadd.s32 $0x40, s29  }
0xbe: {  	[hbm4b:s11+s3] =	stream.linear.scatter [tilespmem:s1], [sflag:$0x4], $0x80, $0x38;
	[tilespmem:$0xD400] =	vst v63  }
0xbf: {  	s30 =	sadd.s32 $0xB4A8, s28;
	s31 =	sadd.s32 $0x50, s29  }
0xc0: {  	[hbm4b:s31+s3] =	stream.linear.scatter [tilespmem:s30], [sflag:$0x4], $0x80, $0x38;
	[tilespmem:$0xD400] =	vst v63  }
0xc1: {  	s30 =	sadd.s32 $0x1, s25  }
0xc2: {  	s31 =	sand.u32 $0x6, s30  }
0xc3: {  	p1 =	slt.u32 s25, $0x18F;
	p0 =	seq.s32 s31, $0x0  }
0xc4: {  	p0 =	por !p1, !p0  }
0xc5: {  	s0 =	sand.u32 $0x8, s30;
	p1 =	por !p0, !p0  }
0xc6: {  	p0 =	seq.s32 @p1 s0, $0x0  }
0xc7: {  	p0 =	por !p1, !p0  }
0xc8: {  	p2 =	seq.s32 @p0 s0, $0x0;
	p1 =	por @p0 !p1, !p1  }
0xc9: {  	p1 =	por @p0 p1, p2  }
0xca: {  	p1 =	por !p0, !p1  }
.Ltmp4:
0xcb: {  	_ = 	snop;
	(pc) =	sbr.rel @!p1 .LBB2_13-.Ltmp4, $4  }
0xcc: {  	s1 =	sadd.s32 $0xB530, s28;
	s11 =	sadd.s32 $0x60, s29  }
0xcd: {  	[hbm4b:s11+s3] =	stream.linear.scatter [tilespmem:s1], [sflag:$0x4], $0x80, $0x38;
	[tilespmem:$0xD400] =	vst v63  }
0xce: {  	s28 =	sadd.s32 $0xB5B8, s28;
	s29 =	sadd.s32 $0x70, s29  }
0xcf: {  	[hbm4b:s29+s3] =	stream.linear.scatter [tilespmem:s28], [sflag:$0x4], $0x80, $0x38;
	[tilespmem:$0xD400] =	vst v63  }
0xd0: {  	s0 =	simm.s32 $0x5  }
0xd1: {  	s0 =	simm.s32 @p0 $0x6  }
0xd2: {  	_ =	swait.ge [sflag:s0], $0x800  }
0xd3: {  	[sflag:s0] =	ssyncset.done $0x0  }
0xd4: {  	[sflag:s0] =	ssyncadd.s32 $0xFFFFF800  }
.LBB2_13:
0xd5: {  	p0 =	seq.s32 s22, $0xC7  }
0xd6: {  	s0 =	sshll.u32 @!p0 s24, $0x8  }
0xd7: {  	s0 =	sadd.s32 @!p0 $0x200, s0  }
0xd8: {  	s1 =	simm.s32 @!p0 $0x80;
	s11 =	simm.s32 @!p0 $0x1000;
	s0 =	sand.u32 @!p0 $0xE00, s0  }
0xd9: {  	[tilespmem:s11], [sflag:$0x1] =	stream.indirect.gather @!p0 [hbm4b:s4+s1], $0x40, s0, s1, $0xb8;
	[tilespmem:$0xD400] =	vst v63  }
0xda: {  	s0 =	sor.u32 @!p0 $0x80, s0;
	s11 =	simm.s32 @!p0 $0x3000  }
0xdb: {  	[tilespmem:s11], [sflag:$0x1] =	stream.indirect.gather @!p0 [hbm4b:s4+s1], $0x40, s0, s1, $0xb8;
	[tilespmem:$0xD400] =	vst v63  }
0xdc: {  	_ =	swait.ge [sflag:s18], $0x2000  }
0xdd: {  	[sflag:s18] =	ssyncset.done $0x0  }
0xde: {  	[sflag:s18] =	ssyncadd.s32 $0xFFFFE000  }
0xdf: {  	_ =	swait.ge [sflag:s18], $0x2000  }
0xe0: {  	[sflag:s18] =	ssyncset.done $0x0  }
0xe1: {  	[sflag:s18] =	ssyncadd.s32 $0xFFFFE000  }
0xe2: {  	_ =	swait.ge [sflag:s19], $0x2000  }
0xe3: {  	[sflag:s19] =	ssyncset.done $0x0  }
0xe4: {  	[sflag:s19] =	ssyncadd.s32 $0xFFFFE000  }
0xe5: {  	v7 =	vld [tilespmem:$0x5000]  }
0xe6: {  	v6 =	vimm.s32 $0x0;
	v14 =	vld [tilespmem:$0x5010]  }
0xe7: {  	v10 =	vadd.s32 v0, v6;
	v9 =	vld [tilespmem:$0x5020]  }
0xe8: {  	s24 =	simm.s32 $0x0;
	v12 =	vadd.s32 v1, v6;
	v4 =	vld [tilespmem:$0x5030]  }
0xe9: {  	v13 =	vadd.s32 v2, v6;
	v8 =	vld [tilespmem:s24+$0x5040]  }
0xea: {  	s25 =	simm.s32 $0x100;
	v11 =	vadd.s32 v3, v6;
	v5 =	vld [tilespmem:s24+$0x5070]  }
.LBB2_14:
0xeb: {  	p0 =	sne.s32 s25, $0x7E00;
	v15 =	vld [tilespmem:s24+$0x5060]  }
0xec: {  	v16 =	vld [tilespmem:s24+$0x5050];
	[tilespmem:v10+s16+$0x0] =	vst.idx.msk $0xffff, v7  }
.Ltmp5:
0xed: {  	v6 =	vadd.s32 $0x1, v6;
	[tilespmem:v12+s16+$0x0] =	vst.idx.msk $0xffff, v14;
	(pc) =	sbr.rel @p0 .LBB2_14-.Ltmp5, $4  }
0xee: {  	v10 =	vadd.s32 v0, v6;
	[tilespmem:v13+s16+$0x0] =	vst.idx.msk $0xffff, v9;
	v7 =	vmov v8  }
0xef: {  	s24 =	sshra.s32 s25, $0x2;
	v12 =	vadd.s32 v1, v6;
	[tilespmem:v11+s16+$0x0] =	vst.idx.msk $0xffff, v4;
	v4 =	vmov v5  }
0xf0: {  	v13 =	vadd.s32 v2, v6;
	v8 =	vld [tilespmem:s24+$0x5040];
	v9 =	vmov v15  }
0xf1: {  	s25 =	sadd.s32 $0x100, s25;
	v11 =	vadd.s32 v3, v6;
	v5 =	vld [tilespmem:s24+$0x5070];
	v14 =	vmov v16  }
0xf2: {  	_ =	sdelay $0x1  }
0xf3: {  	v6 =	vadd.s32 $0x1, v6  }
0xf4: {  	v15 =	vld [tilespmem:s24+$0x5060];
	v17 =	vadd.s32 v0, v6  }
0xf5: {  	v16 =	vld [tilespmem:s24+$0x5050];
	[tilespmem:v10+s16+$0x0] =	vst.idx.msk $0xffff, v7;
	v62 =	vadd.s32 v1, v6  }
0xf6: {  	[tilespmem:v12+s16+$0x0] =	vst.idx.msk $0xffff, v14;
	v63 =	vadd.s32 v2, v6  }
0xf7: {  	v6 =	vadd.s32 v3, v6;
	[tilespmem:v13+s16+$0x0] =	vst.idx.msk $0xffff, v9  }
0xf8: {  	[tilespmem:v11+s16+$0x0] =	vst.idx.msk $0xffff, v4  }
0xf9: {  	[tilespmem:v17+s16+$0x0] =	vst.idx.msk $0xffff, v8  }
0xfa: {  	[tilespmem:v62+s16+$0x0] =	vst.idx.msk $0xffff, v16  }
0xfb: {  	s0 =	sand.u32 $0x3F00, s23;
	[tilespmem:v63+s16+$0x0] =	vst.idx.msk $0xffff, v15  }
0xfc: {  	s28 =	simm.s32 $0x9000;
	s23 =	sadd.s32 s0, s26;
	[tilespmem:v6+s16+$0x0] =	vst.idx.msk $0xffff, v5  }
0xfd: {  	[hbm4b:s23+s3] =	stream.linear.scatter [tilespmem:s28], [sflag:$0x3], $0x80, $0x38;
	[tilespmem:$0xD400] =	vst v63  }
0xfe: {  	s29 =	simm.s32 $0x9088;
	s1 =	sadd.s32 $0x10, s23  }
0xff: {  	[hbm4b:s1+s3] =	stream.linear.scatter [tilespmem:s29], [sflag:$0x3], $0x80, $0x38;
	[tilespmem:$0xD400] =	vst v63  }
0x100: {  	s30 =	simm.s32 $0x9110;
	s11 =	simm.s32 $0x9198;
	s31 =	sadd.s32 $0x20, s23  }
0x101: {  	[hbm4b:s31+s3] =	stream.linear.scatter [tilespmem:s30], [sflag:$0x3], $0x80, $0x38;
	[tilespmem:$0xD400] =	vst v63  }
0x102: {  	s25 =	simm.s32 $0x9220;
	s24 =	sadd.s32 $0x30, s23;
	s26 =	sadd.s32 $0x40, s23  }
0x103: {  	[hbm4b:s24+s3] =	stream.linear.scatter [tilespmem:s11], [sflag:$0x3], $0x80, $0x38;
	[tilespmem:$0xD400] =	vst v63  }
0x104: {  	s0 =	sadd.s32 $0x70, s23;
	s28 =	simm.s32 $0x92A8;
	s29 =	sadd.s32 $0x50, s23  }
0x105: {  	[hbm4b:s26+s3] =	stream.linear.scatter [tilespmem:s25], [sflag:$0x3], $0x80, $0x38;
	[tilespmem:$0xD400] =	vst v63  }
0x106: {  	s1 =	simm.s32 $0x93B8;
	s30 =	simm.s32 $0x9330;
	s31 =	sadd.s32 $0x60, s23  }
0x107: {  	[hbm4b:s29+s3] =	stream.linear.scatter [tilespmem:s28], [sflag:$0x3], $0x80, $0x38;
	[tilespmem:$0xD400] =	vst v63  }
0x108: {  	s24 =	simm.s32 $0x440;
	s26 =	simm.s32 $0x2200;
	s25 =	sadd.s32 $0x4000, s23  }
0x109: {  	[hbm4b:s31+s3] =	stream.linear.scatter [tilespmem:s30], [sflag:$0x3], $0x80, $0x38;
	[tilespmem:$0xD400] =	vst v63  }
.LBB2_16:
0x10a: {  	[hbm4b:s0+s3] =	stream.linear.scatter [tilespmem:s1], [sflag:$0x3], $0x80, $0x38;
	[tilespmem:$0xD400] =	vst v63  }
0x10b: {  	s0 =	smov.u32 s24;
	s1 =	smov.u32 s26  }
0x10c: {  	s11 =	sadd.s32 $0x1100, s26;
	s24 =	sshra.s32 s1, $0x2;
	s1 =	sadd.s32 $0x9000, s0  }
0x10d: {  	[hbm4b:s25+s3] =	stream.linear.scatter [tilespmem:s1], [sflag:$0x3], $0x80, $0x38;
	[tilespmem:$0xD400] =	vst v63  }
0x10e: {  	p0 =	sne.s32 s26, $0x7700;
	s26 =	sadd.s32 $0x10, s25;
	s1 =	sadd.s32 $0x9088, s0  }
0x10f: {  	[hbm4b:s26+s3] =	stream.linear.scatter [tilespmem:s1], [sflag:$0x3], $0x80, $0x38;
	[tilespmem:$0xD400] =	vst v63  }
0x110: {  	s1 =	sadd.s32 $0x9110, s0;
	s26 =	sadd.s32 $0x20, s25  }
0x111: {  	[hbm4b:s26+s3] =	stream.linear.scatter [tilespmem:s1], [sflag:$0x3], $0x80, $0x38;
	[tilespmem:$0xD400] =	vst v63  }
0x112: {  	s1 =	sadd.s32 $0x9198, s0;
	s26 =	sadd.s32 $0x30, s25  }
0x113: {  	[hbm4b:s26+s3] =	stream.linear.scatter [tilespmem:s1], [sflag:$0x3], $0x80, $0x38;
	[tilespmem:$0xD400] =	vst v63  }
0x114: {  	s1 =	sadd.s32 $0x9220, s0;
	s26 =	sadd.s32 $0x40, s25  }
0x115: {  	[hbm4b:s26+s3] =	stream.linear.scatter [tilespmem:s1], [sflag:$0x3], $0x80, $0x38;
	[tilespmem:$0xD400] =	vst v63  }
0x116: {  	s1 =	sadd.s32 $0x92A8, s0;
	s26 =	sadd.s32 $0x50, s25  }
0x117: {  	[hbm4b:s26+s3] =	stream.linear.scatter [tilespmem:s1], [sflag:$0x3], $0x80, $0x38;
	[tilespmem:$0xD400] =	vst v63  }
.Ltmp6:
0x118: {  	_ = 	snop;
	(pc) =	sbr.rel @p0 .LBB2_16-.Ltmp6, $4  }
0x119: {  	s1 =	sadd.s32 $0x9330, s0;
	s26 =	sadd.s32 $0x60, s25  }
0x11a: {  	[hbm4b:s26+s3] =	stream.linear.scatter [tilespmem:s1], [sflag:$0x3], $0x80, $0x38;
	[tilespmem:$0xD400] =	vst v63  }
0x11b: {  	s1 =	sadd.s32 $0x93B8, s0  }
0x11c: {  	s0 =	sadd.s32 $0x70, s25;
	s25 =	sadd.s32 $0x4000, s25;
	s26 =	smov.u32 s11  }
0x11d: {  	[hbm4b:s0+s3] =	stream.linear.scatter [tilespmem:s1], [sflag:$0x3], $0x80, $0x38;
	[tilespmem:$0xD400] =	vst v63  }
0x11e: {  	s29 =	sadd.s32 $0x9000, s24  }
0x11f: {  	[hbm4b:s25+s3] =	stream.linear.scatter [tilespmem:s29], [sflag:$0x3], $0x80, $0x38;
	[tilespmem:$0xD400] =	vst v63  }
0x120: {  	s30 =	sadd.s32 $0x9088, s24;
	s31 =	sadd.s32 $0x10, s25  }
0x121: {  	[hbm4b:s31+s3] =	stream.linear.scatter [tilespmem:s30], [sflag:$0x3], $0x80, $0x38;
	[tilespmem:$0xD400] =	vst v63  }
0x122: {  	s11 =	sadd.s32 $0x9110, s24;
	s26 =	sadd.s32 $0x20, s25  }
0x123: {  	[hbm4b:s26+s3] =	stream.linear.scatter [tilespmem:s11], [sflag:$0x3], $0x80, $0x38;
	[tilespmem:$0xD400] =	vst v63  }
0x124: {  	s28 =	sadd.s32 $0x9198, s24;
	s29 =	sadd.s32 $0x30, s25  }
0x125: {  	[hbm4b:s29+s3] =	stream.linear.scatter [tilespmem:s28], [sflag:$0x3], $0x80, $0x38;
	[tilespmem:$0xD400] =	vst v63  }
0x126: {  	s30 =	sadd.s32 $0x9220, s24;
	s31 =	sadd.s32 $0x40, s25  }
0x127: {  	[hbm4b:s31+s3] =	stream.linear.scatter [tilespmem:s30], [sflag:$0x3], $0x80, $0x38;
	[tilespmem:$0xD400] =	vst v63  }
0x128: {  	s11 =	sadd.s32 $0x92A8, s24;
	s26 =	sadd.s32 $0x50, s25  }
0x129: {  	[hbm4b:s26+s3] =	stream.linear.scatter [tilespmem:s11], [sflag:$0x3], $0x80, $0x38;
	[tilespmem:$0xD400] =	vst v63  }
0x12a: {  	s28 =	sadd.s32 $0x9330, s24;
	s29 =	sadd.s32 $0x60, s25  }
0x12b: {  	[hbm4b:s29+s3] =	stream.linear.scatter [tilespmem:s28], [sflag:$0x3], $0x80, $0x38;
	[tilespmem:$0xD400] =	vst v63  }
0x12c: {  	s30 =	sadd.s32 $0x93B8, s24;
	s31 =	sadd.s32 $0x70, s25  }
0x12d: {  	[hbm4b:s31+s3] =	stream.linear.scatter [tilespmem:s30], [sflag:$0x3], $0x80, $0x38;
	[tilespmem:$0xD400] =	vst v63  }
0x12e: {  	_ =	swait.ge [sflag:s20], $0x2000  }
0x12f: {  	[sflag:s20] =	ssyncset.done $0x0  }
0x130: {  	[sflag:s20] =	ssyncadd.s32 $0xFFFFE000  }
0x131: {  	v7 =	vld [tilespmem:$0x7000]  }
0x132: {  	v5 =	vimm.s32 $0x0;
	v14 =	vld [tilespmem:$0x7010]  }
0x133: {  	v10 =	vadd.s32 v0, v5;
	v9 =	vld [tilespmem:$0x7020]  }
0x134: {  	v12 =	vadd.s32 v1, v5;
	s24 =	simm.s32 $0x0;
	v4 =	vld [tilespmem:$0x7030]  }
0x135: {  	v13 =	vadd.s32 v2, v5;
	v8 =	vld [tilespmem:s24+$0x7040]  }
0x136: {  	v11 =	vadd.s32 v3, v5;
	s25 =	simm.s32 $0x100;
	v6 =	vld [tilespmem:s24+$0x7070]  }
.LBB2_18:
0x137: {  	p0 =	sne.s32 s25, $0x7E00;
	v15 =	vld [tilespmem:s24+$0x7060]  }
0x138: {  	v16 =	vld [tilespmem:s24+$0x7050];
	[tilespmem:v10+s17+$0x0] =	vst.idx.msk $0xffff, v7  }
.Ltmp7:
0x139: {  	v5 =	vadd.s32 $0x1, v5;
	[tilespmem:v12+s17+$0x0] =	vst.idx.msk $0xffff, v14;
	(pc) =	sbr.rel @p0 .LBB2_18-.Ltmp7, $4  }
0x13a: {  	v10 =	vadd.s32 v0, v5;
	[tilespmem:v13+s17+$0x0] =	vst.idx.msk $0xffff, v9;
	v7 =	vmov v8  }
0x13b: {  	s24 =	sshra.s32 s25, $0x2;
	v12 =	vadd.s32 v1, v5;
	[tilespmem:v11+s17+$0x0] =	vst.idx.msk $0xffff, v4;
	v4 =	vmov v6  }
0x13c: {  	v13 =	vadd.s32 v2, v5;
	v8 =	vld [tilespmem:s24+$0x7040];
	v9 =	vmov v15  }
0x13d: {  	s25 =	sadd.s32 $0x100, s25;
	v11 =	vadd.s32 v3, v5;
	v6 =	vld [tilespmem:s24+$0x7070];
	v14 =	vmov v16  }
0x13e: {  	_ =	sdelay $0x1  }
0x13f: {  	v5 =	vadd.s32 $0x1, v5  }
0x140: {  	v15 =	vld [tilespmem:s24+$0x7060];
	v17 =	vadd.s32 v0, v5  }
0x141: {  	v16 =	vld [tilespmem:s24+$0x7050];
	[tilespmem:v10+s17+$0x0] =	vst.idx.msk $0xffff, v7;
	v62 =	vadd.s32 v1, v5  }
0x142: {  	[tilespmem:v12+s17+$0x0] =	vst.idx.msk $0xffff, v14;
	v63 =	vadd.s32 v2, v5  }
0x143: {  	v5 =	vadd.s32 v3, v5;
	[tilespmem:v13+s17+$0x0] =	vst.idx.msk $0xffff, v9  }
0x144: {  	[tilespmem:v11+s17+$0x0] =	vst.idx.msk $0xffff, v4  }
0x145: {  	[tilespmem:v17+s17+$0x0] =	vst.idx.msk $0xffff, v8  }
0x146: {  	[tilespmem:v62+s17+$0x0] =	vst.idx.msk $0xffff, v16  }
0x147: {  	[tilespmem:v63+s17+$0x0] =	vst.idx.msk $0xffff, v15  }
0x148: {  	s11 =	sadd.s32 $0x80, s23;
	s0 =	simm.s32 $0xB200;
	[tilespmem:v5+s17+$0x0] =	vst.idx.msk $0xffff, v6  }
0x149: {  	[hbm4b:s11+s3] =	stream.linear.scatter [tilespmem:s0], [sflag:$0x4], $0x80, $0x38;
	[tilespmem:$0xD400] =	vst v63  }
0x14a: {  	s29 =	simm.s32 $0xB288;
	s1 =	sadd.s32 $0x10, s11  }
0x14b: {  	[hbm4b:s1+s3] =	stream.linear.scatter [tilespmem:s29], [sflag:$0x4], $0x80, $0x38;
	[tilespmem:$0xD400] =	vst v63  }
0x14c: {  	s30 =	simm.s32 $0xB310;
	s23 =	simm.s32 $0xB398;
	s31 =	sadd.s32 $0x20, s11  }
0x14d: {  	[hbm4b:s31+s3] =	stream.linear.scatter [tilespmem:s30], [sflag:$0x4], $0x80, $0x38;
	[tilespmem:$0xD400] =	vst v63  }
0x14e: {  	s25 =	simm.s32 $0xB420;
	s28 =	simm.s32 $0xB4A8;
	s24 =	sadd.s32 $0x30, s11  }
0x14f: {  	[hbm4b:s24+s3] =	stream.linear.scatter [tilespmem:s23], [sflag:$0x4], $0x80, $0x38;
	[tilespmem:$0xD400] =	vst v63  }
0x150: {  	s26 =	sadd.s32 $0x40, s11;
	s0 =	sadd.s32 $0x70, s11;
	s29 =	sadd.s32 $0x50, s11  }
0x151: {  	[hbm4b:s26+s3] =	stream.linear.scatter [tilespmem:s25], [sflag:$0x4], $0x80, $0x38;
	[tilespmem:$0xD400] =	vst v63  }
0x152: {  	s1 =	simm.s32 $0xB5B8;
	s30 =	simm.s32 $0xB530;
	s31 =	sadd.s32 $0x60, s11  }
0x153: {  	[hbm4b:s29+s3] =	stream.linear.scatter [tilespmem:s28], [sflag:$0x4], $0x80, $0x38;
	[tilespmem:$0xD400] =	vst v63  }
0x154: {  	s23 =	simm.s32 $0x440;
	s24 =	sadd.s32 $0x4000, s11;
	s25 =	simm.s32 $0x2200  }
0x155: {  	[hbm4b:s31+s3] =	stream.linear.scatter [tilespmem:s30], [sflag:$0x4], $0x80, $0x38;
	[tilespmem:$0xD400] =	vst v63  }
.LBB2_20:
0x156: {  	[hbm4b:s0+s3] =	stream.linear.scatter [tilespmem:s1], [sflag:$0x4], $0x80, $0x38;
	[tilespmem:$0xD400] =	vst v63  }
0x157: {  	s0 =	smov.u32 s23;
	s1 =	smov.u32 s25  }
0x158: {  	s11 =	sadd.s32 $0x1100, s25;
	s23 =	sshra.s32 s1, $0x2;
	s1 =	sadd.s32 $0xB200, s0  }
0x159: {  	[hbm4b:s24+s3] =	stream.linear.scatter [tilespmem:s1], [sflag:$0x4], $0x80, $0x38;
	[tilespmem:$0xD400] =	vst v63  }
0x15a: {  	p0 =	seq.s32 s25, $0x7700;
	s25 =	sadd.s32 $0x10, s24;
	s1 =	sadd.s32 $0xB288, s0  }
0x15b: {  	[hbm4b:s25+s3] =	stream.linear.scatter [tilespmem:s1], [sflag:$0x4], $0x80, $0x38;
	[tilespmem:$0xD400] =	vst v63  }
0x15c: {  	s1 =	sadd.s32 $0xB310, s0;
	s25 =	sadd.s32 $0x20, s24  }
0x15d: {  	[hbm4b:s25+s3] =	stream.linear.scatter [tilespmem:s1], [sflag:$0x4], $0x80, $0x38;
	[tilespmem:$0xD400] =	vst v63  }
0x15e: {  	s1 =	sadd.s32 $0xB398, s0;
	s25 =	sadd.s32 $0x30, s24  }
0x15f: {  	[hbm4b:s25+s3] =	stream.linear.scatter [tilespmem:s1], [sflag:$0x4], $0x80, $0x38;
	[tilespmem:$0xD400] =	vst v63  }
0x160: {  	s1 =	sadd.s32 $0xB420, s0;
	s25 =	sadd.s32 $0x40, s24  }
0x161: {  	[hbm4b:s25+s3] =	stream.linear.scatter [tilespmem:s1], [sflag:$0x4], $0x80, $0x38;
	[tilespmem:$0xD400] =	vst v63  }
0x162: {  	s1 =	sadd.s32 $0xB4A8, s0;
	s25 =	sadd.s32 $0x50, s24  }
0x163: {  	[hbm4b:s25+s3] =	stream.linear.scatter [tilespmem:s1], [sflag:$0x4], $0x80, $0x38;
	[tilespmem:$0xD400] =	vst v63  }
.Ltmp8:
0x164: {  	_ = 	snop;
	(pc) =	sbr.rel @!p0 .LBB2_20-.Ltmp8, $4  }
0x165: {  	s1 =	sadd.s32 $0xB530, s0;
	s25 =	sadd.s32 $0x60, s24  }
0x166: {  	[hbm4b:s25+s3] =	stream.linear.scatter [tilespmem:s1], [sflag:$0x4], $0x80, $0x38;
	[tilespmem:$0xD400] =	vst v63  }
0x167: {  	s1 =	sadd.s32 $0xB5B8, s0  }
0x168: {  	s0 =	sadd.s32 $0x70, s24;
	s24 =	sadd.s32 $0x4000, s24;
	s25 =	smov.u32 s11  }
0x169: {  	[hbm4b:s0+s3] =	stream.linear.scatter [tilespmem:s1], [sflag:$0x4], $0x80, $0x38;
	[tilespmem:$0xD400] =	vst v63  }
0x16a: {  	s11 =	sadd.s32 $0xB200, s23  }
0x16b: {  	[hbm4b:s24+s3] =	stream.linear.scatter [tilespmem:s11], [sflag:$0x4], $0x80, $0x38;
	[tilespmem:$0xD400] =	vst v63  }
0x16c: {  	s25 =	sadd.s32 $0xB288, s23;
	s26 =	sadd.s32 $0x10, s24  }
0x16d: {  	[hbm4b:s26+s3] =	stream.linear.scatter [tilespmem:s25], [sflag:$0x4], $0x80, $0x38;
	[tilespmem:$0xD400] =	vst v63  }
0x16e: {  	s28 =	sadd.s32 $0xB310, s23;
	s29 =	sadd.s32 $0x20, s24  }
0x16f: {  	[hbm4b:s29+s3] =	stream.linear.scatter [tilespmem:s28], [sflag:$0x4], $0x80, $0x38;
	[tilespmem:$0xD400] =	vst v63  }
0x170: {  	s30 =	sadd.s32 $0xB398, s23;
	s31 =	sadd.s32 $0x30, s24  }
0x171: {  	[hbm4b:s31+s3] =	stream.linear.scatter [tilespmem:s30], [sflag:$0x4], $0x80, $0x38;
	[tilespmem:$0xD400] =	vst v63  }
0x172: {  	s1 =	sadd.s32 $0xB420, s23;
	s11 =	sadd.s32 $0x40, s24  }
0x173: {  	[hbm4b:s11+s3] =	stream.linear.scatter [tilespmem:s1], [sflag:$0x4], $0x80, $0x38;
	[tilespmem:$0xD400] =	vst v63  }
0x174: {  	s25 =	sadd.s32 $0xB4A8, s23;
	s26 =	sadd.s32 $0x50, s24  }
0x175: {  	[hbm4b:s26+s3] =	stream.linear.scatter [tilespmem:s25], [sflag:$0x4], $0x80, $0x38;
	[tilespmem:$0xD400] =	vst v63  }
0x176: {  	s28 =	sadd.s32 $0xB530, s23;
	s29 =	sadd.s32 $0x60, s24  }
0x177: {  	[hbm4b:s29+s3] =	stream.linear.scatter [tilespmem:s28], [sflag:$0x4], $0x80, $0x38;
	[tilespmem:$0xD400] =	vst v63  }
0x178: {  	s30 =	sadd.s32 $0xB5B8, s23;
	s31 =	sadd.s32 $0x70, s24  }
0x179: {  	[hbm4b:s31+s3] =	stream.linear.scatter [tilespmem:s30], [sflag:$0x4], $0x80, $0x38;
	[tilespmem:$0xD400] =	vst v63  }
0x17a: {  	s22 =	sadd.s32 $0x1, s22  }
0x17b: {  	p0 =	seq.s32 s22, $0xC8  }
.Ltmp9:
0x17c: {  	_ = 	snop;
	(pc) =	sbr.rel @!p0 .LBB2_3-.Ltmp9, $1  }
0x17d: {  	_ =	sdelay $0x3  }
0x17e: {  	s21 =	sadd.s32 $0x1, s21  }
0x17f: {  	_ =	swait.ge [sflag:s19], $0x2000;
	p0 =	sne.s32 s21, s8  }
.Ltmp10:
0x180: {  	[sflag:s19] =	ssyncset.done $0x0;
	(pc) =	sbr.rel @p0 .LBB2_1-.Ltmp10, $4  }
0x181: {  	[sflag:s19] =	ssyncadd.s32 $0xFFFFE000  }
0x182: {  	_ =	swait.ge [sflag:s20], $0x2000  }
0x183: {  	[sflag:s20] =	ssyncset.done $0x0  }
0x184: {  	[sflag:s20] =	ssyncadd.s32 $0xFFFFE000  }
0x185: {  	_ =	sfence.sel $0x180000  }
0x186: {  	[bflag:$0x0] =	sbarrier.arrive $0xFFFF  }
0x187: {  	_ =	strace $0x90000047  }
0x188: {  	s0 =	stileid.u32;
	[bflag:$0x2] =	sbarrier.arrive $0xFFFF  }
0x189: {  	p0 =	sne.s32 s0, $0x0;
	s0 =	rddreg [dreg:$0x2]  }
0x18a: {  	s0 =	sadd.s32 @!p0 $0x100000, s0  }
0x18b: {  	[sflag:s0] =	ssyncadd.tile.s32 @!p0 $0x1;
	_ =	shalt  }
.Lfunc_end2:
_tile_overlayer_lowered:
.L_overlay_start_2:
0x18c: {  	(tag) =	ssettag $0x2  }
0x18d: {  	s0 =	rddreg [dreg:$0x0];
	s2 =	stileid.u32  }
0x18e: {  	s1 =	rddreg [dreg:$0x1];
	p0 =	sne.s32 s2, $0x0  }
0x18f: {  	s3 =	rddreg [dreg:$0x2];
	[bflag:$0x3] =	sbarrier.arrive $0xFFFF;
	s2 =	simm.s32 @!p0 $0x1C07  }
0x190: {  	[timem:s3], [sflag:s2] =	dma.local @!p0 [hbm:s0], s1  }
0x191: {  	s0 =	simm.s32 @!p0 $0x7  }
0x192: {  	_ =	swait.ge @!p0 [sflag:s0], s1  }
0x193: {  	s1 =	ssub.s32 @!p0 $0x0, s1;
	[sflag:s0] =	ssyncset.done @!p0 $0x0  }
0x194: {  	[sflag:s0] =	ssyncadd.s32 @!p0 s1  }
0x195: {  	[bflag:$0x3] =	sbarrier.arrive $0xFFFF  }
0x196: {  	_ =	shalt  }

</sc_bundles>
